<compile_context>
chip_gen: v7x
topology: tpu7x:2x2x1
jax: 0.10.2.dev20260603
libtpu: 0.0.44.dev20260713+nightly
codegen_flags: <defaults>
</compile_context>

<pallas_src>
import jax
import jax.numpy as jnp
from jax import lax
from jax.experimental import pallas as pl
from jax.experimental.pallas import tpu as pltpu
from jax.experimental.pallas import tpu_sc as plsc

N = 50000
M = 800000
C = 6250
EMB = 200
F = 64
H = 256
M2 = 802816
NPAD = 53248
CPAD = 6400
FP = 128
TE = 784
TN = 416
TCB = 256
NW = 32
NWIN = NPAD // 2

_f32 = jnp.float32
_i32 = jnp.int32
_mesh = plsc.VectorSubcoreMesh(core_axis_name="c", subcore_axis_name="s")


def _silu(x):
    return x * jax.nn.sigmoid(x)


def _embed_body(ef_ref, w_ref, W_ref, b_ref, out_ref):
    y = jnp.dot(ef_ref[...], W_ref[...], preferred_element_type=_f32) + b_ref[...]
    out_ref[...] = jnp.concatenate(
        [y, w_ref[...], jnp.zeros((TN, FP - F), _f32)], axis=1)


def _embed(ef_p, ew_p, emb_W, emb_b):
    return pl.pallas_call(
        _embed_body,
        grid=(NPAD // TN,),
        in_specs=[
            pl.BlockSpec((TN, EMB), lambda i: (i, 0)),
            pl.BlockSpec((TN, 1), lambda i: (i, 0)),
            pl.BlockSpec((EMB, F - 1), lambda i: (0, 0)),
            pl.BlockSpec((1, F - 1), lambda i: (0, 0)),
        ],
        out_specs=pl.BlockSpec((TN, FP), lambda i: (i, 0)),
        out_shape=jax.ShapeDtypeStruct((NPAD, FP), _f32),
    )(ef_p, ew_p, emb_W, emb_b.reshape(1, -1))


def _gather_body(fea_hbm, sidx_hbm, nidx_hbm, s_out, n_out,
                 idx_v, rows_v, sem):
    cid = lax.axis_index("c")
    sid = lax.axis_index("s")
    wid = sid * 2 + cid
    base = wid * (M2 // NW)

    def chunk(idx_hbm, out_hbm, off):
        pltpu.sync_copy(idx_hbm.at[pl.ds(off, 128)], idx_v)
        pltpu.async_copy(fea_hbm.at[idx_v], rows_v, sem).wait()
        pltpu.sync_copy(rows_v, out_hbm.at[pl.ds(off, 128)])

    def body(j, carry):
        off = base + j * 128
        chunk(sidx_hbm, s_out, off)
        chunk(nidx_hbm, n_out, off)
        return carry

    lax.fori_loop(0, 196, body, 0)


_gather = pl.kernel(
    _gather_body,
    out_type=(jax.ShapeDtypeStruct((M2, FP), _f32),
              jax.ShapeDtypeStruct((M2, FP), _f32)),
    mesh=_mesh,
    scratch_types=[
        pltpu.VMEM((128,), _i32), pltpu.VMEM((128, FP), _f32),
        pltpu.SemaphoreType.DMA,
    ],
)


def _heads(hid, wn, gW2, gb2, mW2, mb2, rows):
    outs = [None] * 7
    ge_cols = []
    for h in range(3):
        hg = hid[:, h * H:(h + 1) * H]
        g = jnp.dot(hg, gW2[h * H:(h + 1) * H, :],
                    preferred_element_type=_f32) + gb2[0, h]
        ge = wn * jnp.exp(g)
        hm = hid[:, 3 * H + h * H: 3 * H + (h + 1) * H]
        m = jnp.dot(hm, mW2[h * H:(h + 1) * H, :],
                    preferred_element_type=_f32) + mb2[h]
        wm = ge * m
        outs[2 * h] = wm[:, :32]
        outs[2 * h + 1] = wm[:, 32:]
        ge_cols.append(ge)
    outs[6] = jnp.concatenate(ge_cols + [jnp.zeros((rows, 29), _f32)], axis=1)
    return outs


def _edge_mlp_first_body(s_ref, n_ref, W1_ref, b1_ref, gW2_ref, gb2_ref,
                         mW2_ref, mb2_ref, out_ref, wn_out_ref):
    s = s_ref[...][:, :F]
    n = n_ref[...][:, :F]
    wn = n[:, F - 1:F]
    W1 = W1_ref[...]
    hid = _silu(jnp.dot(s, W1[:F], preferred_element_type=_f32)
                + jnp.dot(n, W1[F:], preferred_element_type=_f32)
                + b1_ref[...])
    outs = _heads(hid, wn, gW2_ref[...], gb2_ref[...], mW2_ref[...],
                  mb2_ref[...], TE)
    for c in range(7):
        out_ref[c] = outs[c]
    wn_out_ref[...] = jnp.concatenate([wn, jnp.zeros((TE, 7), _f32)], axis=1)


def _edge_mlp_body(s_ref, n_ref, wn_ref, W1_ref, b1_ref, gW2_ref, gb2_ref,
                   mW2_ref, mb2_ref, out_ref):
    s = s_ref[...][:, :F]
    n = n_ref[...][:, :F]
    wn = wn_ref[...][:, :1]
    W1 = W1_ref[...]
    hid = _silu(jnp.dot(s, W1[:F], preferred_element_type=_f32)
                + jnp.dot(n, W1[F:], preferred_element_type=_f32)
                + b1_ref[...])
    outs = _heads(hid, wn, gW2_ref[...], gb2_ref[...], mW2_ref[...],
                  mb2_ref[...], TE)
    for c in range(7):
        out_ref[c] = outs[c]


def _w_specs(k):
    return [
        pl.BlockSpec((k, 6 * H), lambda i: (0, 0)),
        pl.BlockSpec((1, 6 * H), lambda i: (0, 0)),
        pl.BlockSpec((3 * H, 1), lambda i: (0, 0)),
        pl.BlockSpec((1, 3), lambda i: (0, 0)),
        pl.BlockSpec((3 * H, F), lambda i: (0, 0)),
        pl.BlockSpec((3, F), lambda i: (0, 0)),
    ]


def _edge_mlp_first(S, Nb, W1L, b1L, gW2, gb2, mW2, mb2):
    return pl.pallas_call(
        _edge_mlp_first_body,
        grid=(M2 // TE,),
        in_specs=[pl.BlockSpec((TE, FP), lambda i: (i, 0)),
                  pl.BlockSpec((TE, FP), lambda i: (i, 0))] + _w_specs(2 * F),
        out_specs=[pl.BlockSpec((7, TE, 32), lambda i: (0, i, 0)),
                   pl.BlockSpec((TE, 8), lambda i: (i, 0))],
        out_shape=[jax.ShapeDtypeStruct((7, M2, 32), _f32),
                   jax.ShapeDtypeStruct((M2, 8), _f32)],
    )(S, Nb, W1L, b1L, gW2, gb2, mW2, mb2)


def _edge_mlp(S, Nb, wn, W1L, b1L, gW2, gb2, mW2, mb2):
    return pl.pallas_call(
        _edge_mlp_body,
        grid=(M2 // TE,),
        in_specs=[pl.BlockSpec((TE, FP), lambda i: (i, 0)),
                  pl.BlockSpec((TE, FP), lambda i: (i, 0)),
                  pl.BlockSpec((TE, 8), lambda i: (i, 0))] + _w_specs(2 * F),
        out_specs=pl.BlockSpec((7, TE, 32), lambda i: (0, i, 0)),
        out_shape=jax.ShapeDtypeStruct((7, M2, 32), _f32),
    )(S, Nb, wn, W1L, b1L, gW2, gb2, mW2, mb2)


def _node_mlp_body(x_ref, wn_ref, W1_ref, b1_ref, gW2_ref, gb2_ref,
                   mW2_ref, mb2_ref, out_ref):
    x = x_ref[...][:, :F]
    wn = wn_ref[...]
    hid = _silu(jnp.dot(x, W1_ref[...], preferred_element_type=_f32)
                + b1_ref[...])
    outs = _heads(hid, wn, gW2_ref[...], gb2_ref[...], mW2_ref[...],
                  mb2_ref[...], TN)
    for c in range(7):
        out_ref[c] = outs[c]


def _node_mlp(fea, ew_p, W1c, b1c, gW2c, gb2c, mW2c, mb2c):
    return pl.pallas_call(
        _node_mlp_body,
        grid=(NPAD // TN,),
        in_specs=[pl.BlockSpec((TN, FP), lambda i: (i, 0)),
                  pl.BlockSpec((TN, 1), lambda i: (i, 0))] + _w_specs(F),
        out_specs=pl.BlockSpec((7, TN, 32), lambda i: (0, i, 0)),
        out_shape=jax.ShapeDtypeStruct((7, NPAD, 32), _f32),
    )(fea, ew_p, W1c, b1c, gW2c, gb2c, mW2c, mb2c)


def _update_body(fea_ref, sc_ref, out_ref):
    ss = sc_ref[...]
    den = ss[6]
    acc = jnp.zeros((TN, F), _f32)
    for h in range(3):
        num = jnp.concatenate([ss[2 * h], ss[2 * h + 1]], axis=1)
        acc = acc + num / (den[:, h:h + 1] + 1e-10)
    out_ref[...] = jnp.concatenate(
        [fea_ref[...][:, :F] + acc * (1.0 / 3.0),
         jnp.zeros((TN, FP - F), _f32)], axis=1)


def _update(fea, sc):
    return pl.pallas_call(
        _update_body,
        grid=(NPAD // TN,),
        in_specs=[pl.BlockSpec((TN, FP), lambda i: (i, 0)),
                  pl.BlockSpec((7, TN, 32), lambda i: (0, i, 0))],
        out_specs=pl.BlockSpec((TN, FP), lambda i: (i, 0)),
        out_shape=jax.ShapeDtypeStruct((NPAD, FP), _f32),
    )(fea, sc)


def _final_body(sc_ref, out_ref):
    s = sc_ref[...]
    ss = s[0] + s[1]
    den = ss[6]
    acc = jnp.zeros((TCB, F), _f32)
    for h in range(3):
        num = jnp.concatenate([ss[2 * h], ss[2 * h + 1]], axis=1)
        acc = acc + num / (den[:, h:h + 1] + 1e-10)
    out_ref[...] = acc * (1.0 / 3.0)


def _final(scc):
    return pl.pallas_call(
        _final_body,
        grid=(CPAD // TCB,),
        in_specs=[pl.BlockSpec((2, 7, TCB, 32), lambda i: (0, 0, i, 0))],
        out_specs=pl.BlockSpec((TCB, F), lambda i: (i, 0)),
        out_shape=jax.ShapeDtypeStruct((C, F), _f32),
    )(scc)


def kernel(elem_weights, elem_fea, self_fea_idx, nbr_fea_idx, cry_elem_idx,
           emb_W, emb_b, mg_W1, mg_b1, mg_W2, mg_b2, mm_W1, mm_b1, mm_W2,
           mm_b2, cg_W1, cg_b1, cg_W2, cg_b2, cm_W1, cm_b1, cm_W2, cm_b2):
    ef_p = jnp.pad(elem_fea, ((0, NPAD - N), (0, 0)))
    ew_p = jnp.pad(elem_weights, ((0, NPAD - N), (0, 0)))
    cry_p = jnp.pad(cry_elem_idx, (0, NPAD - N), constant_values=C)
    sidx_g = jnp.pad(self_fea_idx, (0, M2 - M))
    nidx_g = jnp.pad(nbr_fea_idx, (0, M2 - M))
    sidx_s = jnp.pad(self_fea_idx, (0, M2 - M), constant_values=NPAD)

    fea = _embed(ef_p, ew_p, emb_W, emb_b)
    wn = None
    for g in range(3):
        ii = [g * 3 + h for h in range(3)]
        W1L = jnp.concatenate([mg_W1[i] for i in ii]
                              + [mm_W1[i] for i in ii], axis=1)
        b1L = jnp.concatenate([mg_b1[i] for i in ii]
                              + [mm_b1[i] for i in ii]).reshape(1, -1)
        gW2 = jnp.concatenate([mg_W2[i] for i in ii], axis=0)
        gb2 = jnp.stack([mg_b2[i][0] for i in ii]).reshape(1, 3)
        mW2 = jnp.concatenate([mm_W2[i] for i in ii], axis=0)
        mb2 = jnp.stack([mm_b2[i] for i in ii])
        S, Nb = _gather(fea, sidx_g, nidx_g)
        if g == 0:
            scat_in, wn = _edge_mlp_first(S, Nb, W1L, b1L, gW2, gb2, mW2, mb2)
        else:
            scat_in = _edge_mlp(S, Nb, wn, W1L, b1L, gW2, gb2, mW2, mb2)
        sc = jax.ops.segment_sum(
            jnp.moveaxis(scat_in, 0, 1), sidx_s, num_segments=NPAD + 16
        )[:NPAD]
        sc = jnp.moveaxis(sc, 1, 0)
        fea = _update(fea, sc)

    W1c = jnp.concatenate([cg_W1[h] for h in range(3)]
                          + [cm_W1[h] for h in range(3)], axis=1)
    b1c = jnp.concatenate([cg_b1[h] for h in range(3)]
                          + [cm_b1[h] for h in range(3)]).reshape(1, -1)
    gW2c = jnp.concatenate([cg_W2[h] for h in range(3)], axis=0)
    gb2c = jnp.stack([cg_b2[h][0] for h in range(3)]).reshape(1, 3)
    mW2c = jnp.concatenate([cm_W2[h] for h in range(3)], axis=0)
    mb2c = jnp.stack([cm_b2[h] for h in range(3)])
    scat_c = _node_mlp(fea, ew_p, W1c, b1c, gW2c, gb2c, mW2c, mb2c)
    sccs = jax.ops.segment_sum(
        jnp.moveaxis(scat_c, 0, 1), cry_p, num_segments=CPAD)
    sccs = jnp.moveaxis(sccs, 1, 0)
    scc = jnp.stack([sccs, jnp.zeros_like(sccs)])
    return _final(scc)

# --- scband reference (transcript-rebuilt; emitter-appended) ---
"""Pipeline reference for scband-memfnet-26207890440587 (READ-ONLY COPY).

The authoritative reference and input builder live on the scoring server;
editing this copy changes nothing except your own understanding.
"""

import jax, jax.numpy as jnp
import numpy as np

N = 50000
M = 800000
C = 6250
EMB = 200
F = 64
H = 256
N_GRAPH = 3
ELEM_HEADS = 3
CRY_HEADS = 3
WEIGHT_POW = 1.0


def setup_inputs(seed: int = 0) -> dict:
    key = jax.random.key(seed)
    ks = jax.random.split(key, 20)
    s = 0.05
    nh = N_GRAPH * ELEM_HEADS
    return {
        "elem_weights": jax.random.uniform(ks[0], (N, 1), dtype=jnp.float32),
        "elem_fea": jax.random.normal(ks[1], (N, EMB), dtype=jnp.float32),
        "self_fea_idx": jnp.sort(jax.random.randint(ks[2], (M,), 0, N, dtype=jnp.int32)),
        "nbr_fea_idx": jax.random.randint(ks[3], (M,), 0, N, dtype=jnp.int32),
        "cry_elem_idx": jnp.sort(jax.random.randint(ks[4], (N,), 0, C, dtype=jnp.int32)),
        "emb_W": jax.random.normal(ks[5], (EMB, F - 1), dtype=jnp.float32) * s,
        "emb_b": jnp.zeros((F - 1,), dtype=jnp.float32),
        "mg_W1": jax.random.normal(ks[6], (nh, 2 * F, H), dtype=jnp.float32) * s,
        "mg_b1": jnp.zeros((nh, H), dtype=jnp.float32),
        "mg_W2": jax.random.normal(ks[7], (nh, H, 1), dtype=jnp.float32) * s,
        "mg_b2": jnp.zeros((nh, 1), dtype=jnp.float32),
        "mm_W1": jax.random.normal(ks[8], (nh, 2 * F, H), dtype=jnp.float32) * s,
        "mm_b1": jnp.zeros((nh, H), dtype=jnp.float32),
        "mm_W2": jax.random.normal(ks[9], (nh, H, F), dtype=jnp.float32) * s,
        "mm_b2": jnp.zeros((nh, F), dtype=jnp.float32),
        "cg_W1": jax.random.normal(ks[10], (CRY_HEADS, F, H), dtype=jnp.float32) * s,
        "cg_b1": jnp.zeros((CRY_HEADS, H), dtype=jnp.float32),
        "cg_W2": jax.random.normal(ks[11], (CRY_HEADS, H, 1), dtype=jnp.float32) * s,
        "cg_b2": jnp.zeros((CRY_HEADS, 1), dtype=jnp.float32),
        "cm_W1": jax.random.normal(ks[12], (CRY_HEADS, F, H), dtype=jnp.float32) * s,
        "cm_b1": jnp.zeros((CRY_HEADS, H), dtype=jnp.float32),
        "cm_W2": jax.random.normal(ks[13], (CRY_HEADS, H, F), dtype=jnp.float32) * s,
        "cm_b2": jnp.zeros((CRY_HEADS, F), dtype=jnp.float32),
    }


def _silu(x):
    return x * jax.nn.sigmoid(x)


def _simple_net(x, W1, b1, W2, b2):
    # SimpleNetwork: Linear -> SiLU -> Linear (hidden=[256], batchnorm=False)
    return _silu(x @ W1 + b1) @ W2 + b2


def _wap(x, index, weights, gW1, gb1, gW2, gb2, mW1, mb1, mW2, mb2, num_segments):
    # WeightedAttentionPooling: scatter-softmax gate weighted by elem weights ** pow
    gate = _simple_net(x, gW1, gb1, gW2, gb2)  # [K, 1]
    gmax = jax.ops.segment_max(gate, index, num_segments=num_segments)
    gate = gate - gmax[index]
    gate = (weights ** WEIGHT_POW) * jnp.exp(gate)
    gsum = jax.ops.segment_sum(gate, index, num_segments=num_segments)
    gate = gate / (gsum[index] + 1e-10)
    msg = _simple_net(x, mW1, mb1, mW2, mb2)
    return jax.ops.segment_sum(gate * msg, index, num_segments=num_segments)


def reference(elem_weights, elem_fea, self_fea_idx, nbr_fea_idx, cry_elem_idx,
              emb_W, emb_b, mg_W1, mg_b1, mg_W2, mg_b2, mm_W1, mm_b1, mm_W2, mm_b2,
              cg_W1, cg_b1, cg_W2, cg_b2, cm_W1, cm_b1, cm_W2, cm_b2):
    # DescriptorNetwork.forward
    fea = elem_fea @ emb_W + emb_b                     # [N, F-1]
    fea = jnp.concatenate([fea, elem_weights], axis=1)  # [N, F]
    for g in range(N_GRAPH):
        # MessageLayer: gather self/neighbor features over M edges
        nbr_w = elem_weights[nbr_fea_idx]                               # [M, 1]
        pair = jnp.concatenate([fea[self_fea_idx], fea[nbr_fea_idx]], axis=1)  # [M, 2F]
        heads = []
        for h in range(ELEM_HEADS):
            i = g * ELEM_HEADS + h
            heads.append(_wap(pair, self_fea_idx, nbr_w,
                              mg_W1[i], mg_b1[i], mg_W2[i], mg_b2[i],
                              mm_W1[i], mm_b1[i], mm_W2[i], mm_b2[i], N))
        fea = jnp.mean(jnp.stack(heads), axis=0) + fea  # residual
    # crystal-level weighted attention pooling
    heads = []
    for h in range(CRY_HEADS):
        heads.append(_wap(fea, cry_elem_idx, elem_weights,
                          cg_W1[h], cg_b1[h], cg_W2[h], cg_b2[h],
                          cm_W1[h], cm_b1[h], cm_W2[h], cm_b2[h], C))
    cry_fea = jnp.mean(jnp.stack(heads), axis=0)  # [C, F]
    return cry_fea

if __name__ == "__main__":
    import jax
    _d = setup_inputs()
    print(jax.jit(kernel)(*tuple(_d.values())))

</pallas_src>

<mosaic_0001>
#map = affine_map<(d0, d1) -> (0, 0)>
#map1 = affine_map<(d0, d1) -> (0)>
module attributes {stable_mosaic.version = 14 : i64} {
  func.func @_gather_body(%arg0: i32, %arg1: i32, %arg2: memref<53248x128xf32, #tpu.memory_space<hbm>>, %arg3: memref<802816xi32, #tpu.memory_space<hbm>>, %arg4: memref<802816xi32, #tpu.memory_space<hbm>>, %arg5: memref<802816x128xf32, #tpu.memory_space<hbm>>, %arg6: memref<802816x128xf32, #tpu.memory_space<hbm>>, %arg7: memref<128xi32, #tpu.memory_space<vmem>>, %arg8: memref<128x128xf32, #tpu.memory_space<vmem>>, %arg9: memref<!tpu.dma_semaphore, #tpu.memory_space<semaphore_mem>>) attributes {dimension_semantics = [#tpu.dimension_semantics<core_parallel>, #tpu.dimension_semantics<subcore_parallel>], iteration_bounds = array<i64: 2, 16>, scalar_prefetch = 0 : i64, scratch_operands = 3 : i64, tpu.core_type = #tpu.core_type<sc_vector_subcore>, window_params = [{transform_indices = #map}, {transform_indices = #map1}, {transform_indices = #map1}, {transform_indices = #map}, {transform_indices = #map}]} {
    %mul3A = arith.constant 2 : i32
    %mul3A_0 = arith.muli %arg1, %mul3A : i32
    %add3A = arith.addi %mul3A_0, %arg0 : i32
    %mul3A_1 = arith.constant 25088 : i32
    %mul3A_2 = arith.muli %add3A, %mul3A_1 : i32
    %scan3A = arith.constant 0 : i32
    %scan3A_3 = arith.constant 0 : i32
    %scan3A_4 = arith.constant 196 : i32
    %scan3A_5 = arith.addi %scan3A_3, %scan3A_4 : i32
    %scan3A_6 = arith.constant 1 : i32
    scf.for %scan3A_8 = %scan3A_3 to %scan3A_5 step %scan3A_6  : i32 {
      %mul3A_9 = arith.constant 128 : i32
      %mul3A_10 = arith.muli %scan3A_8, %mul3A_9 : i32
      %add3A_11 = arith.addi %mul3A_2, %mul3A_10 : i32
      "tpu.region"() ({
        %run_scoped3A = tpu.sem_alloc : memref<!tpu.dma_semaphore, #tpu.memory_space<semaphore_mem>>
        %dma_start3A_22 = tpu.memref_slice %arg3[%add3A_11] : memref<802816xi32, #tpu.memory_space<hbm>> -> memref<128xi32, #tpu.memory_space<hbm>>
        %dma_start3A_23 = tpu.memref_slice %arg3[%add3A_11] : memref<802816xi32, #tpu.memory_space<hbm>> -> memref<128xi32, #tpu.memory_space<hbm>>
        tpu.enqueue_dma source(%dma_start3A_23 : memref<128xi32, #tpu.memory_space<hbm>>) target(%arg7 : memref<128xi32, #tpu.memory_space<vmem>>) target_semaphore(%run_scoped3A : memref<!tpu.dma_semaphore, #tpu.memory_space<semaphore_mem>>)
        %dma_wait3A_24 = tpu.memref_slice %arg3[%add3A_11] : memref<802816xi32, #tpu.memory_space<hbm>> -> memref<128xi32, #tpu.memory_space<hbm>>
        %dma_wait3A_25 = tpu.memref_slice %arg3[%add3A_11] : memref<802816xi32, #tpu.memory_space<hbm>> -> memref<128xi32, #tpu.memory_space<hbm>>
        tpu.wait_dma2 semaphore(%run_scoped3A : memref<!tpu.dma_semaphore, #tpu.memory_space<semaphore_mem>>) src(%dma_wait3A_25 : memref<128xi32, #tpu.memory_space<hbm>>) dst(%arg7 : memref<128xi32, #tpu.memory_space<vmem>>)
        tpu.yield
      }) : () -> ()
      %dma_start3A = arith.constant 0 : i32
      %dma_start3A_12 = arith.constant 0 : i32
      %dma_start3A_13 = tpu.memref_slice %arg2[%dma_start3A, %dma_start3A_12] : memref<53248x128xf32, #tpu.memory_space<hbm>> -> memref<53248x128xf32, #tpu.memory_space<hbm>>
      tpu.enqueue_indirect_dma source(%dma_start3A_13 : memref<53248x128xf32, #tpu.memory_space<hbm>>) target(%arg8 : memref<128x128xf32, #tpu.memory_space<vmem>>) offsets(%arg7 : memref<128xi32, #tpu.memory_space<vmem>>) semaphore(%arg9 : memref<!tpu.dma_semaphore, #tpu.memory_space<semaphore_mem>>)
      %dma_wait3A = arith.constant 0 : i32
      %dma_wait3A_14 = arith.constant 0 : i32
      %dma_wait3A_15 = tpu.memref_slice %arg2[%dma_wait3A, %dma_wait3A_14] : memref<53248x128xf32, #tpu.memory_space<hbm>> -> memref<53248x128xf32, #tpu.memory_space<hbm>>
      tpu.wait_indirect_dma semaphore(%arg9 : memref<!tpu.dma_semaphore, #tpu.memory_space<semaphore_mem>>) src(%dma_wait3A_15 : memref<53248x128xf32, #tpu.memory_space<hbm>>) dst(%arg8 : memref<128x128xf32, #tpu.memory_space<vmem>>)
      "tpu.region"() ({
        %run_scoped3A = tpu.sem_alloc : memref<!tpu.dma_semaphore, #tpu.memory_space<semaphore_mem>>
        %dma_start3A_22 = arith.constant 0 : i32
        %dma_start3A_23 = tpu.memref_slice %arg5[%add3A_11, %dma_start3A_22] : memref<802816x128xf32, #tpu.memory_space<hbm>> -> memref<128x128xf32, #tpu.memory_space<hbm>>
        %dma_start3A_24 = arith.constant 0 : i32
        %dma_start3A_25 = tpu.memref_slice %arg5[%add3A_11, %dma_start3A_24] : memref<802816x128xf32, #tpu.memory_space<hbm>> -> memref<128x128xf32, #tpu.memory_space<hbm>>
        tpu.enqueue_dma source(%arg8 : memref<128x128xf32, #tpu.memory_space<vmem>>) target(%dma_start3A_25 : memref<128x128xf32, #tpu.memory_space<hbm>>) target_semaphore(%run_scoped3A : memref<!tpu.dma_semaphore, #tpu.memory_space<semaphore_mem>>)
        %dma_wait3A_26 = arith.constant 0 : i32
        %dma_wait3A_27 = tpu.memref_slice %arg5[%add3A_11, %dma_wait3A_26] : memref<802816x128xf32, #tpu.memory_space<hbm>> -> memref<128x128xf32, #tpu.memory_space<hbm>>
        %dma_wait3A_28 = arith.constant 0 : i32
        %dma_wait3A_29 = tpu.memref_slice %arg5[%add3A_11, %dma_wait3A_28] : memref<802816x128xf32, #tpu.memory_space<hbm>> -> memref<128x128xf32, #tpu.memory_space<hbm>>
        tpu.wait_dma2 semaphore(%run_scoped3A : memref<!tpu.dma_semaphore, #tpu.memory_space<semaphore_mem>>) src(%arg8 : memref<128x128xf32, #tpu.memory_space<vmem>>) dst(%dma_wait3A_29 : memref<128x128xf32, #tpu.memory_space<hbm>>)
        tpu.yield
      }) : () -> ()
      "tpu.region"() ({
        %run_scoped3A = tpu.sem_alloc : memref<!tpu.dma_semaphore, #tpu.memory_space<semaphore_mem>>
        %dma_start3A_22 = tpu.memref_slice %arg4[%add3A_11] : memref<802816xi32, #tpu.memory_space<hbm>> -> memref<128xi32, #tpu.memory_space<hbm>>
        %dma_start3A_23 = tpu.memref_slice %arg4[%add3A_11] : memref<802816xi32, #tpu.memory_space<hbm>> -> memref<128xi32, #tpu.memory_space<hbm>>
        tpu.enqueue_dma source(%dma_start3A_23 : memref<128xi32, #tpu.memory_space<hbm>>) target(%arg7 : memref<128xi32, #tpu.memory_space<vmem>>) target_semaphore(%run_scoped3A : memref<!tpu.dma_semaphore, #tpu.memory_space<semaphore_mem>>)
        %dma_wait3A_24 = tpu.memref_slice %arg4[%add3A_11] : memref<802816xi32, #tpu.memory_space<hbm>> -> memref<128xi32, #tpu.memory_space<hbm>>
        %dma_wait3A_25 = tpu.memref_slice %arg4[%add3A_11] : memref<802816xi32, #tpu.memory_space<hbm>> -> memref<128xi32, #tpu.memory_space<hbm>>
        tpu.wait_dma2 semaphore(%run_scoped3A : memref<!tpu.dma_semaphore, #tpu.memory_space<semaphore_mem>>) src(%dma_wait3A_25 : memref<128xi32, #tpu.memory_space<hbm>>) dst(%arg7 : memref<128xi32, #tpu.memory_space<vmem>>)
        tpu.yield
      }) : () -> ()
      %dma_start3A_16 = arith.constant 0 : i32
      %dma_start3A_17 = arith.constant 0 : i32
      %dma_start3A_18 = tpu.memref_slice %arg2[%dma_start3A_16, %dma_start3A_17] : memref<53248x128xf32, #tpu.memory_space<hbm>> -> memref<53248x128xf32, #tpu.memory_space<hbm>>
      tpu.enqueue_indirect_dma source(%dma_start3A_18 : memref<53248x128xf32, #tpu.memory_space<hbm>>) target(%arg8 : memref<128x128xf32, #tpu.memory_space<vmem>>) offsets(%arg7 : memref<128xi32, #tpu.memory_space<vmem>>) semaphore(%arg9 : memref<!tpu.dma_semaphore, #tpu.memory_space<semaphore_mem>>)
      %dma_wait3A_19 = arith.constant 0 : i32
      %dma_wait3A_20 = arith.constant 0 : i32
      %dma_wait3A_21 = tpu.memref_slice %arg2[%dma_wait3A_19, %dma_wait3A_20] : memref<53248x128xf32, #tpu.memory_space<hbm>> -> memref<53248x128xf32, #tpu.memory_space<hbm>>
      tpu.wait_indirect_dma semaphore(%arg9 : memref<!tpu.dma_semaphore, #tpu.memory_space<semaphore_mem>>) src(%dma_wait3A_21 : memref<53248x128xf32, #tpu.memory_space<hbm>>) dst(%arg8 : memref<128x128xf32, #tpu.memory_space<vmem>>)
      "tpu.region"() ({
        %run_scoped3A = tpu.sem_alloc : memref<!tpu.dma_semaphore, #tpu.memory_space<semaphore_mem>>
        %dma_start3A_22 = arith.constant 0 : i32
        %dma_start3A_23 = tpu.memref_slice %arg6[%add3A_11, %dma_start3A_22] : memref<802816x128xf32, #tpu.memory_space<hbm>> -> memref<128x128xf32, #tpu.memory_space<hbm>>
        %dma_start3A_24 = arith.constant 0 : i32
        %dma_start3A_25 = tpu.memref_slice %arg6[%add3A_11, %dma_start3A_24] : memref<802816x128xf32, #tpu.memory_space<hbm>> -> memref<128x128xf32, #tpu.memory_space<hbm>>
        tpu.enqueue_dma source(%arg8 : memref<128x128xf32, #tpu.memory_space<vmem>>) target(%dma_start3A_25 : memref<128x128xf32, #tpu.memory_space<hbm>>) target_semaphore(%run_scoped3A : memref<!tpu.dma_semaphore, #tpu.memory_space<semaphore_mem>>)
        %dma_wait3A_26 = arith.constant 0 : i32
        %dma_wait3A_27 = tpu.memref_slice %arg6[%add3A_11, %dma_wait3A_26] : memref<802816x128xf32, #tpu.memory_space<hbm>> -> memref<128x128xf32, #tpu.memory_space<hbm>>
        %dma_wait3A_28 = arith.constant 0 : i32
        %dma_wait3A_29 = tpu.memref_slice %arg6[%add3A_11, %dma_wait3A_28] : memref<802816x128xf32, #tpu.memory_space<hbm>> -> memref<128x128xf32, #tpu.memory_space<hbm>>
        tpu.wait_dma2 semaphore(%run_scoped3A : memref<!tpu.dma_semaphore, #tpu.memory_space<semaphore_mem>>) src(%arg8 : memref<128x128xf32, #tpu.memory_space<vmem>>) dst(%dma_wait3A_29 : memref<128x128xf32, #tpu.memory_space<hbm>>)
        tpu.yield
      }) : () -> ()
    }
    %scan3A_7 = arith.constant 196 : i32
    return
  }
}

#map = affine_map<(d0, d1) -> (0, 0)>
#map1 = affine_map<(d0, d1) -> (0)>
module attributes {stable_mosaic.version = 14 : i64} {
  func.func @_gather_body(%arg0: i32, %arg1: i32, %arg2: memref<53248x128xf32, #tpu.memory_space<hbm>>, %arg3: memref<802816xi32, #tpu.memory_space<hbm>>, %arg4: memref<802816xi32, #tpu.memory_space<hbm>>, %arg5: memref<802816x128xf32, #tpu.memory_space<hbm>>, %arg6: memref<802816x128xf32, #tpu.memory_space<hbm>>, %arg7: memref<128xi32, #tpu.memory_space<vmem>>, %arg8: memref<128x128xf32, #tpu.memory_space<vmem>>, %arg9: memref<!tpu.dma_semaphore, #tpu.memory_space<semaphore_mem>>) attributes {dimension_semantics = [#tpu.dimension_semantics<core_parallel>, #tpu.dimension_semantics<subcore_parallel>], iteration_bounds = array<i64: 2, 16>, scalar_prefetch = 0 : i64, scratch_operands = 3 : i64, tpu.core_type = #tpu.core_type<sc_vector_subcore>, window_params = [{transform_indices = #map}, {transform_indices = #map1}, {transform_indices = #map1}, {transform_indices = #map}, {transform_indices = #map}]} {
    %mul3A = arith.constant 2 : i32
    %mul3A_0 = arith.muli %arg1, %mul3A : i32
    %add3A = arith.addi %mul3A_0, %arg0 : i32
    %mul3A_1 = arith.constant 25088 : i32
    %mul3A_2 = arith.muli %add3A, %mul3A_1 : i32
    %scan3A = arith.constant 0 : i32
    %scan3A_3 = arith.constant 0 : i32
    %scan3A_4 = arith.constant 196 : i32
    %scan3A_5 = arith.addi %scan3A_3, %scan3A_4 : i32
    %scan3A_6 = arith.constant 1 : i32
    scf.for %scan3A_8 = %scan3A_3 to %scan3A_5 step %scan3A_6  : i32 {
      %mul3A_9 = arith.constant 128 : i32
      %mul3A_10 = arith.muli %scan3A_8, %mul3A_9 : i32
      %add3A_11 = arith.addi %mul3A_2, %mul3A_10 : i32
      "tpu.region"() ({
        %run_scoped3A = tpu.sem_alloc : memref<!tpu.dma_semaphore, #tpu.memory_space<semaphore_mem>>
        %dma_start3A_22 = tpu.memref_slice %arg3[%add3A_11] : memref<802816xi32, #tpu.memory_space<hbm>> -> memref<128xi32, #tpu.memory_space<hbm>>
        %dma_start3A_23 = tpu.memref_slice %arg3[%add3A_11] : memref<802816xi32, #tpu.memory_space<hbm>> -> memref<128xi32, #tpu.memory_space<hbm>>
        tpu.enqueue_dma source(%dma_start3A_23 : memref<128xi32, #tpu.memory_space<hbm>>) target(%arg7 : memref<128xi32, #tpu.memory_space<vmem>>) target_semaphore(%run_scoped3A : memref<!tpu.dma_semaphore, #tpu.memory_space<semaphore_mem>>)
        %dma_wait3A_24 = tpu.memref_slice %arg3[%add3A_11] : memref<802816xi32, #tpu.memory_space<hbm>> -> memref<128xi32, #tpu.memory_space<hbm>>
        %dma_wait3A_25 = tpu.memref_slice %arg3[%add3A_11] : memref<802816xi32, #tpu.memory_space<hbm>> -> memref<128xi32, #tpu.memory_space<hbm>>
        tpu.wait_dma2 semaphore(%run_scoped3A : memref<!tpu.dma_semaphore, #tpu.memory_space<semaphore_mem>>) src(%dma_wait3A_25 : memref<128xi32, #tpu.memory_space<hbm>>) dst(%arg7 : memref<128xi32, #tpu.memory_space<vmem>>)
        tpu.yield
      }) : () -> ()
      %dma_start3A = arith.constant 0 : i32
      %dma_start3A_12 = arith.constant 0 : i32
      %dma_start3A_13 = tpu.memref_slice %arg2[%dma_start3A, %dma_start3A_12] : memref<53248x128xf32, #tpu.memory_space<hbm>> -> memref<53248x128xf32, #tpu.memory_space<hbm>>
      tpu.enqueue_indirect_dma source(%dma_start3A_13 : memref<53248x128xf32, #tpu.memory_space<hbm>>) target(%arg8 : memref<128x128xf32, #tpu.memory_space<vmem>>) offsets(%arg7 : memref<128xi32, #tpu.memory_space<vmem>>) semaphore(%arg9 : memref<!tpu.dma_semaphore, #tpu.memory_space<semaphore_mem>>)
      %dma_wait3A = arith.constant 0 : i32
      %dma_wait3A_14 = arith.constant 0 : i32
      %dma_wait3A_15 = tpu.memref_slice %arg2[%dma_wait3A, %dma_wait3A_14] : memref<53248x128xf32, #tpu.memory_space<hbm>> -> memref<53248x128xf32, #tpu.memory_space<hbm>>
      tpu.wait_indirect_dma semaphore(%arg9 : memref<!tpu.dma_semaphore, #tpu.memory_space<semaphore_mem>>) src(%dma_wait3A_15 : memref<53248x128xf32, #tpu.memory_space<hbm>>) dst(%arg8 : memref<128x128xf32, #tpu.memory_space<vmem>>)
      "tpu.region"() ({
        %run_scoped3A = tpu.sem_alloc : memref<!tpu.dma_semaphore, #tpu.memory_space<semaphore_mem>>
        %dma_start3A_22 = arith.constant 0 : i32
        %dma_start3A_23 = tpu.memref_slice %arg5[%add3A_11, %dma_start3A_22] : memref<802816x128xf32, #tpu.memory_space<hbm>> -> memref<128x128xf32, #tpu.memory_space<hbm>>
        %dma_start3A_24 = arith.constant 0 : i32
        %dma_start3A_25 = tpu.memref_slice %arg5[%add3A_11, %dma_start3A_24] : memref<802816x128xf32, #tpu.memory_space<hbm>> -> memref<128x128xf32, #tpu.memory_space<hbm>>
        tpu.enqueue_dma source(%arg8 : memref<128x128xf32, #tpu.memory_space<vmem>>) target(%dma_start3A_25 : memref<128x128xf32, #tpu.memory_space<hbm>>) target_semaphore(%run_scoped3A : memref<!tpu.dma_semaphore, #tpu.memory_space<semaphore_mem>>)
        %dma_wait3A_26 = arith.constant 0 : i32
        %dma_wait3A_27 = tpu.memref_slice %arg5[%add3A_11, %dma_wait3A_26] : memref<802816x128xf32, #tpu.memory_space<hbm>> -> memref<128x128xf32, #tpu.memory_space<hbm>>
        %dma_wait3A_28 = arith.constant 0 : i32
        %dma_wait3A_29 = tpu.memref_slice %arg5[%add3A_11, %dma_wait3A_28] : memref<802816x128xf32, #tpu.memory_space<hbm>> -> memref<128x128xf32, #tpu.memory_space<hbm>>
        tpu.wait_dma2 semaphore(%run_scoped3A : memref<!tpu.dma_semaphore, #tpu.memory_space<semaphore_mem>>) src(%arg8 : memref<128x128xf32, #tpu.memory_space<vmem>>) dst(%dma_wait3A_29 : memref<128x128xf32, #tpu.memory_space<hbm>>)
        tpu.yield
      }) : () -> ()
      "tpu.region"() ({
        %run_scoped3A = tpu.sem_alloc : memref<!tpu.dma_semaphore, #tpu.memory_space<semaphore_mem>>
        %dma_start3A_22 = tpu.memref_slice %arg4[%add3A_11] : memref<802816xi32, #tpu.memory_space<hbm>> -> memref<128xi32, #tpu.memory_space<hbm>>
        %dma_start3A_23 = tpu.memref_slice %arg4[%add3A_11] : memref<802816xi32, #tpu.memory_space<hbm>> -> memref<128xi32, #tpu.memory_space<hbm>>
        tpu.enqueue_dma source(%dma_start3A_23 : memref<128xi32, #tpu.memory_space<hbm>>) target(%arg7 : memref<128xi32, #tpu.memory_space<vmem>>) target_semaphore(%run_scoped3A : memref<!tpu.dma_semaphore, #tpu.memory_space<semaphore_mem>>)
        %dma_wait3A_24 = tpu.memref_slice %arg4[%add3A_11] : memref<802816xi32, #tpu.memory_space<hbm>> -> memref<128xi32, #tpu.memory_space<hbm>>
        %dma_wait3A_25 = tpu.memref_slice %arg4[%add3A_11] : memref<802816xi32, #tpu.memory_space<hbm>> -> memref<128xi32, #tpu.memory_space<hbm>>
        tpu.wait_dma2 semaphore(%run_scoped3A : memref<!tpu.dma_semaphore, #tpu.memory_space<semaphore_mem>>) src(%dma_wait3A_25 : memref<128xi32, #tpu.memory_space<hbm>>) dst(%arg7 : memref<128xi32, #tpu.memory_space<vmem>>)
        tpu.yield
      }) : () -> ()
      %dma_start3A_16 = arith.constant 0 : i32
      %dma_start3A_17 = arith.constant 0 : i32
      %dma_start3A_18 = tpu.memref_slice %arg2[%dma_start3A_16, %dma_start3A_17] : memref<53248x128xf32, #tpu.memory_space<hbm>> -> memref<53248x128xf32, #tpu.memory_space<hbm>>
      tpu.enqueue_indirect_dma source(%dma_start3A_18 : memref<53248x128xf32, #tpu.memory_space<hbm>>) target(%arg8 : memref<128x128xf32, #tpu.memory_space<vmem>>) offsets(%arg7 : memref<128xi32, #tpu.memory_space<vmem>>) semaphore(%arg9 : memref<!tpu.dma_semaphore, #tpu.memory_space<semaphore_mem>>)
      %dma_wait3A_19 = arith.constant 0 : i32
      %dma_wait3A_20 = arith.constant 0 : i32
      %dma_wait3A_21 = tpu.memref_slice %arg2[%dma_wait3A_19, %dma_wait3A_20] : memref<53248x128xf32, #tpu.memory_space<hbm>> -> memref<53248x128xf32, #tpu.memory_space<hbm>>
      tpu.wait_indirect_dma semaphore(%arg9 : memref<!tpu.dma_semaphore, #tpu.memory_space<semaphore_mem>>) src(%dma_wait3A_21 : memref<53248x128xf32, #tpu.memory_space<hbm>>) dst(%arg8 : memref<128x128xf32, #tpu.memory_space<vmem>>)
      "tpu.region"() ({
        %run_scoped3A = tpu.sem_alloc : memref<!tpu.dma_semaphore, #tpu.memory_space<semaphore_mem>>
        %dma_start3A_22 = arith.constant 0 : i32
        %dma_start3A_23 = tpu.memref_slice %arg6[%add3A_11, %dma_start3A_22] : memref<802816x128xf32, #tpu.memory_space<hbm>> -> memref<128x128xf32, #tpu.memory_space<hbm>>
        %dma_start3A_24 = arith.constant 0 : i32
        %dma_start3A_25 = tpu.memref_slice %arg6[%add3A_11, %dma_start3A_24] : memref<802816x128xf32, #tpu.memory_space<hbm>> -> memref<128x128xf32, #tpu.memory_space<hbm>>
        tpu.enqueue_dma source(%arg8 : memref<128x128xf32, #tpu.memory_space<vmem>>) target(%dma_start3A_25 : memref<128x128xf32, #tpu.memory_space<hbm>>) target_semaphore(%run_scoped3A : memref<!tpu.dma_semaphore, #tpu.memory_space<semaphore_mem>>)
        %dma_wait3A_26 = arith.constant 0 : i32
        %dma_wait3A_27 = tpu.memref_slice %arg6[%add3A_11, %dma_wait3A_26] : memref<802816x128xf32, #tpu.memory_space<hbm>> -> memref<128x128xf32, #tpu.memory_space<hbm>>
        %dma_wait3A_28 = arith.constant 0 : i32
        %dma_wait3A_29 = tpu.memref_slice %arg6[%add3A_11, %dma_wait3A_28] : memref<802816x128xf32, #tpu.memory_space<hbm>> -> memref<128x128xf32, #tpu.memory_space<hbm>>
        tpu.wait_dma2 semaphore(%run_scoped3A : memref<!tpu.dma_semaphore, #tpu.memory_space<semaphore_mem>>) src(%arg8 : memref<128x128xf32, #tpu.memory_space<vmem>>) dst(%dma_wait3A_29 : memref<128x128xf32, #tpu.memory_space<hbm>>)
        tpu.yield
      }) : () -> ()
    }
    %scan3A_7 = arith.constant 196 : i32
    return
  }
}

#map = affine_map<(d0, d1) -> (0, 0)>
#map1 = affine_map<(d0, d1) -> (0)>
module attributes {stable_mosaic.version = 14 : i64} {
  func.func @_gather_body(%arg0: i32, %arg1: i32, %arg2: memref<53248x128xf32, #tpu.memory_space<hbm>>, %arg3: memref<802816xi32, #tpu.memory_space<hbm>>, %arg4: memref<802816xi32, #tpu.memory_space<hbm>>, %arg5: memref<802816x128xf32, #tpu.memory_space<hbm>>, %arg6: memref<802816x128xf32, #tpu.memory_space<hbm>>, %arg7: memref<128xi32, #tpu.memory_space<vmem>>, %arg8: memref<128x128xf32, #tpu.memory_space<vmem>>, %arg9: memref<!tpu.dma_semaphore, #tpu.memory_space<semaphore_mem>>) attributes {dimension_semantics = [#tpu.dimension_semantics<core_parallel>, #tpu.dimension_semantics<subcore_parallel>], iteration_bounds = array<i64: 2, 16>, scalar_prefetch = 0 : i64, scratch_operands = 3 : i64, tpu.core_type = #tpu.core_type<sc_vector_subcore>, window_params = [{transform_indices = #map}, {transform_indices = #map1}, {transform_indices = #map1}, {transform_indices = #map}, {transform_indices = #map}]} {
    %mul3A = arith.constant 2 : i32
    %mul3A_0 = arith.muli %arg1, %mul3A : i32
    %add3A = arith.addi %mul3A_0, %arg0 : i32
    %mul3A_1 = arith.constant 25088 : i32
    %mul3A_2 = arith.muli %add3A, %mul3A_1 : i32
    %scan3A = arith.constant 0 : i32
    %scan3A_3 = arith.constant 0 : i32
    %scan3A_4 = arith.constant 196 : i32
    %scan3A_5 = arith.addi %scan3A_3, %scan3A_4 : i32
    %scan3A_6 = arith.constant 1 : i32
    scf.for %scan3A_8 = %scan3A_3 to %scan3A_5 step %scan3A_6  : i32 {
      %mul3A_9 = arith.constant 128 : i32
      %mul3A_10 = arith.muli %scan3A_8, %mul3A_9 : i32
      %add3A_11 = arith.addi %mul3A_2, %mul3A_10 : i32
      "tpu.region"() ({
        %run_scoped3A = tpu.sem_alloc : memref<!tpu.dma_semaphore, #tpu.memory_space<semaphore_mem>>
        %dma_start3A_22 = tpu.memref_slice %arg3[%add3A_11] : memref<802816xi32, #tpu.memory_space<hbm>> -> memref<128xi32, #tpu.memory_space<hbm>>
        %dma_start3A_23 = tpu.memref_slice %arg3[%add3A_11] : memref<802816xi32, #tpu.memory_space<hbm>> -> memref<128xi32, #tpu.memory_space<hbm>>
        tpu.enqueue_dma source(%dma_start3A_23 : memref<128xi32, #tpu.memory_space<hbm>>) target(%arg7 : memref<128xi32, #tpu.memory_space<vmem>>) target_semaphore(%run_scoped3A : memref<!tpu.dma_semaphore, #tpu.memory_space<semaphore_mem>>)
        %dma_wait3A_24 = tpu.memref_slice %arg3[%add3A_11] : memref<802816xi32, #tpu.memory_space<hbm>> -> memref<128xi32, #tpu.memory_space<hbm>>
        %dma_wait3A_25 = tpu.memref_slice %arg3[%add3A_11] : memref<802816xi32, #tpu.memory_space<hbm>> -> memref<128xi32, #tpu.memory_space<hbm>>
        tpu.wait_dma2 semaphore(%run_scoped3A : memref<!tpu.dma_semaphore, #tpu.memory_space<semaphore_mem>>) src(%dma_wait3A_25 : memref<128xi32, #tpu.memory_space<hbm>>) dst(%arg7 : memref<128xi32, #tpu.memory_space<vmem>>)
        tpu.yield
      }) : () -> ()
      %dma_start3A = arith.constant 0 : i32
      %dma_start3A_12 = arith.constant 0 : i32
      %dma_start3A_13 = tpu.memref_slice %arg2[%dma_start3A, %dma_start3A_12] : memref<53248x128xf32, #tpu.memory_space<hbm>> -> memref<53248x128xf32, #tpu.memory_space<hbm>>
      tpu.enqueue_indirect_dma source(%dma_start3A_13 : memref<53248x128xf32, #tpu.memory_space<hbm>>) target(%arg8 : memref<128x128xf32, #tpu.memory_space<vmem>>) offsets(%arg7 : memref<128xi32, #tpu.memory_space<vmem>>) semaphore(%arg9 : memref<!tpu.dma_semaphore, #tpu.memory_space<semaphore_mem>>)
      %dma_wait3A = arith.constant 0 : i32
      %dma_wait3A_14 = arith.constant 0 : i32
      %dma_wait3A_15 = tpu.memref_slice %arg2[%dma_wait3A, %dma_wait3A_14] : memref<53248x128xf32, #tpu.memory_space<hbm>> -> memref<53248x128xf32, #tpu.memory_space<hbm>>
      tpu.wait_indirect_dma semaphore(%arg9 : memref<!tpu.dma_semaphore, #tpu.memory_space<semaphore_mem>>) src(%dma_wait3A_15 : memref<53248x128xf32, #tpu.memory_space<hbm>>) dst(%arg8 : memref<128x128xf32, #tpu.memory_space<vmem>>)
      "tpu.region"() ({
        %run_scoped3A = tpu.sem_alloc : memref<!tpu.dma_semaphore, #tpu.memory_space<semaphore_mem>>
        %dma_start3A_22 = arith.constant 0 : i32
        %dma_start3A_23 = tpu.memref_slice %arg5[%add3A_11, %dma_start3A_22] : memref<802816x128xf32, #tpu.memory_space<hbm>> -> memref<128x128xf32, #tpu.memory_space<hbm>>
        %dma_start3A_24 = arith.constant 0 : i32
        %dma_start3A_25 = tpu.memref_slice %arg5[%add3A_11, %dma_start3A_24] : memref<802816x128xf32, #tpu.memory_space<hbm>> -> memref<128x128xf32, #tpu.memory_space<hbm>>
        tpu.enqueue_dma source(%arg8 : memref<128x128xf32, #tpu.memory_space<vmem>>) target(%dma_start3A_25 : memref<128x128xf32, #tpu.memory_space<hbm>>) target_semaphore(%run_scoped3A : memref<!tpu.dma_semaphore, #tpu.memory_space<semaphore_mem>>)
        %dma_wait3A_26 = arith.constant 0 : i32
        %dma_wait3A_27 = tpu.memref_slice %arg5[%add3A_11, %dma_wait3A_26] : memref<802816x128xf32, #tpu.memory_space<hbm>> -> memref<128x128xf32, #tpu.memory_space<hbm>>
        %dma_wait3A_28 = arith.constant 0 : i32
        %dma_wait3A_29 = tpu.memref_slice %arg5[%add3A_11, %dma_wait3A_28] : memref<802816x128xf32, #tpu.memory_space<hbm>> -> memref<128x128xf32, #tpu.memory_space<hbm>>
        tpu.wait_dma2 semaphore(%run_scoped3A : memref<!tpu.dma_semaphore, #tpu.memory_space<semaphore_mem>>) src(%arg8 : memref<128x128xf32, #tpu.memory_space<vmem>>) dst(%dma_wait3A_29 : memref<128x128xf32, #tpu.memory_space<hbm>>)
        tpu.yield
      }) : () -> ()
      "tpu.region"() ({
        %run_scoped3A = tpu.sem_alloc : memref<!tpu.dma_semaphore, #tpu.memory_space<semaphore_mem>>
        %dma_start3A_22 = tpu.memref_slice %arg4[%add3A_11] : memref<802816xi32, #tpu.memory_space<hbm>> -> memref<128xi32, #tpu.memory_space<hbm>>
        %dma_start3A_23 = tpu.memref_slice %arg4[%add3A_11] : memref<802816xi32, #tpu.memory_space<hbm>> -> memref<128xi32, #tpu.memory_space<hbm>>
        tpu.enqueue_dma source(%dma_start3A_23 : memref<128xi32, #tpu.memory_space<hbm>>) target(%arg7 : memref<128xi32, #tpu.memory_space<vmem>>) target_semaphore(%run_scoped3A : memref<!tpu.dma_semaphore, #tpu.memory_space<semaphore_mem>>)
        %dma_wait3A_24 = tpu.memref_slice %arg4[%add3A_11] : memref<802816xi32, #tpu.memory_space<hbm>> -> memref<128xi32, #tpu.memory_space<hbm>>
        %dma_wait3A_25 = tpu.memref_slice %arg4[%add3A_11] : memref<802816xi32, #tpu.memory_space<hbm>> -> memref<128xi32, #tpu.memory_space<hbm>>
        tpu.wait_dma2 semaphore(%run_scoped3A : memref<!tpu.dma_semaphore, #tpu.memory_space<semaphore_mem>>) src(%dma_wait3A_25 : memref<128xi32, #tpu.memory_space<hbm>>) dst(%arg7 : memref<128xi32, #tpu.memory_space<vmem>>)
        tpu.yield
      }) : () -> ()
      %dma_start3A_16 = arith.constant 0 : i32
      %dma_start3A_17 = arith.constant 0 : i32
      %dma_start3A_18 = tpu.memref_slice %arg2[%dma_start3A_16, %dma_start3A_17] : memref<53248x128xf32, #tpu.memory_space<hbm>> -> memref<53248x128xf32, #tpu.memory_space<hbm>>
      tpu.enqueue_indirect_dma source(%dma_start3A_18 : memref<53248x128xf32, #tpu.memory_space<hbm>>) target(%arg8 : memref<128x128xf32, #tpu.memory_space<vmem>>) offsets(%arg7 : memref<128xi32, #tpu.memory_space<vmem>>) semaphore(%arg9 : memref<!tpu.dma_semaphore, #tpu.memory_space<semaphore_mem>>)
      %dma_wait3A_19 = arith.constant 0 : i32
      %dma_wait3A_20 = arith.constant 0 : i32
      %dma_wait3A_21 = tpu.memref_slice %arg2[%dma_wait3A_19, %dma_wait3A_20] : memref<53248x128xf32, #tpu.memory_space<hbm>> -> memref<53248x128xf32, #tpu.memory_space<hbm>>
      tpu.wait_indirect_dma semaphore(%arg9 : memref<!tpu.dma_semaphore, #tpu.memory_space<semaphore_mem>>) src(%dma_wait3A_21 : memref<53248x128xf32, #tpu.memory_space<hbm>>) dst(%arg8 : memref<128x128xf32, #tpu.memory_space<vmem>>)
      "tpu.region"() ({
        %run_scoped3A = tpu.sem_alloc : memref<!tpu.dma_semaphore, #tpu.memory_space<semaphore_mem>>
        %dma_start3A_22 = arith.constant 0 : i32
        %dma_start3A_23 = tpu.memref_slice %arg6[%add3A_11, %dma_start3A_22] : memref<802816x128xf32, #tpu.memory_space<hbm>> -> memref<128x128xf32, #tpu.memory_space<hbm>>
        %dma_start3A_24 = arith.constant 0 : i32
        %dma_start3A_25 = tpu.memref_slice %arg6[%add3A_11, %dma_start3A_24] : memref<802816x128xf32, #tpu.memory_space<hbm>> -> memref<128x128xf32, #tpu.memory_space<hbm>>
        tpu.enqueue_dma source(%arg8 : memref<128x128xf32, #tpu.memory_space<vmem>>) target(%dma_start3A_25 : memref<128x128xf32, #tpu.memory_space<hbm>>) target_semaphore(%run_scoped3A : memref<!tpu.dma_semaphore, #tpu.memory_space<semaphore_mem>>)
        %dma_wait3A_26 = arith.constant 0 : i32
        %dma_wait3A_27 = tpu.memref_slice %arg6[%add3A_11, %dma_wait3A_26] : memref<802816x128xf32, #tpu.memory_space<hbm>> -> memref<128x128xf32, #tpu.memory_space<hbm>>
        %dma_wait3A_28 = arith.constant 0 : i32
        %dma_wait3A_29 = tpu.memref_slice %arg6[%add3A_11, %dma_wait3A_28] : memref<802816x128xf32, #tpu.memory_space<hbm>> -> memref<128x128xf32, #tpu.memory_space<hbm>>
        tpu.wait_dma2 semaphore(%run_scoped3A : memref<!tpu.dma_semaphore, #tpu.memory_space<semaphore_mem>>) src(%arg8 : memref<128x128xf32, #tpu.memory_space<vmem>>) dst(%dma_wait3A_29 : memref<128x128xf32, #tpu.memory_space<hbm>>)
        tpu.yield
      }) : () -> ()
    }
    %scan3A_7 = arith.constant 196 : i32
    return
  }
}

module attributes {stable_mosaic.version = 14 : i64} {
  func.func @_embed_body(%arg0: i32, %arg1: memref<416x200xf32, #tpu.memory_space<vmem>>, %arg2: memref<416x1xf32, #tpu.memory_space<vmem>>, %arg3: memref<200x63xf32, #tpu.memory_space<vmem>>, %arg4: memref<1x63xf32, #tpu.memory_space<vmem>>, %arg5: memref<416x128xf32, #tpu.memory_space<vmem>>) attributes {dimension_semantics = [#tpu.dimension_semantics<arbitrary>], iteration_bounds = array<i64: 128>, scalar_prefetch = 0 : i64, scratch_operands = 0 : i64, tpu.core_type = #tpu.core_type<tc>, window_params = [{transform_indices = @transform_0, window_bounds = array<i64: 416, 200>}, {transform_indices = @transform_1, window_bounds = array<i64: 416, 1>}, {pipeline_mode = #tpu.pipeline_mode<synchronous>, transform_indices = @transform_2, window_bounds = array<i64: 200, 63>}, {pipeline_mode = #tpu.pipeline_mode<synchronous>, transform_indices = @transform_3, window_bounds = array<i64: 1, 63>}, {transform_indices = @transform_4, window_bounds = array<i64: 416, 128>}]} {
    %get3A = arith.constant 0 : index
    %get3A_0 = arith.constant 0 : index
    %get3A_1 = vector.load %arg1[%get3A, %get3A_0] : memref<416x200xf32, #tpu.memory_space<vmem>>, vector<416x200xf32>
    %get3A_2 = arith.constant 0 : index
    %get3A_3 = arith.constant 0 : index
    %get3A_4 = vector.load %arg3[%get3A_2, %get3A_3] : memref<200x63xf32, #tpu.memory_space<vmem>>, vector<200x63xf32>
    %dot_general3A = arith.constant dense<0.000000e+00> : vector<416x63xf32>
    %dot_general3A_5 = tpu.matmul %get3A_1, %get3A_4, %dot_general3A {dimension_numbers = #tpu.dot_dimension_numbers<[1], [0], [0], [1], [0, 0, 1, 1], [], []>, transpose_lhs_hint = false} : vector<416x200xf32>, vector<200x63xf32>, vector<416x63xf32> -> vector<416x63xf32>
    %get3A_6 = arith.constant 0 : index
    %get3A_7 = arith.constant 0 : index
    %get3A_8 = vector.load %arg4[%get3A_6, %get3A_7] : memref<1x63xf32, #tpu.memory_space<vmem>>, vector<1x63xf32>
    %add3A = vector.broadcast %get3A_8 : vector<1x63xf32> to vector<416x63xf32>
    %add3A_9 = arith.addf %dot_general3A_5, %add3A : vector<416x63xf32>
    %get3A_10 = arith.constant 0 : index
    %get3A_11 = arith.constant 0 : index
    %get3A_12 = vector.load %arg2[%get3A_10, %get3A_11] : memref<416x1xf32, #tpu.memory_space<vmem>>, vector<416x1xf32>
    %broadcast_in_dim3A = arith.constant 0.000000e+00 : f32
    %broadcast_in_dim3A_13 = vector.broadcast %broadcast_in_dim3A : f32 to vector<416x64xf32>
    %concatenate3A = tpu.concatenate %add3A_9, %get3A_12, %broadcast_in_dim3A_13 in 1 : vector<416x63xf32>, vector<416x1xf32>, vector<416x64xf32> -> vector<416x128xf32>
    %swap3A = arith.constant 0 : index
    %swap3A_14 = arith.constant 0 : index
    %swap3A_15 = vector.load %arg5[%swap3A, %swap3A_14] : memref<416x128xf32, #tpu.memory_space<vmem>>, vector<416x128xf32>
    tpu.vector_store %arg5[%swap3A, %swap3A_14], %concatenate3A {strides = array<i32>} : memref<416x128xf32, #tpu.memory_space<vmem>>, vector<416x128xf32>,
    return
  }
  func.func @transform_0(%arg0: i32) -> (i32, i32) {
    %c0_i32 = arith.constant 0 : i32
    %c0_i32_0 = arith.constant 0 : i32
    return %arg0, %c0_i32 : i32, i32
  }
  func.func @transform_1(%arg0: i32) -> (i32, i32) {
    %c0_i32 = arith.constant 0 : i32
    %c0_i32_0 = arith.constant 0 : i32
    return %arg0, %c0_i32 : i32, i32
  }
  func.func @transform_2(%arg0: i32) -> (i32, i32) {
    %c0_i32 = arith.constant 0 : i32
    %c0_i32_0 = arith.constant 0 : i32
    %c0_i32_1 = arith.constant 0 : i32
    return %c0_i32, %c0_i32_0 : i32, i32
  }
  func.func @transform_3(%arg0: i32) -> (i32, i32) {
    %c0_i32 = arith.constant 0 : i32
    %c0_i32_0 = arith.constant 0 : i32
    %c0_i32_1 = arith.constant 0 : i32
    return %c0_i32, %c0_i32_0 : i32, i32
  }
  func.func @transform_4(%arg0: i32) -> (i32, i32) {
    %c0_i32 = arith.constant 0 : i32
    %c0_i32_0 = arith.constant 0 : i32
    return %arg0, %c0_i32 : i32, i32
  }
}

module attributes {stable_mosaic.version = 14 : i64} {
  func.func @_edge_mlp_first_body(%arg0: i32, %arg1: memref<784x128xf32, #tpu.memory_space<vmem>>, %arg2: memref<784x128xf32, #tpu.memory_space<vmem>>, %arg3: memref<128x1536xf32, #tpu.memory_space<vmem>>, %arg4: memref<1x1536xf32, #tpu.memory_space<vmem>>, %arg5: memref<768x1xf32, #tpu.memory_space<vmem>>, %arg6: memref<1x3xf32, #tpu.memory_space<vmem>>, %arg7: memref<768x64xf32, #tpu.memory_space<vmem>>, %arg8: memref<3x64xf32, #tpu.memory_space<vmem>>, %arg9: memref<7x784x32xf32, #tpu.memory_space<vmem>>, %arg10: memref<784x8xf32, #tpu.memory_space<vmem>>) attributes {dimension_semantics = [#tpu.dimension_semantics<arbitrary>], iteration_bounds = array<i64: 1024>, scalar_prefetch = 0 : i64, scratch_operands = 0 : i64, tpu.core_type = #tpu.core_type<tc>, window_params = [{transform_indices = @transform_0, window_bounds = array<i64: 784, 128>}, {transform_indices = @transform_1, window_bounds = array<i64: 784, 128>}, {pipeline_mode = #tpu.pipeline_mode<synchronous>, transform_indices = @transform_2, window_bounds = array<i64: 128, 1536>}, {pipeline_mode = #tpu.pipeline_mode<synchronous>, transform_indices = @transform_3, window_bounds = array<i64: 1, 1536>}, {pipeline_mode = #tpu.pipeline_mode<synchronous>, transform_indices = @transform_4, window_bounds = array<i64: 768, 1>}, {pipeline_mode = #tpu.pipeline_mode<synchronous>, transform_indices = @transform_5, window_bounds = array<i64: 1, 3>}, {pipeline_mode = #tpu.pipeline_mode<synchronous>, transform_indices = @transform_6, window_bounds = array<i64: 768, 64>}, {pipeline_mode = #tpu.pipeline_mode<synchronous>, transform_indices = @transform_7, window_bounds = array<i64: 3, 64>}, {transform_indices = @transform_8, window_bounds = array<i64: 7, 784, 32>}, {transform_indices = @transform_9, window_bounds = array<i64: 784, 8>}]} {
    %get3A = arith.constant 0 : index
    %get3A_0 = arith.constant 0 : index
    %get3A_1 = vector.load %arg1[%get3A, %get3A_0] : memref<784x128xf32, #tpu.memory_space<vmem>>, vector<784x128xf32>
    %slice3A = vector.extract_strided_slice %get3A_1 {offsets = [0, 0], sizes = [784, 64], strides = [1, 1]} : vector<784x128xf32> to vector<784x64xf32>
    %get3A_2 = arith.constant 0 : index
    %get3A_3 = arith.constant 0 : index
    %get3A_4 = vector.load %arg2[%get3A_2, %get3A_3] : memref<784x128xf32, #tpu.memory_space<vmem>>, vector<784x128xf32>
    %slice3A_5 = vector.extract_strided_slice %get3A_4 {offsets = [0, 0], sizes = [784, 64], strides = [1, 1]} : vector<784x128xf32> to vector<784x64xf32>
    %slice3A_6 = vector.extract_strided_slice %slice3A_5 {offsets = [0, 63], sizes = [784, 1], strides = [1, 1]} : vector<784x64xf32> to vector<784x1xf32>
    %get3A_7 = arith.constant 0 : index
    %get3A_8 = arith.constant 0 : index
    %get3A_9 = vector.load %arg3[%get3A_7, %get3A_8] : memref<128x1536xf32, #tpu.memory_space<vmem>>, vector<128x1536xf32>
    %slice3A_10 = vector.extract_strided_slice %get3A_9 {offsets = [0, 0], sizes = [64, 1536], strides = [1, 1]} : vector<128x1536xf32> to vector<64x1536xf32>
    %dot_general3A = arith.constant dense<0.000000e+00> : vector<784x1536xf32>
    %dot_general3A_11 = tpu.matmul %slice3A, %slice3A_10, %dot_general3A {dimension_numbers = #tpu.dot_dimension_numbers<[1], [0], [0], [1], [0, 0, 1, 1], [], []>, transpose_lhs_hint = false} : vector<784x64xf32>, vector<64x1536xf32>, vector<784x1536xf32> -> vector<784x1536xf32>
    %slice3A_12 = vector.extract_strided_slice %get3A_9 {offsets = [64, 0], sizes = [64, 1536], strides = [1, 1]} : vector<128x1536xf32> to vector<64x1536xf32>
    %dot_general3A_13 = arith.constant dense<0.000000e+00> : vector<784x1536xf32>
    %dot_general3A_14 = tpu.matmul %slice3A_5, %slice3A_12, %dot_general3A_13 {dimension_numbers = #tpu.dot_dimension_numbers<[1], [0], [0], [1], [0, 0, 1, 1], [], []>, transpose_lhs_hint = false} : vector<784x64xf32>, vector<64x1536xf32>, vector<784x1536xf32> -> vector<784x1536xf32>
    %add3A = arith.addf %dot_general3A_11, %dot_general3A_14 : vector<784x1536xf32>
    %get3A_15 = arith.constant 0 : index
    %get3A_16 = arith.constant 0 : index
    %get3A_17 = vector.load %arg4[%get3A_15, %get3A_16] : memref<1x1536xf32, #tpu.memory_space<vmem>>, vector<1x1536xf32>
    %add3A_18 = vector.broadcast %get3A_17 : vector<1x1536xf32> to vector<784x1536xf32>
    %add3A_19 = arith.addf %add3A, %add3A_18 : vector<784x1536xf32>
    %logistic3A = arith.negf %add3A_19 : vector<784x1536xf32>
    %logistic3A_20 = math.exp %logistic3A : vector<784x1536xf32>
    %logistic3A_21 = arith.constant 1.000000e+00 : f32
    %logistic3A_22 = vector.broadcast %logistic3A_21 : f32 to vector<784x1536xf32>
    %logistic3A_23 = arith.addf %logistic3A_22, %logistic3A_20 : vector<784x1536xf32>
    %logistic3A_24 = arith.divf %logistic3A_22, %logistic3A_23 : vector<784x1536xf32>
    %mul3A = arith.mulf %add3A_19, %logistic3A_24 : vector<784x1536xf32>
    %get3A_25 = arith.constant 0 : index
    %get3A_26 = arith.constant 0 : index
    %get3A_27 = vector.load %arg5[%get3A_25, %get3A_26] : memref<768x1xf32, #tpu.memory_space<vmem>>, vector<768x1xf32>
    %get3A_28 = arith.constant 0 : index
    %get3A_29 = arith.constant 0 : index
    %get3A_30 = vector.load %arg6[%get3A_28, %get3A_29] : memref<1x3xf32, #tpu.memory_space<vmem>>, vector<1x3xf32>
    %get3A_31 = arith.constant 0 : index
    %get3A_32 = arith.constant 0 : index
    %get3A_33 = vector.load %arg7[%get3A_31, %get3A_32] : memref<768x64xf32, #tpu.memory_space<vmem>>, vector<768x64xf32>
    %get3A_34 = arith.constant 0 : index
    %get3A_35 = arith.constant 0 : index
    %get3A_36 = vector.load %arg8[%get3A_34, %get3A_35] : memref<3x64xf32, #tpu.memory_space<vmem>>, vector<3x64xf32>
    %slice3A_37 = vector.extract_strided_slice %mul3A {offsets = [0, 0], sizes = [784, 256], strides = [1, 1]} : vector<784x1536xf32> to vector<784x256xf32>
    %slice3A_38 = vector.extract_strided_slice %get3A_27 {offsets = [0, 0], sizes = [256, 1], strides = [1, 1]} : vector<768x1xf32> to vector<256x1xf32>
    %dot_general3A_39 = arith.constant dense<0.000000e+00> : vector<784x1xf32>
    %dot_general3A_40 = tpu.matmul %slice3A_37, %slice3A_38, %dot_general3A_39 {dimension_numbers = #tpu.dot_dimension_numbers<[1], [0], [0], [1], [0, 0, 1, 1], [], []>, transpose_lhs_hint = false} : vector<784x256xf32>, vector<256x1xf32>, vector<784x1xf32> -> vector<784x1xf32>
    %slice3A_41 = vector.extract_strided_slice %get3A_30 {offsets = [0, 0], sizes = [1, 1], strides = [1, 1]} : vector<1x3xf32> to vector<1x1xf32>
    %squeeze3A = vector.extract %slice3A_41[0, 0] : f32 from vector<1x1xf32>
    %add3A_42 = vector.broadcast %squeeze3A : f32 to vector<784x1xf32>
    %add3A_43 = arith.addf %dot_general3A_40, %add3A_42 : vector<784x1xf32>
    %exp3A = math.exp %add3A_43 : vector<784x1xf32>
    %mul3A_44 = arith.mulf %slice3A_6, %exp3A : vector<784x1xf32>
    %slice3A_45 = vector.extract_strided_slice %mul3A {offsets = [0, 768], sizes = [784, 256], strides = [1, 1]} : vector<784x1536xf32> to vector<784x256xf32>
    %slice3A_46 = vector.extract_strided_slice %get3A_33 {offsets = [0, 0], sizes = [256, 64], strides = [1, 1]} : vector<768x64xf32> to vector<256x64xf32>
    %dot_general3A_47 = arith.constant dense<0.000000e+00> : vector<784x64xf32>
    %dot_general3A_48 = tpu.matmul %slice3A_45, %slice3A_46, %dot_general3A_47 {dimension_numbers = #tpu.dot_dimension_numbers<[1], [0], [0], [1], [0, 0, 1, 1], [], []>, transpose_lhs_hint = false} : vector<784x256xf32>, vector<256x64xf32>, vector<784x64xf32> -> vector<784x64xf32>
    %slice3A_49 = vector.extract_strided_slice %get3A_36 {offsets = [0, 0], sizes = [1, 64], strides = [1, 1]} : vector<3x64xf32> to vector<1x64xf32>
    %squeeze3A_50 = vector.shape_cast %slice3A_49 : vector<1x64xf32> to vector<64xf32>
    %broadcast_in_dim3A = vector.shape_cast %squeeze3A_50 : vector<64xf32> to vector<1x64xf32>
    %add3A_51 = vector.broadcast %broadcast_in_dim3A : vector<1x64xf32> to vector<784x64xf32>
    %add3A_52 = arith.addf %dot_general3A_48, %add3A_51 : vector<784x64xf32>
    %mul3A_53 = vector.broadcast %mul3A_44 : vector<784x1xf32> to vector<784x64xf32>
    %mul3A_54 = arith.mulf %mul3A_53, %add3A_52 : vector<784x64xf32>
    %slice3A_55 = vector.extract_strided_slice %mul3A_54 {offsets = [0, 0], sizes = [784, 32], strides = [1, 1]} : vector<784x64xf32> to vector<784x32xf32>
    %slice3A_56 = vector.extract_strided_slice %mul3A_54 {offsets = [0, 32], sizes = [784, 32], strides = [1, 1]} : vector<784x64xf32> to vector<784x32xf32>
    %slice3A_57 = vector.extract_strided_slice %mul3A {offsets = [0, 256], sizes = [784, 256], strides = [1, 1]} : vector<784x1536xf32> to vector<784x256xf32>
    %slice3A_58 = vector.extract_strided_slice %get3A_27 {offsets = [256, 0], sizes = [256, 1], strides = [1, 1]} : vector<768x1xf32> to vector<256x1xf32>
    %dot_general3A_59 = arith.constant dense<0.000000e+00> : vector<784x1xf32>
    %dot_general3A_60 = tpu.matmul %slice3A_57, %slice3A_58, %dot_general3A_59 {dimension_numbers = #tpu.dot_dimension_numbers<[1], [0], [0], [1], [0, 0, 1, 1], [], []>, transpose_lhs_hint = false} : vector<784x256xf32>, vector<256x1xf32>, vector<784x1xf32> -> vector<784x1xf32>
    %slice3A_61 = vector.extract_strided_slice %get3A_30 {offsets = [0, 1], sizes = [1, 1], strides = [1, 1]} : vector<1x3xf32> to vector<1x1xf32>
    %squeeze3A_62 = vector.extract %slice3A_61[0, 0] : f32 from vector<1x1xf32>
    %add3A_63 = vector.broadcast %squeeze3A_62 : f32 to vector<784x1xf32>
    %add3A_64 = arith.addf %dot_general3A_60, %add3A_63 : vector<784x1xf32>
    %exp3A_65 = math.exp %add3A_64 : vector<784x1xf32>
    %mul3A_66 = arith.mulf %slice3A_6, %exp3A_65 : vector<784x1xf32>
    %slice3A_67 = vector.extract_strided_slice %mul3A {offsets = [0, 1024], sizes = [784, 256], strides = [1, 1]} : vector<784x1536xf32> to vector<784x256xf32>
    %slice3A_68 = vector.extract_strided_slice %get3A_33 {offsets = [256, 0], sizes = [256, 64], strides = [1, 1]} : vector<768x64xf32> to vector<256x64xf32>
    %dot_general3A_69 = arith.constant dense<0.000000e+00> : vector<784x64xf32>
    %dot_general3A_70 = tpu.matmul %slice3A_67, %slice3A_68, %dot_general3A_69 {dimension_numbers = #tpu.dot_dimension_numbers<[1], [0], [0], [1], [0, 0, 1, 1], [], []>, transpose_lhs_hint = false} : vector<784x256xf32>, vector<256x64xf32>, vector<784x64xf32> -> vector<784x64xf32>
    %slice3A_71 = vector.extract_strided_slice %get3A_36 {offsets = [1, 0], sizes = [1, 64], strides = [1, 1]} : vector<3x64xf32> to vector<1x64xf32>
    %squeeze3A_72 = vector.shape_cast %slice3A_71 : vector<1x64xf32> to vector<64xf32>
    %broadcast_in_dim3A_73 = vector.shape_cast %squeeze3A_72 : vector<64xf32> to vector<1x64xf32>
    %add3A_74 = vector.broadcast %broadcast_in_dim3A_73 : vector<1x64xf32> to vector<784x64xf32>
    %add3A_75 = arith.addf %dot_general3A_70, %add3A_74 : vector<784x64xf32>
    %mul3A_76 = vector.broadcast %mul3A_66 : vector<784x1xf32> to vector<784x64xf32>
    %mul3A_77 = arith.mulf %mul3A_76, %add3A_75 : vector<784x64xf32>
    %slice3A_78 = vector.extract_strided_slice %mul3A_77 {offsets = [0, 0], sizes = [784, 32], strides = [1, 1]} : vector<784x64xf32> to vector<784x32xf32>
    %slice3A_79 = vector.extract_strided_slice %mul3A_77 {offsets = [0, 32], sizes = [784, 32], strides = [1, 1]} : vector<784x64xf32> to vector<784x32xf32>
    %slice3A_80 = vector.extract_strided_slice %mul3A {offsets = [0, 512], sizes = [784, 256], strides = [1, 1]} : vector<784x1536xf32> to vector<784x256xf32>
    %slice3A_81 = vector.extract_strided_slice %get3A_27 {offsets = [512, 0], sizes = [256, 1], strides = [1, 1]} : vector<768x1xf32> to vector<256x1xf32>
    %dot_general3A_82 = arith.constant dense<0.000000e+00> : vector<784x1xf32>
    %dot_general3A_83 = tpu.matmul %slice3A_80, %slice3A_81, %dot_general3A_82 {dimension_numbers = #tpu.dot_dimension_numbers<[1], [0], [0], [1], [0, 0, 1, 1], [], []>, transpose_lhs_hint = false} : vector<784x256xf32>, vector<256x1xf32>, vector<784x1xf32> -> vector<784x1xf32>
    %slice3A_84 = vector.extract_strided_slice %get3A_30 {offsets = [0, 2], sizes = [1, 1], strides = [1, 1]} : vector<1x3xf32> to vector<1x1xf32>
    %squeeze3A_85 = vector.extract %slice3A_84[0, 0] : f32 from vector<1x1xf32>
    %add3A_86 = vector.broadcast %squeeze3A_85 : f32 to vector<784x1xf32>
    %add3A_87 = arith.addf %dot_general3A_83, %add3A_86 : vector<784x1xf32>
    %exp3A_88 = math.exp %add3A_87 : vector<784x1xf32>
    %mul3A_89 = arith.mulf %slice3A_6, %exp3A_88 : vector<784x1xf32>
    %slice3A_90 = vector.extract_strided_slice %mul3A {offsets = [0, 1280], sizes = [784, 256], strides = [1, 1]} : vector<784x1536xf32> to vector<784x256xf32>
    %slice3A_91 = vector.extract_strided_slice %get3A_33 {offsets = [512, 0], sizes = [256, 64], strides = [1, 1]} : vector<768x64xf32> to vector<256x64xf32>
    %dot_general3A_92 = arith.constant dense<0.000000e+00> : vector<784x64xf32>
    %dot_general3A_93 = tpu.matmul %slice3A_90, %slice3A_91, %dot_general3A_92 {dimension_numbers = #tpu.dot_dimension_numbers<[1], [0], [0], [1], [0, 0, 1, 1], [], []>, transpose_lhs_hint = false} : vector<784x256xf32>, vector<256x64xf32>, vector<784x64xf32> -> vector<784x64xf32>
    %slice3A_94 = vector.extract_strided_slice %get3A_36 {offsets = [2, 0], sizes = [1, 64], strides = [1, 1]} : vector<3x64xf32> to vector<1x64xf32>
    %squeeze3A_95 = vector.shape_cast %slice3A_94 : vector<1x64xf32> to vector<64xf32>
    %broadcast_in_dim3A_96 = vector.shape_cast %squeeze3A_95 : vector<64xf32> to vector<1x64xf32>
    %add3A_97 = vector.broadcast %broadcast_in_dim3A_96 : vector<1x64xf32> to vector<784x64xf32>
    %add3A_98 = arith.addf %dot_general3A_93, %add3A_97 : vector<784x64xf32>
    %mul3A_99 = vector.broadcast %mul3A_89 : vector<784x1xf32> to vector<784x64xf32>
    %mul3A_100 = arith.mulf %mul3A_99, %add3A_98 : vector<784x64xf32>
    %slice3A_101 = vector.extract_strided_slice %mul3A_100 {offsets = [0, 0], sizes = [784, 32], strides = [1, 1]} : vector<784x64xf32> to vector<784x32xf32>
    %slice3A_102 = vector.extract_strided_slice %mul3A_100 {offsets = [0, 32], sizes = [784, 32], strides = [1, 1]} : vector<784x64xf32> to vector<784x32xf32>
    %broadcast_in_dim3A_103 = arith.constant 0.000000e+00 : f32
    %broadcast_in_dim3A_104 = vector.broadcast %broadcast_in_dim3A_103 : f32 to vector<784x29xf32>
    %concatenate3A = tpu.concatenate %mul3A_44, %mul3A_66, %mul3A_89, %broadcast_in_dim3A_104 in 1 : vector<784x1xf32>, vector<784x1xf32>, vector<784x1xf32>, vector<784x29xf32> -> vector<784x32xf32>
    %swap3A = arith.constant 0 : index
    %swap3A_105 = arith.constant 0 : index
    %swap3A_106 = arith.constant 0 : index
    %swap3A_107 = vector.load %arg9[%swap3A, %swap3A_105, %swap3A_106] : memref<7x784x32xf32, #tpu.memory_space<vmem>>, vector<1x784x32xf32>
    %swap3A_108 = vector.shape_cast %swap3A_107 : vector<1x784x32xf32> to vector<784x32xf32>
    %swap3A_109 = vector.shape_cast %slice3A_55 : vector<784x32xf32> to vector<1x784x32xf32>
    tpu.vector_store %arg9[%swap3A, %swap3A_105, %swap3A_106], %swap3A_109 {strides = array<i32>} : memref<7x784x32xf32, #tpu.memory_space<vmem>>, vector<1x784x32xf32>,
    %swap3A_110 = arith.constant 1 : index
    %swap3A_111 = arith.constant 0 : index
    %swap3A_112 = arith.constant 0 : index
    %swap3A_113 = vector.load %arg9[%swap3A_110, %swap3A_111, %swap3A_112] : memref<7x784x32xf32, #tpu.memory_space<vmem>>, vector<1x784x32xf32>
    %swap3A_114 = vector.shape_cast %swap3A_113 : vector<1x784x32xf32> to vector<784x32xf32>
    %swap3A_115 = vector.shape_cast %slice3A_56 : vector<784x32xf32> to vector<1x784x32xf32>
    tpu.vector_store %arg9[%swap3A_110, %swap3A_111, %swap3A_112], %swap3A_115 {strides = array<i32>} : memref<7x784x32xf32, #tpu.memory_space<vmem>>, vector<1x784x32xf32>,
    %swap3A_116 = arith.constant 2 : index
    %swap3A_117 = arith.constant 0 : index
    %swap3A_118 = arith.constant 0 : index
    %swap3A_119 = vector.load %arg9[%swap3A_116, %swap3A_117, %swap3A_118] : memref<7x784x32xf32, #tpu.memory_space<vmem>>, vector<1x784x32xf32>
    %swap3A_120 = vector.shape_cast %swap3A_119 : vector<1x784x32xf32> to vector<784x32xf32>
    %swap3A_121 = vector.shape_cast %slice3A_78 : vector<784x32xf32> to vector<1x784x32xf32>
    tpu.vector_store %arg9[%swap3A_116, %swap3A_117, %swap3A_118], %swap3A_121 {strides = array<i32>} : memref<7x784x32xf32, #tpu.memory_space<vmem>>, vector<1x784x32xf32>,
    %swap3A_122 = arith.constant 3 : index
    %swap3A_123 = arith.constant 0 : index
    %swap3A_124 = arith.constant 0 : index
    %swap3A_125 = vector.load %arg9[%swap3A_122, %swap3A_123, %swap3A_124] : memref<7x784x32xf32, #tpu.memory_space<vmem>>, vector<1x784x32xf32>
    %swap3A_126 = vector.shape_cast %swap3A_125 : vector<1x784x32xf32> to vector<784x32xf32>
    %swap3A_127 = vector.shape_cast %slice3A_79 : vector<784x32xf32> to vector<1x784x32xf32>
    tpu.vector_store %arg9[%swap3A_122, %swap3A_123, %swap3A_124], %swap3A_127 {strides = array<i32>} : memref<7x784x32xf32, #tpu.memory_space<vmem>>, vector<1x784x32xf32>,
    %swap3A_128 = arith.constant 4 : index
    %swap3A_129 = arith.constant 0 : index
    %swap3A_130 = arith.constant 0 : index
    %swap3A_131 = vector.load %arg9[%swap3A_128, %swap3A_129, %swap3A_130] : memref<7x784x32xf32, #tpu.memory_space<vmem>>, vector<1x784x32xf32>
    %swap3A_132 = vector.shape_cast %swap3A_131 : vector<1x784x32xf32> to vector<784x32xf32>
    %swap3A_133 = vector.shape_cast %slice3A_101 : vector<784x32xf32> to vector<1x784x32xf32>
    tpu.vector_store %arg9[%swap3A_128, %swap3A_129, %swap3A_130], %swap3A_133 {strides = array<i32>} : memref<7x784x32xf32, #tpu.memory_space<vmem>>, vector<1x784x32xf32>,
    %swap3A_134 = arith.constant 5 : index
    %swap3A_135 = arith.constant 0 : index
    %swap3A_136 = arith.constant 0 : index
    %swap3A_137 = vector.load %arg9[%swap3A_134, %swap3A_135, %swap3A_136] : memref<7x784x32xf32, #tpu.memory_space<vmem>>, vector<1x784x32xf32>
    %swap3A_138 = vector.shape_cast %swap3A_137 : vector<1x784x32xf32> to vector<784x32xf32>
    %swap3A_139 = vector.shape_cast %slice3A_102 : vector<784x32xf32> to vector<1x784x32xf32>
    tpu.vector_store %arg9[%swap3A_134, %swap3A_135, %swap3A_136], %swap3A_139 {strides = array<i32>} : memref<7x784x32xf32, #tpu.memory_space<vmem>>, vector<1x784x32xf32>,
    %swap3A_140 = arith.constant 6 : index
    %swap3A_141 = arith.constant 0 : index
    %swap3A_142 = arith.constant 0 : index
    %swap3A_143 = vector.load %arg9[%swap3A_140, %swap3A_141, %swap3A_142] : memref<7x784x32xf32, #tpu.memory_space<vmem>>, vector<1x784x32xf32>
    %swap3A_144 = vector.shape_cast %swap3A_143 : vector<1x784x32xf32> to vector<784x32xf32>
    %swap3A_145 = vector.shape_cast %concatenate3A : vector<784x32xf32> to vector<1x784x32xf32>
    tpu.vector_store %arg9[%swap3A_140, %swap3A_141, %swap3A_142], %swap3A_145 {strides = array<i32>} : memref<7x784x32xf32, #tpu.memory_space<vmem>>, vector<1x784x32xf32>,
    %broadcast_in_dim3A_146 = arith.constant 0.000000e+00 : f32
    %broadcast_in_dim3A_147 = vector.broadcast %broadcast_in_dim3A_146 : f32 to vector<784x7xf32>
    %concatenate3A_148 = tpu.concatenate %slice3A_6, %broadcast_in_dim3A_147 in 1 : vector<784x1xf32>, vector<784x7xf32> -> vector<784x8xf32>
    %swap3A_149 = arith.constant 0 : index
    %swap3A_150 = arith.constant 0 : index
    %swap3A_151 = vector.load %arg10[%swap3A_149, %swap3A_150] : memref<784x8xf32, #tpu.memory_space<vmem>>, vector<784x8xf32>
    tpu.vector_store %arg10[%swap3A_149, %swap3A_150], %concatenate3A_148 {strides = array<i32>} : memref<784x8xf32, #tpu.memory_space<vmem>>, vector<784x8xf32>,
    return
  }
  func.func @transform_0(%arg0: i32) -> (i32, i32) {
    %c0_i32 = arith.constant 0 : i32
    %c0_i32_0 = arith.constant 0 : i32
    return %arg0, %c0_i32 : i32, i32
  }
  func.func @transform_1(%arg0: i32) -> (i32, i32) {
    %c0_i32 = arith.constant 0 : i32
    %c0_i32_0 = arith.constant 0 : i32
    return %arg0, %c0_i32 : i32, i32
  }
  func.func @transform_2(%arg0: i32) -> (i32, i32) {
    %c0_i32 = arith.constant 0 : i32
    %c0_i32_0 = arith.constant 0 : i32
    %c0_i32_1 = arith.constant 0 : i32
    return %c0_i32, %c0_i32_0 : i32, i32
  }
  func.func @transform_3(%arg0: i32) -> (i32, i32) {
    %c0_i32 = arith.constant 0 : i32
    %c0_i32_0 = arith.constant 0 : i32
    %c0_i32_1 = arith.constant 0 : i32
    return %c0_i32, %c0_i32_0 : i32, i32
  }
  func.func @transform_4(%arg0: i32) -> (i32, i32) {
    %c0_i32 = arith.constant 0 : i32
    %c0_i32_0 = arith.constant 0 : i32
    %c0_i32_1 = arith.constant 0 : i32
    return %c0_i32, %c0_i32_0 : i32, i32
  }
  func.func @transform_5(%arg0: i32) -> (i32, i32) {
    %c0_i32 = arith.constant 0 : i32
    %c0_i32_0 = arith.constant 0 : i32
    %c0_i32_1 = arith.constant 0 : i32
    return %c0_i32, %c0_i32_0 : i32, i32
  }
  func.func @transform_6(%arg0: i32) -> (i32, i32) {
    %c0_i32 = arith.constant 0 : i32
    %c0_i32_0 = arith.constant 0 : i32
    %c0_i32_1 = arith.constant 0 : i32
    return %c0_i32, %c0_i32_0 : i32, i32
  }
  func.func @transform_7(%arg0: i32) -> (i32, i32) {
    %c0_i32 = arith.constant 0 : i32
    %c0_i32_0 = arith.constant 0 : i32
    %c0_i32_1 = arith.constant 0 : i32
    return %c0_i32, %c0_i32_0 : i32, i32
  }
  func.func @transform_8(%arg0: i32) -> (i32, i32, i32) {
    %c0_i32 = arith.constant 0 : i32
    %c0_i32_0 = arith.constant 0 : i32
    %c0_i32_1 = arith.constant 0 : i32
    return %c0_i32, %arg0, %c0_i32_0 : i32, i32, i32
  }
  func.func @transform_9(%arg0: i32) -> (i32, i32) {
    %c0_i32 = arith.constant 0 : i32
    %c0_i32_0 = arith.constant 0 : i32
    return %arg0, %c0_i32 : i32, i32
  }
}

module attributes {stable_mosaic.version = 14 : i64} {
  func.func @_update_body(%arg0: i32, %arg1: memref<416x128xf32, #tpu.memory_space<vmem>>, %arg2: memref<7x416x32xf32, #tpu.memory_space<vmem>>, %arg3: memref<416x128xf32, #tpu.memory_space<vmem>>) attributes {dimension_semantics = [#tpu.dimension_semantics<arbitrary>], iteration_bounds = array<i64: 128>, scalar_prefetch = 0 : i64, scratch_operands = 0 : i64, tpu.core_type = #tpu.core_type<tc>, window_params = [{transform_indices = @transform_0, window_bounds = array<i64: 416, 128>}, {transform_indices = @transform_1, window_bounds = array<i64: 7, 416, 32>}, {transform_indices = @transform_2, window_bounds = array<i64: 416, 128>}]} {
    %get3A = arith.constant 0 : index
    %get3A_0 = arith.constant 0 : index
    %get3A_1 = arith.constant 0 : index
    %get3A_2 = vector.load %arg2[%get3A, %get3A_0, %get3A_1] : memref<7x416x32xf32, #tpu.memory_space<vmem>>, vector<7x416x32xf32>
    %slice3A = vector.extract_strided_slice %get3A_2 {offsets = [6, 0, 0], sizes = [1, 416, 32], strides = [1, 1, 1]} : vector<7x416x32xf32> to vector<1x416x32xf32>
    %squeeze3A = vector.shape_cast %slice3A : vector<1x416x32xf32> to vector<416x32xf32>
    %broadcast_in_dim3A = arith.constant 0.000000e+00 : f32
    %broadcast_in_dim3A_3 = vector.broadcast %broadcast_in_dim3A : f32 to vector<416x64xf32>
    %slice3A_4 = vector.extract_strided_slice %get3A_2 {offsets = [0, 0, 0], sizes = [1, 416, 32], strides = [1, 1, 1]} : vector<7x416x32xf32> to vector<1x416x32xf32>
    %squeeze3A_5 = vector.shape_cast %slice3A_4 : vector<1x416x32xf32> to vector<416x32xf32>
    %slice3A_6 = vector.extract_strided_slice %get3A_2 {offsets = [1, 0, 0], sizes = [1, 416, 32], strides = [1, 1, 1]} : vector<7x416x32xf32> to vector<1x416x32xf32>
    %squeeze3A_7 = vector.shape_cast %slice3A_6 : vector<1x416x32xf32> to vector<416x32xf32>
    %concatenate3A = tpu.concatenate %squeeze3A_5, %squeeze3A_7 in 1 : vector<416x32xf32>, vector<416x32xf32> -> vector<416x64xf32>
    %slice3A_8 = vector.extract_strided_slice %squeeze3A {offsets = [0, 0], sizes = [416, 1], strides = [1, 1]} : vector<416x32xf32> to vector<416x1xf32>
    %add3A = arith.constant 1.000000e-10 : f32
    %add3A_9 = vector.broadcast %add3A : f32 to vector<416x1xf32>
    %add3A_10 = arith.addf %slice3A_8, %add3A_9 : vector<416x1xf32>
    %div3A = vector.broadcast %add3A_10 : vector<416x1xf32> to vector<416x64xf32>
    %div3A_11 = arith.divf %concatenate3A, %div3A : vector<416x64xf32>
    %add3A_12 = arith.addf %broadcast_in_dim3A_3, %div3A_11 : vector<416x64xf32>
    %slice3A_13 = vector.extract_strided_slice %get3A_2 {offsets = [2, 0, 0], sizes = [1, 416, 32], strides = [1, 1, 1]} : vector<7x416x32xf32> to vector<1x416x32xf32>
    %squeeze3A_14 = vector.shape_cast %slice3A_13 : vector<1x416x32xf32> to vector<416x32xf32>
    %slice3A_15 = vector.extract_strided_slice %get3A_2 {offsets = [3, 0, 0], sizes = [1, 416, 32], strides = [1, 1, 1]} : vector<7x416x32xf32> to vector<1x416x32xf32>
    %squeeze3A_16 = vector.shape_cast %slice3A_15 : vector<1x416x32xf32> to vector<416x32xf32>
    %concatenate3A_17 = tpu.concatenate %squeeze3A_14, %squeeze3A_16 in 1 : vector<416x32xf32>, vector<416x32xf32> -> vector<416x64xf32>
    %slice3A_18 = vector.extract_strided_slice %squeeze3A {offsets = [0, 1], sizes = [416, 1], strides = [1, 1]} : vector<416x32xf32> to vector<416x1xf32>
    %add3A_19 = arith.constant 1.000000e-10 : f32
    %add3A_20 = vector.broadcast %add3A_19 : f32 to vector<416x1xf32>
    %add3A_21 = arith.addf %slice3A_18, %add3A_20 : vector<416x1xf32>
    %div3A_22 = vector.broadcast %add3A_21 : vector<416x1xf32> to vector<416x64xf32>
    %div3A_23 = arith.divf %concatenate3A_17, %div3A_22 : vector<416x64xf32>
    %add3A_24 = arith.addf %add3A_12, %div3A_23 : vector<416x64xf32>
    %slice3A_25 = vector.extract_strided_slice %get3A_2 {offsets = [4, 0, 0], sizes = [1, 416, 32], strides = [1, 1, 1]} : vector<7x416x32xf32> to vector<1x416x32xf32>
    %squeeze3A_26 = vector.shape_cast %slice3A_25 : vector<1x416x32xf32> to vector<416x32xf32>
    %slice3A_27 = vector.extract_strided_slice %get3A_2 {offsets = [5, 0, 0], sizes = [1, 416, 32], strides = [1, 1, 1]} : vector<7x416x32xf32> to vector<1x416x32xf32>
    %squeeze3A_28 = vector.shape_cast %slice3A_27 : vector<1x416x32xf32> to vector<416x32xf32>
    %concatenate3A_29 = tpu.concatenate %squeeze3A_26, %squeeze3A_28 in 1 : vector<416x32xf32>, vector<416x32xf32> -> vector<416x64xf32>
    %slice3A_30 = vector.extract_strided_slice %squeeze3A {offsets = [0, 2], sizes = [416, 1], strides = [1, 1]} : vector<416x32xf32> to vector<416x1xf32>
    %add3A_31 = arith.constant 1.000000e-10 : f32
    %add3A_32 = vector.broadcast %add3A_31 : f32 to vector<416x1xf32>
    %add3A_33 = arith.addf %slice3A_30, %add3A_32 : vector<416x1xf32>
    %div3A_34 = vector.broadcast %add3A_33 : vector<416x1xf32> to vector<416x64xf32>
    %div3A_35 = arith.divf %concatenate3A_29, %div3A_34 : vector<416x64xf32>
    %add3A_36 = arith.addf %add3A_24, %div3A_35 : vector<416x64xf32>
    %get3A_37 = arith.constant 0 : index
    %get3A_38 = arith.constant 0 : index
    %get3A_39 = vector.load %arg1[%get3A_37, %get3A_38] : memref<416x128xf32, #tpu.memory_space<vmem>>, vector<416x128xf32>
    %slice3A_40 = vector.extract_strided_slice %get3A_39 {offsets = [0, 0], sizes = [416, 64], strides = [1, 1]} : vector<416x128xf32> to vector<416x64xf32>
    %mul3A = arith.constant 0.333333343 : f32
    %mul3A_41 = vector.broadcast %mul3A : f32 to vector<416x64xf32>
    %mul3A_42 = arith.mulf %add3A_36, %mul3A_41 : vector<416x64xf32>
    %add3A_43 = arith.addf %slice3A_40, %mul3A_42 : vector<416x64xf32>
    %broadcast_in_dim3A_44 = arith.constant 0.000000e+00 : f32
    %broadcast_in_dim3A_45 = vector.broadcast %broadcast_in_dim3A_44 : f32 to vector<416x64xf32>
    %concatenate3A_46 = tpu.concatenate %add3A_43, %broadcast_in_dim3A_45 in 1 : vector<416x64xf32>, vector<416x64xf32> -> vector<416x128xf32>
    %swap3A = arith.constant 0 : index
    %swap3A_47 = arith.constant 0 : index
    %swap3A_48 = vector.load %arg3[%swap3A, %swap3A_47] : memref<416x128xf32, #tpu.memory_space<vmem>>, vector<416x128xf32>
    tpu.vector_store %arg3[%swap3A, %swap3A_47], %concatenate3A_46 {strides = array<i32>} : memref<416x128xf32, #tpu.memory_space<vmem>>, vector<416x128xf32>,
    return
  }
  func.func @transform_0(%arg0: i32) -> (i32, i32) {
    %c0_i32 = arith.constant 0 : i32
    %c0_i32_0 = arith.constant 0 : i32
    return %arg0, %c0_i32 : i32, i32
  }
  func.func @transform_1(%arg0: i32) -> (i32, i32, i32) {
    %c0_i32 = arith.constant 0 : i32
    %c0_i32_0 = arith.constant 0 : i32
    %c0_i32_1 = arith.constant 0 : i32
    return %c0_i32, %arg0, %c0_i32_0 : i32, i32, i32
  }
  func.func @transform_2(%arg0: i32) -> (i32, i32) {
    %c0_i32 = arith.constant 0 : i32
    %c0_i32_0 = arith.constant 0 : i32
    return %arg0, %c0_i32 : i32, i32
  }
}

module attributes {stable_mosaic.version = 14 : i64} {
  func.func @_edge_mlp_body(%arg0: i32, %arg1: memref<784x128xf32, #tpu.memory_space<vmem>>, %arg2: memref<784x128xf32, #tpu.memory_space<vmem>>, %arg3: memref<784x8xf32, #tpu.memory_space<vmem>>, %arg4: memref<128x1536xf32, #tpu.memory_space<vmem>>, %arg5: memref<1x1536xf32, #tpu.memory_space<vmem>>, %arg6: memref<768x1xf32, #tpu.memory_space<vmem>>, %arg7: memref<1x3xf32, #tpu.memory_space<vmem>>, %arg8: memref<768x64xf32, #tpu.memory_space<vmem>>, %arg9: memref<3x64xf32, #tpu.memory_space<vmem>>, %arg10: memref<7x784x32xf32, #tpu.memory_space<vmem>>) attributes {dimension_semantics = [#tpu.dimension_semantics<arbitrary>], iteration_bounds = array<i64: 1024>, scalar_prefetch = 0 : i64, scratch_operands = 0 : i64, tpu.core_type = #tpu.core_type<tc>, window_params = [{transform_indices = @transform_0, window_bounds = array<i64: 784, 128>}, {transform_indices = @transform_1, window_bounds = array<i64: 784, 128>}, {transform_indices = @transform_2, window_bounds = array<i64: 784, 8>}, {pipeline_mode = #tpu.pipeline_mode<synchronous>, transform_indices = @transform_3, window_bounds = array<i64: 128, 1536>}, {pipeline_mode = #tpu.pipeline_mode<synchronous>, transform_indices = @transform_4, window_bounds = array<i64: 1, 1536>}, {pipeline_mode = #tpu.pipeline_mode<synchronous>, transform_indices = @transform_5, window_bounds = array<i64: 768, 1>}, {pipeline_mode = #tpu.pipeline_mode<synchronous>, transform_indices = @transform_6, window_bounds = array<i64: 1, 3>}, {pipeline_mode = #tpu.pipeline_mode<synchronous>, transform_indices = @transform_7, window_bounds = array<i64: 768, 64>}, {pipeline_mode = #tpu.pipeline_mode<synchronous>, transform_indices = @transform_8, window_bounds = array<i64: 3, 64>}, {transform_indices = @transform_9, window_bounds = array<i64: 7, 784, 32>}]} {
    %get3A = arith.constant 0 : index
    %get3A_0 = arith.constant 0 : index
    %get3A_1 = vector.load %arg1[%get3A, %get3A_0] : memref<784x128xf32, #tpu.memory_space<vmem>>, vector<784x128xf32>
    %slice3A = vector.extract_strided_slice %get3A_1 {offsets = [0, 0], sizes = [784, 64], strides = [1, 1]} : vector<784x128xf32> to vector<784x64xf32>
    %get3A_2 = arith.constant 0 : index
    %get3A_3 = arith.constant 0 : index
    %get3A_4 = vector.load %arg2[%get3A_2, %get3A_3] : memref<784x128xf32, #tpu.memory_space<vmem>>, vector<784x128xf32>
    %slice3A_5 = vector.extract_strided_slice %get3A_4 {offsets = [0, 0], sizes = [784, 64], strides = [1, 1]} : vector<784x128xf32> to vector<784x64xf32>
    %get3A_6 = arith.constant 0 : index
    %get3A_7 = arith.constant 0 : index
    %get3A_8 = vector.load %arg3[%get3A_6, %get3A_7] : memref<784x8xf32, #tpu.memory_space<vmem>>, vector<784x8xf32>
    %slice3A_9 = vector.extract_strided_slice %get3A_8 {offsets = [0, 0], sizes = [784, 1], strides = [1, 1]} : vector<784x8xf32> to vector<784x1xf32>
    %get3A_10 = arith.constant 0 : index
    %get3A_11 = arith.constant 0 : index
    %get3A_12 = vector.load %arg4[%get3A_10, %get3A_11] : memref<128x1536xf32, #tpu.memory_space<vmem>>, vector<128x1536xf32>
    %slice3A_13 = vector.extract_strided_slice %get3A_12 {offsets = [0, 0], sizes = [64, 1536], strides = [1, 1]} : vector<128x1536xf32> to vector<64x1536xf32>
    %dot_general3A = arith.constant dense<0.000000e+00> : vector<784x1536xf32>
    %dot_general3A_14 = tpu.matmul %slice3A, %slice3A_13, %dot_general3A {dimension_numbers = #tpu.dot_dimension_numbers<[1], [0], [0], [1], [0, 0, 1, 1], [], []>, transpose_lhs_hint = false} : vector<784x64xf32>, vector<64x1536xf32>, vector<784x1536xf32> -> vector<784x1536xf32>
    %slice3A_15 = vector.extract_strided_slice %get3A_12 {offsets = [64, 0], sizes = [64, 1536], strides = [1, 1]} : vector<128x1536xf32> to vector<64x1536xf32>
    %dot_general3A_16 = arith.constant dense<0.000000e+00> : vector<784x1536xf32>
    %dot_general3A_17 = tpu.matmul %slice3A_5, %slice3A_15, %dot_general3A_16 {dimension_numbers = #tpu.dot_dimension_numbers<[1], [0], [0], [1], [0, 0, 1, 1], [], []>, transpose_lhs_hint = false} : vector<784x64xf32>, vector<64x1536xf32>, vector<784x1536xf32> -> vector<784x1536xf32>
    %add3A = arith.addf %dot_general3A_14, %dot_general3A_17 : vector<784x1536xf32>
    %get3A_18 = arith.constant 0 : index
    %get3A_19 = arith.constant 0 : index
    %get3A_20 = vector.load %arg5[%get3A_18, %get3A_19] : memref<1x1536xf32, #tpu.memory_space<vmem>>, vector<1x1536xf32>
    %add3A_21 = vector.broadcast %get3A_20 : vector<1x1536xf32> to vector<784x1536xf32>
    %add3A_22 = arith.addf %add3A, %add3A_21 : vector<784x1536xf32>
    %logistic3A = arith.negf %add3A_22 : vector<784x1536xf32>
    %logistic3A_23 = math.exp %logistic3A : vector<784x1536xf32>
    %logistic3A_24 = arith.constant 1.000000e+00 : f32
    %logistic3A_25 = vector.broadcast %logistic3A_24 : f32 to vector<784x1536xf32>
    %logistic3A_26 = arith.addf %logistic3A_25, %logistic3A_23 : vector<784x1536xf32>
    %logistic3A_27 = arith.divf %logistic3A_25, %logistic3A_26 : vector<784x1536xf32>
    %mul3A = arith.mulf %add3A_22, %logistic3A_27 : vector<784x1536xf32>
    %get3A_28 = arith.constant 0 : index
    %get3A_29 = arith.constant 0 : index
    %get3A_30 = vector.load %arg6[%get3A_28, %get3A_29] : memref<768x1xf32, #tpu.memory_space<vmem>>, vector<768x1xf32>
    %get3A_31 = arith.constant 0 : index
    %get3A_32 = arith.constant 0 : index
    %get3A_33 = vector.load %arg7[%get3A_31, %get3A_32] : memref<1x3xf32, #tpu.memory_space<vmem>>, vector<1x3xf32>
    %get3A_34 = arith.constant 0 : index
    %get3A_35 = arith.constant 0 : index
    %get3A_36 = vector.load %arg8[%get3A_34, %get3A_35] : memref<768x64xf32, #tpu.memory_space<vmem>>, vector<768x64xf32>
    %get3A_37 = arith.constant 0 : index
    %get3A_38 = arith.constant 0 : index
    %get3A_39 = vector.load %arg9[%get3A_37, %get3A_38] : memref<3x64xf32, #tpu.memory_space<vmem>>, vector<3x64xf32>
    %slice3A_40 = vector.extract_strided_slice %mul3A {offsets = [0, 0], sizes = [784, 256], strides = [1, 1]} : vector<784x1536xf32> to vector<784x256xf32>
    %slice3A_41 = vector.extract_strided_slice %get3A_30 {offsets = [0, 0], sizes = [256, 1], strides = [1, 1]} : vector<768x1xf32> to vector<256x1xf32>
    %dot_general3A_42 = arith.constant dense<0.000000e+00> : vector<784x1xf32>
    %dot_general3A_43 = tpu.matmul %slice3A_40, %slice3A_41, %dot_general3A_42 {dimension_numbers = #tpu.dot_dimension_numbers<[1], [0], [0], [1], [0, 0, 1, 1], [], []>, transpose_lhs_hint = false} : vector<784x256xf32>, vector<256x1xf32>, vector<784x1xf32> -> vector<784x1xf32>
    %slice3A_44 = vector.extract_strided_slice %get3A_33 {offsets = [0, 0], sizes = [1, 1], strides = [1, 1]} : vector<1x3xf32> to vector<1x1xf32>
    %squeeze3A = vector.extract %slice3A_44[0, 0] : f32 from vector<1x1xf32>
    %add3A_45 = vector.broadcast %squeeze3A : f32 to vector<784x1xf32>
    %add3A_46 = arith.addf %dot_general3A_43, %add3A_45 : vector<784x1xf32>
    %exp3A = math.exp %add3A_46 : vector<784x1xf32>
    %mul3A_47 = arith.mulf %slice3A_9, %exp3A : vector<784x1xf32>
    %slice3A_48 = vector.extract_strided_slice %mul3A {offsets = [0, 768], sizes = [784, 256], strides = [1, 1]} : vector<784x1536xf32> to vector<784x256xf32>
    %slice3A_49 = vector.extract_strided_slice %get3A_36 {offsets = [0, 0], sizes = [256, 64], strides = [1, 1]} : vector<768x64xf32> to vector<256x64xf32>
    %dot_general3A_50 = arith.constant dense<0.000000e+00> : vector<784x64xf32>
    %dot_general3A_51 = tpu.matmul %slice3A_48, %slice3A_49, %dot_general3A_50 {dimension_numbers = #tpu.dot_dimension_numbers<[1], [0], [0], [1], [0, 0, 1, 1], [], []>, transpose_lhs_hint = false} : vector<784x256xf32>, vector<256x64xf32>, vector<784x64xf32> -> vector<784x64xf32>
    %slice3A_52 = vector.extract_strided_slice %get3A_39 {offsets = [0, 0], sizes = [1, 64], strides = [1, 1]} : vector<3x64xf32> to vector<1x64xf32>
    %squeeze3A_53 = vector.shape_cast %slice3A_52 : vector<1x64xf32> to vector<64xf32>
    %broadcast_in_dim3A = vector.shape_cast %squeeze3A_53 : vector<64xf32> to vector<1x64xf32>
    %add3A_54 = vector.broadcast %broadcast_in_dim3A : vector<1x64xf32> to vector<784x64xf32>
    %add3A_55 = arith.addf %dot_general3A_51, %add3A_54 : vector<784x64xf32>
    %mul3A_56 = vector.broadcast %mul3A_47 : vector<784x1xf32> to vector<784x64xf32>
    %mul3A_57 = arith.mulf %mul3A_56, %add3A_55 : vector<784x64xf32>
    %slice3A_58 = vector.extract_strided_slice %mul3A_57 {offsets = [0, 0], sizes = [784, 32], strides = [1, 1]} : vector<784x64xf32> to vector<784x32xf32>
    %slice3A_59 = vector.extract_strided_slice %mul3A_57 {offsets = [0, 32], sizes = [784, 32], strides = [1, 1]} : vector<784x64xf32> to vector<784x32xf32>
    %slice3A_60 = vector.extract_strided_slice %mul3A {offsets = [0, 256], sizes = [784, 256], strides = [1, 1]} : vector<784x1536xf32> to vector<784x256xf32>
    %slice3A_61 = vector.extract_strided_slice %get3A_30 {offsets = [256, 0], sizes = [256, 1], strides = [1, 1]} : vector<768x1xf32> to vector<256x1xf32>
    %dot_general3A_62 = arith.constant dense<0.000000e+00> : vector<784x1xf32>
    %dot_general3A_63 = tpu.matmul %slice3A_60, %slice3A_61, %dot_general3A_62 {dimension_numbers = #tpu.dot_dimension_numbers<[1], [0], [0], [1], [0, 0, 1, 1], [], []>, transpose_lhs_hint = false} : vector<784x256xf32>, vector<256x1xf32>, vector<784x1xf32> -> vector<784x1xf32>
    %slice3A_64 = vector.extract_strided_slice %get3A_33 {offsets = [0, 1], sizes = [1, 1], strides = [1, 1]} : vector<1x3xf32> to vector<1x1xf32>
    %squeeze3A_65 = vector.extract %slice3A_64[0, 0] : f32 from vector<1x1xf32>
    %add3A_66 = vector.broadcast %squeeze3A_65 : f32 to vector<784x1xf32>
    %add3A_67 = arith.addf %dot_general3A_63, %add3A_66 : vector<784x1xf32>
    %exp3A_68 = math.exp %add3A_67 : vector<784x1xf32>
    %mul3A_69 = arith.mulf %slice3A_9, %exp3A_68 : vector<784x1xf32>
    %slice3A_70 = vector.extract_strided_slice %mul3A {offsets = [0, 1024], sizes = [784, 256], strides = [1, 1]} : vector<784x1536xf32> to vector<784x256xf32>
    %slice3A_71 = vector.extract_strided_slice %get3A_36 {offsets = [256, 0], sizes = [256, 64], strides = [1, 1]} : vector<768x64xf32> to vector<256x64xf32>
    %dot_general3A_72 = arith.constant dense<0.000000e+00> : vector<784x64xf32>
    %dot_general3A_73 = tpu.matmul %slice3A_70, %slice3A_71, %dot_general3A_72 {dimension_numbers = #tpu.dot_dimension_numbers<[1], [0], [0], [1], [0, 0, 1, 1], [], []>, transpose_lhs_hint = false} : vector<784x256xf32>, vector<256x64xf32>, vector<784x64xf32> -> vector<784x64xf32>
    %slice3A_74 = vector.extract_strided_slice %get3A_39 {offsets = [1, 0], sizes = [1, 64], strides = [1, 1]} : vector<3x64xf32> to vector<1x64xf32>
    %squeeze3A_75 = vector.shape_cast %slice3A_74 : vector<1x64xf32> to vector<64xf32>
    %broadcast_in_dim3A_76 = vector.shape_cast %squeeze3A_75 : vector<64xf32> to vector<1x64xf32>
    %add3A_77 = vector.broadcast %broadcast_in_dim3A_76 : vector<1x64xf32> to vector<784x64xf32>
    %add3A_78 = arith.addf %dot_general3A_73, %add3A_77 : vector<784x64xf32>
    %mul3A_79 = vector.broadcast %mul3A_69 : vector<784x1xf32> to vector<784x64xf32>
    %mul3A_80 = arith.mulf %mul3A_79, %add3A_78 : vector<784x64xf32>
    %slice3A_81 = vector.extract_strided_slice %mul3A_80 {offsets = [0, 0], sizes = [784, 32], strides = [1, 1]} : vector<784x64xf32> to vector<784x32xf32>
    %slice3A_82 = vector.extract_strided_slice %mul3A_80 {offsets = [0, 32], sizes = [784, 32], strides = [1, 1]} : vector<784x64xf32> to vector<784x32xf32>
    %slice3A_83 = vector.extract_strided_slice %mul3A {offsets = [0, 512], sizes = [784, 256], strides = [1, 1]} : vector<784x1536xf32> to vector<784x256xf32>
    %slice3A_84 = vector.extract_strided_slice %get3A_30 {offsets = [512, 0], sizes = [256, 1], strides = [1, 1]} : vector<768x1xf32> to vector<256x1xf32>
    %dot_general3A_85 = arith.constant dense<0.000000e+00> : vector<784x1xf32>
    %dot_general3A_86 = tpu.matmul %slice3A_83, %slice3A_84, %dot_general3A_85 {dimension_numbers = #tpu.dot_dimension_numbers<[1], [0], [0], [1], [0, 0, 1, 1], [], []>, transpose_lhs_hint = false} : vector<784x256xf32>, vector<256x1xf32>, vector<784x1xf32> -> vector<784x1xf32>
    %slice3A_87 = vector.extract_strided_slice %get3A_33 {offsets = [0, 2], sizes = [1, 1], strides = [1, 1]} : vector<1x3xf32> to vector<1x1xf32>
    %squeeze3A_88 = vector.extract %slice3A_87[0, 0] : f32 from vector<1x1xf32>
    %add3A_89 = vector.broadcast %squeeze3A_88 : f32 to vector<784x1xf32>
    %add3A_90 = arith.addf %dot_general3A_86, %add3A_89 : vector<784x1xf32>
    %exp3A_91 = math.exp %add3A_90 : vector<784x1xf32>
    %mul3A_92 = arith.mulf %slice3A_9, %exp3A_91 : vector<784x1xf32>
    %slice3A_93 = vector.extract_strided_slice %mul3A {offsets = [0, 1280], sizes = [784, 256], strides = [1, 1]} : vector<784x1536xf32> to vector<784x256xf32>
    %slice3A_94 = vector.extract_strided_slice %get3A_36 {offsets = [512, 0], sizes = [256, 64], strides = [1, 1]} : vector<768x64xf32> to vector<256x64xf32>
    %dot_general3A_95 = arith.constant dense<0.000000e+00> : vector<784x64xf32>
    %dot_general3A_96 = tpu.matmul %slice3A_93, %slice3A_94, %dot_general3A_95 {dimension_numbers = #tpu.dot_dimension_numbers<[1], [0], [0], [1], [0, 0, 1, 1], [], []>, transpose_lhs_hint = false} : vector<784x256xf32>, vector<256x64xf32>, vector<784x64xf32> -> vector<784x64xf32>
    %slice3A_97 = vector.extract_strided_slice %get3A_39 {offsets = [2, 0], sizes = [1, 64], strides = [1, 1]} : vector<3x64xf32> to vector<1x64xf32>
    %squeeze3A_98 = vector.shape_cast %slice3A_97 : vector<1x64xf32> to vector<64xf32>
    %broadcast_in_dim3A_99 = vector.shape_cast %squeeze3A_98 : vector<64xf32> to vector<1x64xf32>
    %add3A_100 = vector.broadcast %broadcast_in_dim3A_99 : vector<1x64xf32> to vector<784x64xf32>
    %add3A_101 = arith.addf %dot_general3A_96, %add3A_100 : vector<784x64xf32>
    %mul3A_102 = vector.broadcast %mul3A_92 : vector<784x1xf32> to vector<784x64xf32>
    %mul3A_103 = arith.mulf %mul3A_102, %add3A_101 : vector<784x64xf32>
    %slice3A_104 = vector.extract_strided_slice %mul3A_103 {offsets = [0, 0], sizes = [784, 32], strides = [1, 1]} : vector<784x64xf32> to vector<784x32xf32>
    %slice3A_105 = vector.extract_strided_slice %mul3A_103 {offsets = [0, 32], sizes = [784, 32], strides = [1, 1]} : vector<784x64xf32> to vector<784x32xf32>
    %broadcast_in_dim3A_106 = arith.constant 0.000000e+00 : f32
    %broadcast_in_dim3A_107 = vector.broadcast %broadcast_in_dim3A_106 : f32 to vector<784x29xf32>
    %concatenate3A = tpu.concatenate %mul3A_47, %mul3A_69, %mul3A_92, %broadcast_in_dim3A_107 in 1 : vector<784x1xf32>, vector<784x1xf32>, vector<784x1xf32>, vector<784x29xf32> -> vector<784x32xf32>
    %swap3A = arith.constant 0 : index
    %swap3A_108 = arith.constant 0 : index
    %swap3A_109 = arith.constant 0 : index
    %swap3A_110 = vector.load %arg10[%swap3A, %swap3A_108, %swap3A_109] : memref<7x784x32xf32, #tpu.memory_space<vmem>>, vector<1x784x32xf32>
    %swap3A_111 = vector.shape_cast %swap3A_110 : vector<1x784x32xf32> to vector<784x32xf32>
    %swap3A_112 = vector.shape_cast %slice3A_58 : vector<784x32xf32> to vector<1x784x32xf32>
    tpu.vector_store %arg10[%swap3A, %swap3A_108, %swap3A_109], %swap3A_112 {strides = array<i32>} : memref<7x784x32xf32, #tpu.memory_space<vmem>>, vector<1x784x32xf32>,
    %swap3A_113 = arith.constant 1 : index
    %swap3A_114 = arith.constant 0 : index
    %swap3A_115 = arith.constant 0 : index
    %swap3A_116 = vector.load %arg10[%swap3A_113, %swap3A_114, %swap3A_115] : memref<7x784x32xf32, #tpu.memory_space<vmem>>, vector<1x784x32xf32>
    %swap3A_117 = vector.shape_cast %swap3A_116 : vector<1x784x32xf32> to vector<784x32xf32>
    %swap3A_118 = vector.shape_cast %slice3A_59 : vector<784x32xf32> to vector<1x784x32xf32>
    tpu.vector_store %arg10[%swap3A_113, %swap3A_114, %swap3A_115], %swap3A_118 {strides = array<i32>} : memref<7x784x32xf32, #tpu.memory_space<vmem>>, vector<1x784x32xf32>,
    %swap3A_119 = arith.constant 2 : index
    %swap3A_120 = arith.constant 0 : index
    %swap3A_121 = arith.constant 0 : index
    %swap3A_122 = vector.load %arg10[%swap3A_119, %swap3A_120, %swap3A_121] : memref<7x784x32xf32, #tpu.memory_space<vmem>>, vector<1x784x32xf32>
    %swap3A_123 = vector.shape_cast %swap3A_122 : vector<1x784x32xf32> to vector<784x32xf32>
    %swap3A_124 = vector.shape_cast %slice3A_81 : vector<784x32xf32> to vector<1x784x32xf32>
    tpu.vector_store %arg10[%swap3A_119, %swap3A_120, %swap3A_121], %swap3A_124 {strides = array<i32>} : memref<7x784x32xf32, #tpu.memory_space<vmem>>, vector<1x784x32xf32>,
    %swap3A_125 = arith.constant 3 : index
    %swap3A_126 = arith.constant 0 : index
    %swap3A_127 = arith.constant 0 : index
    %swap3A_128 = vector.load %arg10[%swap3A_125, %swap3A_126, %swap3A_127] : memref<7x784x32xf32, #tpu.memory_space<vmem>>, vector<1x784x32xf32>
    %swap3A_129 = vector.shape_cast %swap3A_128 : vector<1x784x32xf32> to vector<784x32xf32>
    %swap3A_130 = vector.shape_cast %slice3A_82 : vector<784x32xf32> to vector<1x784x32xf32>
    tpu.vector_store %arg10[%swap3A_125, %swap3A_126, %swap3A_127], %swap3A_130 {strides = array<i32>} : memref<7x784x32xf32, #tpu.memory_space<vmem>>, vector<1x784x32xf32>,
    %swap3A_131 = arith.constant 4 : index
    %swap3A_132 = arith.constant 0 : index
    %swap3A_133 = arith.constant 0 : index
    %swap3A_134 = vector.load %arg10[%swap3A_131, %swap3A_132, %swap3A_133] : memref<7x784x32xf32, #tpu.memory_space<vmem>>, vector<1x784x32xf32>
    %swap3A_135 = vector.shape_cast %swap3A_134 : vector<1x784x32xf32> to vector<784x32xf32>
    %swap3A_136 = vector.shape_cast %slice3A_104 : vector<784x32xf32> to vector<1x784x32xf32>
    tpu.vector_store %arg10[%swap3A_131, %swap3A_132, %swap3A_133], %swap3A_136 {strides = array<i32>} : memref<7x784x32xf32, #tpu.memory_space<vmem>>, vector<1x784x32xf32>,
    %swap3A_137 = arith.constant 5 : index
    %swap3A_138 = arith.constant 0 : index
    %swap3A_139 = arith.constant 0 : index
    %swap3A_140 = vector.load %arg10[%swap3A_137, %swap3A_138, %swap3A_139] : memref<7x784x32xf32, #tpu.memory_space<vmem>>, vector<1x784x32xf32>
    %swap3A_141 = vector.shape_cast %swap3A_140 : vector<1x784x32xf32> to vector<784x32xf32>
    %swap3A_142 = vector.shape_cast %slice3A_105 : vector<784x32xf32> to vector<1x784x32xf32>
    tpu.vector_store %arg10[%swap3A_137, %swap3A_138, %swap3A_139], %swap3A_142 {strides = array<i32>} : memref<7x784x32xf32, #tpu.memory_space<vmem>>, vector<1x784x32xf32>,
    %swap3A_143 = arith.constant 6 : index
    %swap3A_144 = arith.constant 0 : index
    %swap3A_145 = arith.constant 0 : index
    %swap3A_146 = vector.load %arg10[%swap3A_143, %swap3A_144, %swap3A_145] : memref<7x784x32xf32, #tpu.memory_space<vmem>>, vector<1x784x32xf32>
    %swap3A_147 = vector.shape_cast %swap3A_146 : vector<1x784x32xf32> to vector<784x32xf32>
    %swap3A_148 = vector.shape_cast %concatenate3A : vector<784x32xf32> to vector<1x784x32xf32>
    tpu.vector_store %arg10[%swap3A_143, %swap3A_144, %swap3A_145], %swap3A_148 {strides = array<i32>} : memref<7x784x32xf32, #tpu.memory_space<vmem>>, vector<1x784x32xf32>,
    return
  }
  func.func @transform_0(%arg0: i32) -> (i32, i32) {
    %c0_i32 = arith.constant 0 : i32
    %c0_i32_0 = arith.constant 0 : i32
    return %arg0, %c0_i32 : i32, i32
  }
  func.func @transform_1(%arg0: i32) -> (i32, i32) {
    %c0_i32 = arith.constant 0 : i32
    %c0_i32_0 = arith.constant 0 : i32
    return %arg0, %c0_i32 : i32, i32
  }
  func.func @transform_2(%arg0: i32) -> (i32, i32) {
    %c0_i32 = arith.constant 0 : i32
    %c0_i32_0 = arith.constant 0 : i32
    return %arg0, %c0_i32 : i32, i32
  }
  func.func @transform_3(%arg0: i32) -> (i32, i32) {
    %c0_i32 = arith.constant 0 : i32
    %c0_i32_0 = arith.constant 0 : i32
    %c0_i32_1 = arith.constant 0 : i32
    return %c0_i32, %c0_i32_0 : i32, i32
  }
  func.func @transform_4(%arg0: i32) -> (i32, i32) {
    %c0_i32 = arith.constant 0 : i32
    %c0_i32_0 = arith.constant 0 : i32
    %c0_i32_1 = arith.constant 0 : i32
    return %c0_i32, %c0_i32_0 : i32, i32
  }
  func.func @transform_5(%arg0: i32) -> (i32, i32) {
    %c0_i32 = arith.constant 0 : i32
    %c0_i32_0 = arith.constant 0 : i32
    %c0_i32_1 = arith.constant 0 : i32
    return %c0_i32, %c0_i32_0 : i32, i32
  }
  func.func @transform_6(%arg0: i32) -> (i32, i32) {
    %c0_i32 = arith.constant 0 : i32
    %c0_i32_0 = arith.constant 0 : i32
    %c0_i32_1 = arith.constant 0 : i32
    return %c0_i32, %c0_i32_0 : i32, i32
  }
  func.func @transform_7(%arg0: i32) -> (i32, i32) {
    %c0_i32 = arith.constant 0 : i32
    %c0_i32_0 = arith.constant 0 : i32
    %c0_i32_1 = arith.constant 0 : i32
    return %c0_i32, %c0_i32_0 : i32, i32
  }
  func.func @transform_8(%arg0: i32) -> (i32, i32) {
    %c0_i32 = arith.constant 0 : i32
    %c0_i32_0 = arith.constant 0 : i32
    %c0_i32_1 = arith.constant 0 : i32
    return %c0_i32, %c0_i32_0 : i32, i32
  }
  func.func @transform_9(%arg0: i32) -> (i32, i32, i32) {
    %c0_i32 = arith.constant 0 : i32
    %c0_i32_0 = arith.constant 0 : i32
    %c0_i32_1 = arith.constant 0 : i32
    return %c0_i32, %arg0, %c0_i32_0 : i32, i32, i32
  }
}

module attributes {stable_mosaic.version = 14 : i64} {
  func.func @_node_mlp_body(%arg0: i32, %arg1: memref<416x128xf32, #tpu.memory_space<vmem>>, %arg2: memref<416x1xf32, #tpu.memory_space<vmem>>, %arg3: memref<64x1536xf32, #tpu.memory_space<vmem>>, %arg4: memref<1x1536xf32, #tpu.memory_space<vmem>>, %arg5: memref<768x1xf32, #tpu.memory_space<vmem>>, %arg6: memref<1x3xf32, #tpu.memory_space<vmem>>, %arg7: memref<768x64xf32, #tpu.memory_space<vmem>>, %arg8: memref<3x64xf32, #tpu.memory_space<vmem>>, %arg9: memref<7x416x32xf32, #tpu.memory_space<vmem>>) attributes {dimension_semantics = [#tpu.dimension_semantics<arbitrary>], iteration_bounds = array<i64: 128>, scalar_prefetch = 0 : i64, scratch_operands = 0 : i64, tpu.core_type = #tpu.core_type<tc>, window_params = [{transform_indices = @transform_0, window_bounds = array<i64: 416, 128>}, {transform_indices = @transform_1, window_bounds = array<i64: 416, 1>}, {pipeline_mode = #tpu.pipeline_mode<synchronous>, transform_indices = @transform_2, window_bounds = array<i64: 64, 1536>}, {pipeline_mode = #tpu.pipeline_mode<synchronous>, transform_indices = @transform_3, window_bounds = array<i64: 1, 1536>}, {pipeline_mode = #tpu.pipeline_mode<synchronous>, transform_indices = @transform_4, window_bounds = array<i64: 768, 1>}, {pipeline_mode = #tpu.pipeline_mode<synchronous>, transform_indices = @transform_5, window_bounds = array<i64: 1, 3>}, {pipeline_mode = #tpu.pipeline_mode<synchronous>, transform_indices = @transform_6, window_bounds = array<i64: 768, 64>}, {pipeline_mode = #tpu.pipeline_mode<synchronous>, transform_indices = @transform_7, window_bounds = array<i64: 3, 64>}, {transform_indices = @transform_8, window_bounds = array<i64: 7, 416, 32>}]} {
    %get3A = arith.constant 0 : index
    %get3A_0 = arith.constant 0 : index
    %get3A_1 = vector.load %arg1[%get3A, %get3A_0] : memref<416x128xf32, #tpu.memory_space<vmem>>, vector<416x128xf32>
    %slice3A = vector.extract_strided_slice %get3A_1 {offsets = [0, 0], sizes = [416, 64], strides = [1, 1]} : vector<416x128xf32> to vector<416x64xf32>
    %get3A_2 = arith.constant 0 : index
    %get3A_3 = arith.constant 0 : index
    %get3A_4 = vector.load %arg2[%get3A_2, %get3A_3] : memref<416x1xf32, #tpu.memory_space<vmem>>, vector<416x1xf32>
    %get3A_5 = arith.constant 0 : index
    %get3A_6 = arith.constant 0 : index
    %get3A_7 = vector.load %arg3[%get3A_5, %get3A_6] : memref<64x1536xf32, #tpu.memory_space<vmem>>, vector<64x1536xf32>
    %dot_general3A = arith.constant dense<0.000000e+00> : vector<416x1536xf32>
    %dot_general3A_8 = tpu.matmul %slice3A, %get3A_7, %dot_general3A {dimension_numbers = #tpu.dot_dimension_numbers<[1], [0], [0], [1], [0, 0, 1, 1], [], []>, transpose_lhs_hint = false} : vector<416x64xf32>, vector<64x1536xf32>, vector<416x1536xf32> -> vector<416x1536xf32>
    %get3A_9 = arith.constant 0 : index
    %get3A_10 = arith.constant 0 : index
    %get3A_11 = vector.load %arg4[%get3A_9, %get3A_10] : memref<1x1536xf32, #tpu.memory_space<vmem>>, vector<1x1536xf32>
    %add3A = vector.broadcast %get3A_11 : vector<1x1536xf32> to vector<416x1536xf32>
    %add3A_12 = arith.addf %dot_general3A_8, %add3A : vector<416x1536xf32>
    %logistic3A = arith.negf %add3A_12 : vector<416x1536xf32>
    %logistic3A_13 = math.exp %logistic3A : vector<416x1536xf32>
    %logistic3A_14 = arith.constant 1.000000e+00 : f32
    %logistic3A_15 = vector.broadcast %logistic3A_14 : f32 to vector<416x1536xf32>
    %logistic3A_16 = arith.addf %logistic3A_15, %logistic3A_13 : vector<416x1536xf32>
    %logistic3A_17 = arith.divf %logistic3A_15, %logistic3A_16 : vector<416x1536xf32>
    %mul3A = arith.mulf %add3A_12, %logistic3A_17 : vector<416x1536xf32>
    %get3A_18 = arith.constant 0 : index
    %get3A_19 = arith.constant 0 : index
    %get3A_20 = vector.load %arg5[%get3A_18, %get3A_19] : memref<768x1xf32, #tpu.memory_space<vmem>>, vector<768x1xf32>
    %get3A_21 = arith.constant 0 : index
    %get3A_22 = arith.constant 0 : index
    %get3A_23 = vector.load %arg6[%get3A_21, %get3A_22] : memref<1x3xf32, #tpu.memory_space<vmem>>, vector<1x3xf32>
    %get3A_24 = arith.constant 0 : index
    %get3A_25 = arith.constant 0 : index
    %get3A_26 = vector.load %arg7[%get3A_24, %get3A_25] : memref<768x64xf32, #tpu.memory_space<vmem>>, vector<768x64xf32>
    %get3A_27 = arith.constant 0 : index
    %get3A_28 = arith.constant 0 : index
    %get3A_29 = vector.load %arg8[%get3A_27, %get3A_28] : memref<3x64xf32, #tpu.memory_space<vmem>>, vector<3x64xf32>
    %slice3A_30 = vector.extract_strided_slice %mul3A {offsets = [0, 0], sizes = [416, 256], strides = [1, 1]} : vector<416x1536xf32> to vector<416x256xf32>
    %slice3A_31 = vector.extract_strided_slice %get3A_20 {offsets = [0, 0], sizes = [256, 1], strides = [1, 1]} : vector<768x1xf32> to vector<256x1xf32>
    %dot_general3A_32 = arith.constant dense<0.000000e+00> : vector<416x1xf32>
    %dot_general3A_33 = tpu.matmul %slice3A_30, %slice3A_31, %dot_general3A_32 {dimension_numbers = #tpu.dot_dimension_numbers<[1], [0], [0], [1], [0, 0, 1, 1], [], []>, transpose_lhs_hint = false} : vector<416x256xf32>, vector<256x1xf32>, vector<416x1xf32> -> vector<416x1xf32>
    %slice3A_34 = vector.extract_strided_slice %get3A_23 {offsets = [0, 0], sizes = [1, 1], strides = [1, 1]} : vector<1x3xf32> to vector<1x1xf32>
    %squeeze3A = vector.extract %slice3A_34[0, 0] : f32 from vector<1x1xf32>
    %add3A_35 = vector.broadcast %squeeze3A : f32 to vector<416x1xf32>
    %add3A_36 = arith.addf %dot_general3A_33, %add3A_35 : vector<416x1xf32>
    %exp3A = math.exp %add3A_36 : vector<416x1xf32>
    %mul3A_37 = arith.mulf %get3A_4, %exp3A : vector<416x1xf32>
    %slice3A_38 = vector.extract_strided_slice %mul3A {offsets = [0, 768], sizes = [416, 256], strides = [1, 1]} : vector<416x1536xf32> to vector<416x256xf32>
    %slice3A_39 = vector.extract_strided_slice %get3A_26 {offsets = [0, 0], sizes = [256, 64], strides = [1, 1]} : vector<768x64xf32> to vector<256x64xf32>
    %dot_general3A_40 = arith.constant dense<0.000000e+00> : vector<416x64xf32>
    %dot_general3A_41 = tpu.matmul %slice3A_38, %slice3A_39, %dot_general3A_40 {dimension_numbers = #tpu.dot_dimension_numbers<[1], [0], [0], [1], [0, 0, 1, 1], [], []>, transpose_lhs_hint = false} : vector<416x256xf32>, vector<256x64xf32>, vector<416x64xf32> -> vector<416x64xf32>
    %slice3A_42 = vector.extract_strided_slice %get3A_29 {offsets = [0, 0], sizes = [1, 64], strides = [1, 1]} : vector<3x64xf32> to vector<1x64xf32>
    %squeeze3A_43 = vector.shape_cast %slice3A_42 : vector<1x64xf32> to vector<64xf32>
    %broadcast_in_dim3A = vector.shape_cast %squeeze3A_43 : vector<64xf32> to vector<1x64xf32>
    %add3A_44 = vector.broadcast %broadcast_in_dim3A : vector<1x64xf32> to vector<416x64xf32>
    %add3A_45 = arith.addf %dot_general3A_41, %add3A_44 : vector<416x64xf32>
    %mul3A_46 = vector.broadcast %mul3A_37 : vector<416x1xf32> to vector<416x64xf32>
    %mul3A_47 = arith.mulf %mul3A_46, %add3A_45 : vector<416x64xf32>
    %slice3A_48 = vector.extract_strided_slice %mul3A_47 {offsets = [0, 0], sizes = [416, 32], strides = [1, 1]} : vector<416x64xf32> to vector<416x32xf32>
    %slice3A_49 = vector.extract_strided_slice %mul3A_47 {offsets = [0, 32], sizes = [416, 32], strides = [1, 1]} : vector<416x64xf32> to vector<416x32xf32>
    %slice3A_50 = vector.extract_strided_slice %mul3A {offsets = [0, 256], sizes = [416, 256], strides = [1, 1]} : vector<416x1536xf32> to vector<416x256xf32>
    %slice3A_51 = vector.extract_strided_slice %get3A_20 {offsets = [256, 0], sizes = [256, 1], strides = [1, 1]} : vector<768x1xf32> to vector<256x1xf32>
    %dot_general3A_52 = arith.constant dense<0.000000e+00> : vector<416x1xf32>
    %dot_general3A_53 = tpu.matmul %slice3A_50, %slice3A_51, %dot_general3A_52 {dimension_numbers = #tpu.dot_dimension_numbers<[1], [0], [0], [1], [0, 0, 1, 1], [], []>, transpose_lhs_hint = false} : vector<416x256xf32>, vector<256x1xf32>, vector<416x1xf32> -> vector<416x1xf32>
    %slice3A_54 = vector.extract_strided_slice %get3A_23 {offsets = [0, 1], sizes = [1, 1], strides = [1, 1]} : vector<1x3xf32> to vector<1x1xf32>
    %squeeze3A_55 = vector.extract %slice3A_54[0, 0] : f32 from vector<1x1xf32>
    %add3A_56 = vector.broadcast %squeeze3A_55 : f32 to vector<416x1xf32>
    %add3A_57 = arith.addf %dot_general3A_53, %add3A_56 : vector<416x1xf32>
    %exp3A_58 = math.exp %add3A_57 : vector<416x1xf32>
    %mul3A_59 = arith.mulf %get3A_4, %exp3A_58 : vector<416x1xf32>
    %slice3A_60 = vector.extract_strided_slice %mul3A {offsets = [0, 1024], sizes = [416, 256], strides = [1, 1]} : vector<416x1536xf32> to vector<416x256xf32>
    %slice3A_61 = vector.extract_strided_slice %get3A_26 {offsets = [256, 0], sizes = [256, 64], strides = [1, 1]} : vector<768x64xf32> to vector<256x64xf32>
    %dot_general3A_62 = arith.constant dense<0.000000e+00> : vector<416x64xf32>
    %dot_general3A_63 = tpu.matmul %slice3A_60, %slice3A_61, %dot_general3A_62 {dimension_numbers = #tpu.dot_dimension_numbers<[1], [0], [0], [1], [0, 0, 1, 1], [], []>, transpose_lhs_hint = false} : vector<416x256xf32>, vector<256x64xf32>, vector<416x64xf32> -> vector<416x64xf32>
    %slice3A_64 = vector.extract_strided_slice %get3A_29 {offsets = [1, 0], sizes = [1, 64], strides = [1, 1]} : vector<3x64xf32> to vector<1x64xf32>
    %squeeze3A_65 = vector.shape_cast %slice3A_64 : vector<1x64xf32> to vector<64xf32>
    %broadcast_in_dim3A_66 = vector.shape_cast %squeeze3A_65 : vector<64xf32> to vector<1x64xf32>
    %add3A_67 = vector.broadcast %broadcast_in_dim3A_66 : vector<1x64xf32> to vector<416x64xf32>
    %add3A_68 = arith.addf %dot_general3A_63, %add3A_67 : vector<416x64xf32>
    %mul3A_69 = vector.broadcast %mul3A_59 : vector<416x1xf32> to vector<416x64xf32>
    %mul3A_70 = arith.mulf %mul3A_69, %add3A_68 : vector<416x64xf32>
    %slice3A_71 = vector.extract_strided_slice %mul3A_70 {offsets = [0, 0], sizes = [416, 32], strides = [1, 1]} : vector<416x64xf32> to vector<416x32xf32>
    %slice3A_72 = vector.extract_strided_slice %mul3A_70 {offsets = [0, 32], sizes = [416, 32], strides = [1, 1]} : vector<416x64xf32> to vector<416x32xf32>
    %slice3A_73 = vector.extract_strided_slice %mul3A {offsets = [0, 512], sizes = [416, 256], strides = [1, 1]} : vector<416x1536xf32> to vector<416x256xf32>
    %slice3A_74 = vector.extract_strided_slice %get3A_20 {offsets = [512, 0], sizes = [256, 1], strides = [1, 1]} : vector<768x1xf32> to vector<256x1xf32>
    %dot_general3A_75 = arith.constant dense<0.000000e+00> : vector<416x1xf32>
    %dot_general3A_76 = tpu.matmul %slice3A_73, %slice3A_74, %dot_general3A_75 {dimension_numbers = #tpu.dot_dimension_numbers<[1], [0], [0], [1], [0, 0, 1, 1], [], []>, transpose_lhs_hint = false} : vector<416x256xf32>, vector<256x1xf32>, vector<416x1xf32> -> vector<416x1xf32>
    %slice3A_77 = vector.extract_strided_slice %get3A_23 {offsets = [0, 2], sizes = [1, 1], strides = [1, 1]} : vector<1x3xf32> to vector<1x1xf32>
    %squeeze3A_78 = vector.extract %slice3A_77[0, 0] : f32 from vector<1x1xf32>
    %add3A_79 = vector.broadcast %squeeze3A_78 : f32 to vector<416x1xf32>
    %add3A_80 = arith.addf %dot_general3A_76, %add3A_79 : vector<416x1xf32>
    %exp3A_81 = math.exp %add3A_80 : vector<416x1xf32>
    %mul3A_82 = arith.mulf %get3A_4, %exp3A_81 : vector<416x1xf32>
    %slice3A_83 = vector.extract_strided_slice %mul3A {offsets = [0, 1280], sizes = [416, 256], strides = [1, 1]} : vector<416x1536xf32> to vector<416x256xf32>
    %slice3A_84 = vector.extract_strided_slice %get3A_26 {offsets = [512, 0], sizes = [256, 64], strides = [1, 1]} : vector<768x64xf32> to vector<256x64xf32>
    %dot_general3A_85 = arith.constant dense<0.000000e+00> : vector<416x64xf32>
    %dot_general3A_86 = tpu.matmul %slice3A_83, %slice3A_84, %dot_general3A_85 {dimension_numbers = #tpu.dot_dimension_numbers<[1], [0], [0], [1], [0, 0, 1, 1], [], []>, transpose_lhs_hint = false} : vector<416x256xf32>, vector<256x64xf32>, vector<416x64xf32> -> vector<416x64xf32>
    %slice3A_87 = vector.extract_strided_slice %get3A_29 {offsets = [2, 0], sizes = [1, 64], strides = [1, 1]} : vector<3x64xf32> to vector<1x64xf32>
    %squeeze3A_88 = vector.shape_cast %slice3A_87 : vector<1x64xf32> to vector<64xf32>
    %broadcast_in_dim3A_89 = vector.shape_cast %squeeze3A_88 : vector<64xf32> to vector<1x64xf32>
    %add3A_90 = vector.broadcast %broadcast_in_dim3A_89 : vector<1x64xf32> to vector<416x64xf32>
    %add3A_91 = arith.addf %dot_general3A_86, %add3A_90 : vector<416x64xf32>
    %mul3A_92 = vector.broadcast %mul3A_82 : vector<416x1xf32> to vector<416x64xf32>
    %mul3A_93 = arith.mulf %mul3A_92, %add3A_91 : vector<416x64xf32>
    %slice3A_94 = vector.extract_strided_slice %mul3A_93 {offsets = [0, 0], sizes = [416, 32], strides = [1, 1]} : vector<416x64xf32> to vector<416x32xf32>
    %slice3A_95 = vector.extract_strided_slice %mul3A_93 {offsets = [0, 32], sizes = [416, 32], strides = [1, 1]} : vector<416x64xf32> to vector<416x32xf32>
    %broadcast_in_dim3A_96 = arith.constant 0.000000e+00 : f32
    %broadcast_in_dim3A_97 = vector.broadcast %broadcast_in_dim3A_96 : f32 to vector<416x29xf32>
    %concatenate3A = tpu.concatenate %mul3A_37, %mul3A_59, %mul3A_82, %broadcast_in_dim3A_97 in 1 : vector<416x1xf32>, vector<416x1xf32>, vector<416x1xf32>, vector<416x29xf32> -> vector<416x32xf32>
    %swap3A = arith.constant 0 : index
    %swap3A_98 = arith.constant 0 : index
    %swap3A_99 = arith.constant 0 : index
    %swap3A_100 = vector.load %arg9[%swap3A, %swap3A_98, %swap3A_99] : memref<7x416x32xf32, #tpu.memory_space<vmem>>, vector<1x416x32xf32>
    %swap3A_101 = vector.shape_cast %swap3A_100 : vector<1x416x32xf32> to vector<416x32xf32>
    %swap3A_102 = vector.shape_cast %slice3A_48 : vector<416x32xf32> to vector<1x416x32xf32>
    tpu.vector_store %arg9[%swap3A, %swap3A_98, %swap3A_99], %swap3A_102 {strides = array<i32>} : memref<7x416x32xf32, #tpu.memory_space<vmem>>, vector<1x416x32xf32>,
    %swap3A_103 = arith.constant 1 : index
    %swap3A_104 = arith.constant 0 : index
    %swap3A_105 = arith.constant 0 : index
    %swap3A_106 = vector.load %arg9[%swap3A_103, %swap3A_104, %swap3A_105] : memref<7x416x32xf32, #tpu.memory_space<vmem>>, vector<1x416x32xf32>
    %swap3A_107 = vector.shape_cast %swap3A_106 : vector<1x416x32xf32> to vector<416x32xf32>
    %swap3A_108 = vector.shape_cast %slice3A_49 : vector<416x32xf32> to vector<1x416x32xf32>
    tpu.vector_store %arg9[%swap3A_103, %swap3A_104, %swap3A_105], %swap3A_108 {strides = array<i32>} : memref<7x416x32xf32, #tpu.memory_space<vmem>>, vector<1x416x32xf32>,
    %swap3A_109 = arith.constant 2 : index
    %swap3A_110 = arith.constant 0 : index
    %swap3A_111 = arith.constant 0 : index
    %swap3A_112 = vector.load %arg9[%swap3A_109, %swap3A_110, %swap3A_111] : memref<7x416x32xf32, #tpu.memory_space<vmem>>, vector<1x416x32xf32>
    %swap3A_113 = vector.shape_cast %swap3A_112 : vector<1x416x32xf32> to vector<416x32xf32>
    %swap3A_114 = vector.shape_cast %slice3A_71 : vector<416x32xf32> to vector<1x416x32xf32>
    tpu.vector_store %arg9[%swap3A_109, %swap3A_110, %swap3A_111], %swap3A_114 {strides = array<i32>} : memref<7x416x32xf32, #tpu.memory_space<vmem>>, vector<1x416x32xf32>,
    %swap3A_115 = arith.constant 3 : index
    %swap3A_116 = arith.constant 0 : index
    %swap3A_117 = arith.constant 0 : index
    %swap3A_118 = vector.load %arg9[%swap3A_115, %swap3A_116, %swap3A_117] : memref<7x416x32xf32, #tpu.memory_space<vmem>>, vector<1x416x32xf32>
    %swap3A_119 = vector.shape_cast %swap3A_118 : vector<1x416x32xf32> to vector<416x32xf32>
    %swap3A_120 = vector.shape_cast %slice3A_72 : vector<416x32xf32> to vector<1x416x32xf32>
    tpu.vector_store %arg9[%swap3A_115, %swap3A_116, %swap3A_117], %swap3A_120 {strides = array<i32>} : memref<7x416x32xf32, #tpu.memory_space<vmem>>, vector<1x416x32xf32>,
    %swap3A_121 = arith.constant 4 : index
    %swap3A_122 = arith.constant 0 : index
    %swap3A_123 = arith.constant 0 : index
    %swap3A_124 = vector.load %arg9[%swap3A_121, %swap3A_122, %swap3A_123] : memref<7x416x32xf32, #tpu.memory_space<vmem>>, vector<1x416x32xf32>
    %swap3A_125 = vector.shape_cast %swap3A_124 : vector<1x416x32xf32> to vector<416x32xf32>
    %swap3A_126 = vector.shape_cast %slice3A_94 : vector<416x32xf32> to vector<1x416x32xf32>
    tpu.vector_store %arg9[%swap3A_121, %swap3A_122, %swap3A_123], %swap3A_126 {strides = array<i32>} : memref<7x416x32xf32, #tpu.memory_space<vmem>>, vector<1x416x32xf32>,
    %swap3A_127 = arith.constant 5 : index
    %swap3A_128 = arith.constant 0 : index
    %swap3A_129 = arith.constant 0 : index
    %swap3A_130 = vector.load %arg9[%swap3A_127, %swap3A_128, %swap3A_129] : memref<7x416x32xf32, #tpu.memory_space<vmem>>, vector<1x416x32xf32>
    %swap3A_131 = vector.shape_cast %swap3A_130 : vector<1x416x32xf32> to vector<416x32xf32>
    %swap3A_132 = vector.shape_cast %slice3A_95 : vector<416x32xf32> to vector<1x416x32xf32>
    tpu.vector_store %arg9[%swap3A_127, %swap3A_128, %swap3A_129], %swap3A_132 {strides = array<i32>} : memref<7x416x32xf32, #tpu.memory_space<vmem>>, vector<1x416x32xf32>,
    %swap3A_133 = arith.constant 6 : index
    %swap3A_134 = arith.constant 0 : index
    %swap3A_135 = arith.constant 0 : index
    %swap3A_136 = vector.load %arg9[%swap3A_133, %swap3A_134, %swap3A_135] : memref<7x416x32xf32, #tpu.memory_space<vmem>>, vector<1x416x32xf32>
    %swap3A_137 = vector.shape_cast %swap3A_136 : vector<1x416x32xf32> to vector<416x32xf32>
    %swap3A_138 = vector.shape_cast %concatenate3A : vector<416x32xf32> to vector<1x416x32xf32>
    tpu.vector_store %arg9[%swap3A_133, %swap3A_134, %swap3A_135], %swap3A_138 {strides = array<i32>} : memref<7x416x32xf32, #tpu.memory_space<vmem>>, vector<1x416x32xf32>,
    return
  }
  func.func @transform_0(%arg0: i32) -> (i32, i32) {
    %c0_i32 = arith.constant 0 : i32
    %c0_i32_0 = arith.constant 0 : i32
    return %arg0, %c0_i32 : i32, i32
  }
  func.func @transform_1(%arg0: i32) -> (i32, i32) {
    %c0_i32 = arith.constant 0 : i32
    %c0_i32_0 = arith.constant 0 : i32
    return %arg0, %c0_i32 : i32, i32
  }
  func.func @transform_2(%arg0: i32) -> (i32, i32) {
    %c0_i32 = arith.constant 0 : i32
    %c0_i32_0 = arith.constant 0 : i32
    %c0_i32_1 = arith.constant 0 : i32
    return %c0_i32, %c0_i32_0 : i32, i32
  }
  func.func @transform_3(%arg0: i32) -> (i32, i32) {
    %c0_i32 = arith.constant 0 : i32
    %c0_i32_0 = arith.constant 0 : i32
    %c0_i32_1 = arith.constant 0 : i32
    return %c0_i32, %c0_i32_0 : i32, i32
  }
  func.func @transform_4(%arg0: i32) -> (i32, i32) {
    %c0_i32 = arith.constant 0 : i32
    %c0_i32_0 = arith.constant 0 : i32
    %c0_i32_1 = arith.constant 0 : i32
    return %c0_i32, %c0_i32_0 : i32, i32
  }
  func.func @transform_5(%arg0: i32) -> (i32, i32) {
    %c0_i32 = arith.constant 0 : i32
    %c0_i32_0 = arith.constant 0 : i32
    %c0_i32_1 = arith.constant 0 : i32
    return %c0_i32, %c0_i32_0 : i32, i32
  }
  func.func @transform_6(%arg0: i32) -> (i32, i32) {
    %c0_i32 = arith.constant 0 : i32
    %c0_i32_0 = arith.constant 0 : i32
    %c0_i32_1 = arith.constant 0 : i32
    return %c0_i32, %c0_i32_0 : i32, i32
  }
  func.func @transform_7(%arg0: i32) -> (i32, i32) {
    %c0_i32 = arith.constant 0 : i32
    %c0_i32_0 = arith.constant 0 : i32
    %c0_i32_1 = arith.constant 0 : i32
    return %c0_i32, %c0_i32_0 : i32, i32
  }
  func.func @transform_8(%arg0: i32) -> (i32, i32, i32) {
    %c0_i32 = arith.constant 0 : i32
    %c0_i32_0 = arith.constant 0 : i32
    %c0_i32_1 = arith.constant 0 : i32
    return %c0_i32, %arg0, %c0_i32_0 : i32, i32, i32
  }
}

module attributes {stable_mosaic.version = 14 : i64} {
  func.func @_final_body(%arg0: i32, %arg1: memref<2x7x256x32xf32, #tpu.memory_space<vmem>>, %arg2: memref<256x64xf32, #tpu.memory_space<vmem>>) attributes {dimension_semantics = [#tpu.dimension_semantics<arbitrary>], iteration_bounds = array<i64: 25>, scalar_prefetch = 0 : i64, scratch_operands = 0 : i64, tpu.core_type = #tpu.core_type<tc>, window_params = [{transform_indices = @transform_0, window_bounds = array<i64: 2, 7, 256, 32>}, {transform_indices = @transform_1, window_bounds = array<i64: 256, 64>}]} {
    %get3A = arith.constant 0 : index
    %get3A_0 = arith.constant 0 : index
    %get3A_1 = arith.constant 0 : index
    %get3A_2 = arith.constant 0 : index
    %get3A_3 = vector.load %arg1[%get3A, %get3A_0, %get3A_1, %get3A_2] : memref<2x7x256x32xf32, #tpu.memory_space<vmem>>, vector<2x7x256x32xf32>
    %slice3A = vector.extract_strided_slice %get3A_3 {offsets = [0, 0, 0, 0], sizes = [1, 7, 256, 32], strides = [1, 1, 1, 1]} : vector<2x7x256x32xf32> to vector<1x7x256x32xf32>
    %squeeze3A = vector.shape_cast %slice3A : vector<1x7x256x32xf32> to vector<7x256x32xf32>
    %slice3A_4 = vector.extract_strided_slice %get3A_3 {offsets = [1, 0, 0, 0], sizes = [1, 7, 256, 32], strides = [1, 1, 1, 1]} : vector<2x7x256x32xf32> to vector<1x7x256x32xf32>
    %squeeze3A_5 = vector.shape_cast %slice3A_4 : vector<1x7x256x32xf32> to vector<7x256x32xf32>
    %add3A = arith.addf %squeeze3A, %squeeze3A_5 : vector<7x256x32xf32>
    %slice3A_6 = vector.extract_strided_slice %add3A {offsets = [6, 0, 0], sizes = [1, 256, 32], strides = [1, 1, 1]} : vector<7x256x32xf32> to vector<1x256x32xf32>
    %squeeze3A_7 = vector.shape_cast %slice3A_6 : vector<1x256x32xf32> to vector<256x32xf32>
    %broadcast_in_dim3A = arith.constant 0.000000e+00 : f32
    %broadcast_in_dim3A_8 = vector.broadcast %broadcast_in_dim3A : f32 to vector<256x64xf32>
    %slice3A_9 = vector.extract_strided_slice %add3A {offsets = [0, 0, 0], sizes = [1, 256, 32], strides = [1, 1, 1]} : vector<7x256x32xf32> to vector<1x256x32xf32>
    %squeeze3A_10 = vector.shape_cast %slice3A_9 : vector<1x256x32xf32> to vector<256x32xf32>
    %slice3A_11 = vector.extract_strided_slice %add3A {offsets = [1, 0, 0], sizes = [1, 256, 32], strides = [1, 1, 1]} : vector<7x256x32xf32> to vector<1x256x32xf32>
    %squeeze3A_12 = vector.shape_cast %slice3A_11 : vector<1x256x32xf32> to vector<256x32xf32>
    %concatenate3A = tpu.concatenate %squeeze3A_10, %squeeze3A_12 in 1 : vector<256x32xf32>, vector<256x32xf32> -> vector<256x64xf32>
    %slice3A_13 = vector.extract_strided_slice %squeeze3A_7 {offsets = [0, 0], sizes = [256, 1], strides = [1, 1]} : vector<256x32xf32> to vector<256x1xf32>
    %add3A_14 = arith.constant 1.000000e-10 : f32
    %add3A_15 = vector.broadcast %add3A_14 : f32 to vector<256x1xf32>
    %add3A_16 = arith.addf %slice3A_13, %add3A_15 : vector<256x1xf32>
    %div3A = vector.broadcast %add3A_16 : vector<256x1xf32> to vector<256x64xf32>
    %div3A_17 = arith.divf %concatenate3A, %div3A : vector<256x64xf32>
    %add3A_18 = arith.addf %broadcast_in_dim3A_8, %div3A_17 : vector<256x64xf32>
    %slice3A_19 = vector.extract_strided_slice %add3A {offsets = [2, 0, 0], sizes = [1, 256, 32], strides = [1, 1, 1]} : vector<7x256x32xf32> to vector<1x256x32xf32>
    %squeeze3A_20 = vector.shape_cast %slice3A_19 : vector<1x256x32xf32> to vector<256x32xf32>
    %slice3A_21 = vector.extract_strided_slice %add3A {offsets = [3, 0, 0], sizes = [1, 256, 32], strides = [1, 1, 1]} : vector<7x256x32xf32> to vector<1x256x32xf32>
    %squeeze3A_22 = vector.shape_cast %slice3A_21 : vector<1x256x32xf32> to vector<256x32xf32>
    %concatenate3A_23 = tpu.concatenate %squeeze3A_20, %squeeze3A_22 in 1 : vector<256x32xf32>, vector<256x32xf32> -> vector<256x64xf32>
    %slice3A_24 = vector.extract_strided_slice %squeeze3A_7 {offsets = [0, 1], sizes = [256, 1], strides = [1, 1]} : vector<256x32xf32> to vector<256x1xf32>
    %add3A_25 = arith.constant 1.000000e-10 : f32
    %add3A_26 = vector.broadcast %add3A_25 : f32 to vector<256x1xf32>
    %add3A_27 = arith.addf %slice3A_24, %add3A_26 : vector<256x1xf32>
    %div3A_28 = vector.broadcast %add3A_27 : vector<256x1xf32> to vector<256x64xf32>
    %div3A_29 = arith.divf %concatenate3A_23, %div3A_28 : vector<256x64xf32>
    %add3A_30 = arith.addf %add3A_18, %div3A_29 : vector<256x64xf32>
    %slice3A_31 = vector.extract_strided_slice %add3A {offsets = [4, 0, 0], sizes = [1, 256, 32], strides = [1, 1, 1]} : vector<7x256x32xf32> to vector<1x256x32xf32>
    %squeeze3A_32 = vector.shape_cast %slice3A_31 : vector<1x256x32xf32> to vector<256x32xf32>
    %slice3A_33 = vector.extract_strided_slice %add3A {offsets = [5, 0, 0], sizes = [1, 256, 32], strides = [1, 1, 1]} : vector<7x256x32xf32> to vector<1x256x32xf32>
    %squeeze3A_34 = vector.shape_cast %slice3A_33 : vector<1x256x32xf32> to vector<256x32xf32>
    %concatenate3A_35 = tpu.concatenate %squeeze3A_32, %squeeze3A_34 in 1 : vector<256x32xf32>, vector<256x32xf32> -> vector<256x64xf32>
    %slice3A_36 = vector.extract_strided_slice %squeeze3A_7 {offsets = [0, 2], sizes = [256, 1], strides = [1, 1]} : vector<256x32xf32> to vector<256x1xf32>
    %add3A_37 = arith.constant 1.000000e-10 : f32
    %add3A_38 = vector.broadcast %add3A_37 : f32 to vector<256x1xf32>
    %add3A_39 = arith.addf %slice3A_36, %add3A_38 : vector<256x1xf32>
    %div3A_40 = vector.broadcast %add3A_39 : vector<256x1xf32> to vector<256x64xf32>
    %div3A_41 = arith.divf %concatenate3A_35, %div3A_40 : vector<256x64xf32>
    %add3A_42 = arith.addf %add3A_30, %div3A_41 : vector<256x64xf32>
    %mul3A = arith.constant 0.333333343 : f32
    %mul3A_43 = vector.broadcast %mul3A : f32 to vector<256x64xf32>
    %mul3A_44 = arith.mulf %add3A_42, %mul3A_43 : vector<256x64xf32>
    %swap3A = arith.constant 0 : index
    %swap3A_45 = arith.constant 0 : index
    %swap3A_46 = vector.load %arg2[%swap3A, %swap3A_45] : memref<256x64xf32, #tpu.memory_space<vmem>>, vector<256x64xf32>
    tpu.vector_store %arg2[%swap3A, %swap3A_45], %mul3A_44 {strides = array<i32>} : memref<256x64xf32, #tpu.memory_space<vmem>>, vector<256x64xf32>,
    return
  }
  func.func @transform_0(%arg0: i32) -> (i32, i32, i32, i32) {
    %c0_i32 = arith.constant 0 : i32
    %c0_i32_0 = arith.constant 0 : i32
    %c0_i32_1 = arith.constant 0 : i32
    %c0_i32_2 = arith.constant 0 : i32
    return %c0_i32, %c0_i32_0, %arg0, %c0_i32_1 : i32, i32, i32, i32
  }
  func.func @transform_1(%arg0: i32) -> (i32, i32) {
    %c0_i32 = arith.constant 0 : i32
    %c0_i32_0 = arith.constant 0 : i32
    return %arg0, %c0_i32 : i32, i32
  }
}

</mosaic_0001>

<sc_bundles>
// kernel: kernel.14.cloned.1.call-start
scs
__scs_entry_jumppad:
0x0: {  	(pc) =	sbr.rel $0x88, $3  }
0x1: {  	(tag) =	ssettag $0x0;
	lr =	simm.s32 $0x1  }
0x2: {  	[smem:$0x3F8A] =	sst lr;
	_ =	strace $0xD0000000  }
0x3: {  	_ = 	snop  }
0x4: {  	_ = 	snop  }
0x5: {  	_ = 	snop  }
0x6: {  	_ = 	snop  }
0x7: {  	_ = 	snop  }
__scs_overlays_trampoline_lowered:
0x8: {  	[smem:$0x3F99] =	sst s0  }
0x9: {  	[smem:$0x3F9A] =	sst s1  }
0xa: {  	[smem:$0x3F9B] =	sst s2  }
0xb: {  	[smem:$0x3F9C] =	sst s3  }
0xc: {  	[smem:$0x3F9D] =	sst s4  }
0xd: {  	[smem:$0x3F9E] =	sst s5  }
0xe: {  	[smem:$0x3F9F] =	sst s6  }
0xf: {  	[smem:$0x3FA0] =	sst s7  }
0x10: {  	[smem:$0x3FA1] =	sst s8  }
0x11: {  	[smem:$0x3FA2] =	sst s9;
	s0 =	simm.s32 @!p0 $0x0  }
0x12: {  	s1 =	sld [smem:$0x3F88];
	s0 =	simm.s32 @p0 $0x1  }
0x13: {  	[smem:$0x3FA3] =	sst s0;
	s0 =	simm.s32 @!p1 $0x0  }
0x14: {  	s2 =	sld [smem:$0x3F87];
	s0 =	simm.s32 @p1 $0x1  }
0x15: {  	[smem:$0x3FA4] =	sst s0;
	s0 =	simm.s32 @!p2 $0x0  }
0x16: {  	s3 =	sld [smem:$0x3FDB];
	s0 =	simm.s32 @p2 $0x1  }
0x17: {  	s4 =	simm.s32 $0x1BF5;
	[smem:$0x3FA6] =	sst s0  }
0x18: {  	s0 =	sld [smem:$0x3F89];
	_ =	swait.ge [sflag:s4], $0x0  }
0x19: {  	s7 =	sld [smem:$0x3F8A]  }
0x1a: {  	s8 =	sadd.s32 $0xFFFFE003, lr  }
0x1b: {  	s9 =	sadd.s32 $0xFFFFFEF7, lr;
	s5 =	simm.s32 $0xFFFFFFFF;
	p2 =	slt.u32 s8, $0xFFFFF086  }
0x1c: {  	p1 =	slt.u32 s9, $0xF7A;
	s5 =	simm.s32 @!p2 $0x0  }
0x1d: {  	s5 =	simm.s32 @p1 $0x1;
	p0 =	seq.s32 s7, s2  }
0x1e: {  	s7 =	smul.u32 @!p0 $0xF7A, s2;
	p2 =	seq.s32 @!p0 s5, $0x0  }
0x1f: {  	s9 =	smul.u32 $0xF7A, s1;
	s8 =	simm.s32 @!p0 $0x1BF5;
	p2 =	por !p2, p0  }
0x20: {  	[sflag:s8] =	ssyncset.s32 @!p0 $0xFFFFF086;
	s6 =	sadd.s32 @!p0 s3, s7;
	s7 =	simm.s32 @!p0 $0x108  }
0x21: {  	s3 =	sadd.s32 s3, s9;
	s6 =	sadd.s32 @!p0 $0x88, s6;
	s7 =	simm.s32 @p2 $0x1082  }
0x22: {  	[simem:s7], [sflag:s8] =	dma.local @!p0 [hbm:s6], $0xF7A  }
0x23: {  	s9 =	sor.u32 $0xD0000000, s2;
	s6 =	simm.s32 $0x108;
	_ =	swait.ge @!p0 [sflag:s8], $0x0  }
0x24: {  	s3 =	sadd.s32 $0x88, s3;
	s6 =	simm.s32 @!p1 $0x1082;
	[sflag:s4] =	ssyncset.s32 $0xFFFFF086  }
0x25: {  	[simem:s6], [sflag:s4] =	dma.local [hbm:s3], $0xF7A  }
0x26: {  	[smem:$0x3F8A] =	sst s1;
	(tag) =	ssettag s2;
	_ =	strace s9  }
0x27: {  	s1 =	sld [smem:$0x3F9A]  }
0x28: {  	s2 =	sld [smem:$0x3F9B]  }
0x29: {  	s4 =	sld [smem:$0x3F9D]  }
0x2a: {  	p0 =	seq.s32 s5, $0x0;
	s5 =	sld [smem:$0x3F9E]  }
0x2b: {  	s6 =	sld [smem:$0x3F9F]  }
0x2c: {  	s7 =	sld [smem:$0x3FA0]  }
0x2d: {  	s3 =	simm.s32 $0x108;
	s8 =	sld [smem:$0x3FA1]  }
0x2e: {  	s3 =	simm.s32 @!p0 $0x1082;
	s9 =	sld [smem:$0x3FA2]  }
0x2f: {  	lr =	sadd.s32 s0, s3;
	s0 =	sld [smem:$0x3F99]  }
0x30: {  	s3 =	sld [smem:$0x3F9C]  }
0x31: {  	[smem:$0x3FA5] =	sst s10  }
0x32: {  	s10 =	sld [smem:$0x3FA3];
	_ =	sdelay $0x3  }
0x33: {  	p0 =	seq.s32 s10, $0x1;
	s10 =	sld [smem:$0x3FA5];
	_ =	sdelay $0x3  }
0x34: {  	[smem:$0x3FA5] =	sst s10  }
0x35: {  	s10 =	sld [smem:$0x3FA4];
	_ =	sdelay $0x3  }
0x36: {  	p1 =	seq.s32 s10, $0x1;
	s10 =	sld [smem:$0x3FA5];
	_ =	sdelay $0x3  }
0x37: {  	[smem:$0x3FA5] =	sst s10  }
0x38: {  	s10 =	sld [smem:$0x3FA6]  }
0x39: {  	_ = 	snop;
	(pc) =	sbr.ind lr, $3  }
0x3a: {  	_ = 	snop  }
0x3b: {  	_ = 	snop  }
0x3c: {  	p2 =	seq.s32 s10, $0x1;
	s10 =	sld [smem:$0x3FA5]  }
0x3d: {  	_ =	shalt  }
0x3e: {  	_ =	shalt  }
0x3f: {  	_ =	shalt  }
0x40: {  	_ =	shalt  }
0x41: {  	_ =	shalt  }
0x42: {  	_ =	shalt  }
0x43: {  	_ =	shalt  }
0x44: {  	_ =	shalt  }
0x45: {  	_ =	shalt  }
0x46: {  	_ =	shalt  }
0x47: {  	_ =	shalt  }
0x48: {  	_ =	shalt  }
0x49: {  	_ =	shalt  }
0x4a: {  	_ =	shalt  }
0x4b: {  	_ =	shalt  }
0x4c: {  	_ =	shalt  }
0x4d: {  	_ =	shalt  }
0x4e: {  	_ =	shalt  }
0x4f: {  	_ =	shalt  }
0x50: {  	_ =	shalt  }
0x51: {  	_ =	shalt  }
0x52: {  	_ =	shalt  }
0x53: {  	_ =	shalt  }
0x54: {  	_ =	shalt  }
0x55: {  	_ =	shalt  }
0x56: {  	_ =	shalt  }
0x57: {  	_ =	shalt  }
0x58: {  	_ =	shalt  }
0x59: {  	_ =	shalt  }
0x5a: {  	_ =	shalt  }
0x5b: {  	_ =	shalt  }
0x5c: {  	_ =	shalt  }
0x5d: {  	_ =	shalt  }
0x5e: {  	_ =	shalt  }
0x5f: {  	_ =	shalt  }
0x60: {  	_ =	shalt  }
0x61: {  	_ =	shalt  }
0x62: {  	_ =	shalt  }
0x63: {  	_ =	shalt  }
0x64: {  	_ =	shalt  }
0x65: {  	_ =	shalt  }
0x66: {  	_ =	shalt  }
0x67: {  	_ =	shalt  }
0x68: {  	_ =	shalt  }
0x69: {  	_ =	shalt  }
0x6a: {  	_ =	shalt  }
0x6b: {  	_ =	shalt  }
0x6c: {  	_ =	shalt  }
0x6d: {  	_ =	shalt  }
0x6e: {  	_ =	shalt  }
0x6f: {  	_ =	shalt  }
0x70: {  	_ =	shalt  }
0x71: {  	_ =	shalt  }
0x72: {  	_ =	shalt  }
0x73: {  	_ =	shalt  }
0x74: {  	_ =	shalt  }
0x75: {  	_ =	shalt  }
0x76: {  	_ =	shalt  }
0x77: {  	_ =	shalt  }
0x78: {  	_ =	shalt  }
0x79: {  	_ =	shalt  }
0x7a: {  	_ =	shalt  }
0x7b: {  	_ =	shalt  }
0x7c: {  	_ =	shalt  }
0x7d: {  	_ =	shalt  }
0x7e: {  	_ =	shalt  }
0x7f: {  	_ =	shalt  }
0x80: {  	_ =	shalt  }
0x81: {  	_ =	shalt  }
0x82: {  	_ =	shalt  }
0x83: {  	_ =	shalt  }
0x84: {  	_ =	shalt  }
0x85: {  	_ =	shalt  }
0x86: {  	_ =	shalt  }
0x87: {  	_ =	shalt  }
.Lfunc_end0:
.L_simem_size_0:
called_computation.7_lowered:
.L_overlay_start_0:
0x88: {  	s2 =	sld [smem:$0x3FD9]  }
0x89: {  	s3 =	sld [smem:$0x3FFE];
	_ =	sdelay $0x1  }
0x8a: {  	s1 =	srdreg.scid  }
0x8b: {  	s0 =	sand.u32 $0x1, s1  }
0x8c: {  	s16 =	sshll.u32 s0, $0xA;
	s2 =	sadd.s32 s3, s2  }
0x8d: {  	s2 =	sadd.s32 s2, s16  }
0x8e: {  	[smem:$0x3FB1] =	sst s2  }
0x8f: {  	_ = 	snop  }
0x90: {  	(tm) =	ssettm $0x1  }
0x91: {  	s17 =	sld [smem:$0x3FFB];
	_ =	sdelay $0x3  }
0x92: {  	_ =	strace s17  }
0x93: {  	s2 =	sld [smem:$0x3FFC];
	_ =	sdelay $0x3  }
0x94: {  	_ =	strace s2  }
0x95: {  	s2 =	sld [smem:$0x3FFD];
	_ =	sdelay $0x3  }
0x96: {  	_ =	strace s2  }
0x97: {  	_ =	strace $0x8FFFFFFF  }
0x98: {  	s18 =	sld [smem:$0x3FDB];
	_ =	sdelay $0x1  }
0x99: {  	s19 =	simm.s32 $_scs_section_size  }
0x9a: {  	s4 =	simm.s32 $_size__tile_overlayer_lowered;
	s5 =	simm.s32 $_tile_overlayer_lowered  }
0x9b: {  	s22 =	simm.s32 $0x1BFF;
	s21 =	sshll.u32 s5, $0x1;
	s2 =	sadd.s32 s19, s18  }
0x9c: {  	s6 =	simm.s32 $0x0;
	s20 =	sshll.u32 s4, $0x1;
	s4 =	sadd.s32 s21, s2  }
0x9d: {  	[timem:s6], [sflag:s22] =	dma.local [hbm:s4], s20  }
0x9e: {  	_ =	swait.ge [sflag:s22], s20  }
0x9f: {  	s3 =	ssub.s32 $0x0, s20;
	[sflag:s22] =	ssyncset.done $0x0  }
0xa0: {  	[sflag:s22] =	ssyncadd.s32 s3;
	_ =	sdelay $0x1  }
0xa1: {  	s23 =	simm.s32 $0x1B8B  }
0xa2: {  	_ =	swait.ge [sflag:s23], $0x1  }
0xa3: {  	[sflag:s23] =	ssyncset.done $0x0  }
0xa4: {  	s25 =	simm.s32 $0x1B8E;
	s24 =	sld [smem:$0x3FFE];
	[sflag:s23] =	ssyncadd.s32 $0xFFFFFFFF  }
0xa5: {  	s26 =	simm.s32 $execute0_lowered;
	[smem:$0x3FD2] =	sst s25  }
0xa6: {  	s4 =	sshll.u32 s26, $0x1;
	_ =	strace $0x80000046;
	[dreg:$0x1] =	wrdreg $0xFFFFFFFF  }
0xa7: {  	s28 =	simm.s32 $_size_execute0_lowered;
	s2 =	sadd.s32 s2, s4;
	[dreg:$0x0] =	wrdreg $0x0  }
0xa8: {  	s4 =	sshll.u32 s28, $0x1;
	[dreg:$0x2] =	wrdreg s2  }
0xa9: {  	[dreg:$0x3] =	wrdreg s4  }
0xaa: {  	[dreg:$0x4] =	wrdreg $0xC0  }
0xab: {  	_ =	task [dreg:s6], $0x5FFFF  }
0xac: {  	[dreg:$0x1] =	wrdreg $0xFFFFFFFF  }
0xad: {  	[dreg:$0x0] =	wrdreg $0x60  }
0xae: {  	[dreg:$0x2] =	wrdreg s24  }
0xaf: {  	[dreg:$0x3] =	wrdreg $0x9  }
0xb0: {  	_ =	task.clear_ibuf [dreg:s6], $0x4FFFF;
	_ =	strace $0x90000046  }
0xb1: {  	s29 =	simm.s32 $0x9;
	_ =	strace $0x80000048  }
0xb2: {  	_ =	swait.ge [sflag:s29], $0x1  }
0xb3: {  	[sflag:s29] =	ssyncadd.s32 $0xFFFFFFFF  }
0xb4: {  	_ =	strace $0x90000048  }
0xb5: {  	_ =	sfence  }
0xb6: {  	s30 =	sld [smem:$0x0];
	_ =	sdelay $0x2  }
0xb7: {  	s31 =	sshll.u32 s1, $0xD;
	s1 =	sshrl.u32 s1, $0x2  }
0xb8: {  	s3 =	sand.u32 $0x4000, s31;
	s1 =	sadd.s32 s1, s30  }
0xb9: {  	s0 =	sor.u32 s3, s0;
	s1 =	sshll.u32 s1, $0x11  }
0xba: {  	s0 =	sor.u32 s1, s0  }
0xbb: {  	s0 =	sadd.s32 $0x8F2B, s0  }
0xbc: {  	[sflag:s0] =	ssyncadd.remote.s32 $0x1  }
0xbd: {  	_ =	sfence.sel $0xFFFF  }
0xbe: {  	[dreg:$0x0] =	wrdreg $0xFFFFFFFF;
	(pc) =	sbr.abs _section_cstart, $3  }
0xbf: {  	[dreg:$0x1] =	wrdreg $0xFFFFFFFF  }
0xc0: {  	_ =	task.clear_ibuf [dreg:s6], $0x2FFFF;
	_ =	strace $0x9FFFFFFF  }
0xc1: {  	(tm) =	ssettm $0x7FFFFFFF  }
tec
execute0_lowered:
.L_overlay_start_1:
0x0: {  	(tag) =	ssettag $0x1  }
0x1: {  	s4 =	rddreg [dreg:$0x0]  }
0x2: {  	s0 =	rddreg [dreg:$0x1];
	s1 =	stileid.u32  }
0x3: {  	s3 =	srdreg.scid;
	s2 =	simm.s32 $0x0;
	s6 =	smul.u32 $0xC400, s1  }
0x4: {  	s11 =	simm.s32 $0x1;
	s5 =	sand.u32 $0x1, s3;
	s8 =	smul.u32 $0xC4000, s1  }
0x5: {  	s12 =	simm.s32 $0x0;
	[smem:$0x7FF] =	sst s2;
	s7 =	smul.u32 $0x6200, s5  }
0x6: {  	s3 =	sadd.s32 $0x54400, s4;
	s29 =	ssub.s32 $0x2, s5;
	s5 =	smul.u32 $0x62000, s5  }
0x7: {  	_ =	strace $0x80000047;
	s8 =	sadd.s32 s8, s4;
	s9 =	sshrl.u32 s29, $0x1  }
0x8: {  	s6 =	sadd.s32 s7, s6;
	s30 =	ssub.s32 s29, s9;
	s31 =	sadd.s32 s5, s8  }
0x9: {  	s9 =	simm.s32 $0x2;
	s6 =	sshrl.u32 s6, $0x3;
	s5 =	sadd.s32 $0x292600, s31  }
0xa: {  	s10 =	sadd.s32 s6, s4;
	s4 =	smax.u32 s30, $0x1;
	s6 =	sadd.s32 $0xED2600, s31  }
0xb: {  	s7 =	sadd.s32 $0x3BC00, s10;
	s8 =	sadd.s32 $0xAC00, s10;
	s10 =	simm.s32 $0x80  }
.LBB2_1:
0xc: {  	s13 =	sadd.s32 $0x0, s8  }
0xd: {  	[tilespmem:s2], [sflag:$0x2] =	stream.linear.gather [hbm4b:s13+s2], $0x80, $0x38;
	[tilespmem:$0x4080] =	vst v63  }
0xe: {  	_ =	swait.ge [sflag:s9], $0x80  }
0xf: {  	[sflag:s9] =	ssyncset.done $0x0  }
0x10: {  	[sflag:s9] =	ssyncadd.s32 $0xFFFFFF80  }
0x11: {  	[tilespmem:s10], [sflag:$0x1] =	stream.indirect.gather [hbm4b:s3+s10], $0x80, s2, s10, $0xb8;
	[tilespmem:$0x4080] =	vst v63  }
0x12: {  	_ =	swait.ge [sflag:s11], $0x4000  }
0x13: {  	[sflag:s11] =	ssyncset.done $0x0  }
0x14: {  	[sflag:s11] =	ssyncadd.s32 $0xFFFFC000  }
0x15: {  	[hbm4b:s5+s2] =	stream.linear.scatter [tilespmem:s10], [sflag:$0x2], $0x4000, $0x38;
	[tilespmem:$0x4080] =	vst v63  }
0x16: {  	_ =	swait.ge [sflag:s9], $0x4000  }
0x17: {  	[sflag:s9] =	ssyncset.done $0x0  }
0x18: {  	s31 =	sadd.s32 $0x0, s7;
	[sflag:s9] =	ssyncadd.s32 $0xFFFFC000  }
0x19: {  	[tilespmem:s2], [sflag:$0x2] =	stream.linear.gather [hbm4b:s31+s2], $0x80, $0x38;
	[tilespmem:$0x4080] =	vst v63  }
0x1a: {  	_ =	swait.ge [sflag:s9], $0x80  }
0x1b: {  	[sflag:s9] =	ssyncset.done $0x0  }
0x1c: {  	[sflag:s9] =	ssyncadd.s32 $0xFFFFFF80  }
0x1d: {  	[tilespmem:s10], [sflag:$0x1] =	stream.indirect.gather [hbm4b:s3+s10], $0x80, s2, s10, $0xb8;
	[tilespmem:$0x4080] =	vst v63  }
0x1e: {  	_ =	swait.ge [sflag:s11], $0x4000  }
0x1f: {  	[sflag:s11] =	ssyncset.done $0x0  }
0x20: {  	[sflag:s11] =	ssyncadd.s32 $0xFFFFC000  }
0x21: {  	[hbm4b:s6+s2] =	stream.linear.scatter [tilespmem:s10], [sflag:$0x2], $0x4000, $0x38;
	[tilespmem:$0x4080] =	vst v63  }
0x22: {  	s14 =	simm.s32 $0x10;
	s16 =	simm.s32 $0x20;
	_ =	swait.ge [sflag:s9], $0x4000  }
0x23: {  	s15 =	sadd.s32 $0x800, s5;
	s13 =	sadd.s32 $0x800, s6;
	[sflag:s9] =	ssyncset.done $0x0  }
.LBB2_2:
0x24: {  	s17 =	sadd.s32 s14, s8  }
0x25: {  	[sflag:s9] =	ssyncadd.s32 $0xFFFFC000;
	s18 =	smov.u32 s16;
	s19 =	sadd.s32 $0x10, s16  }
0x26: {  	[tilespmem:s2], [sflag:$0x2] =	stream.linear.gather [hbm4b:s17+s2], $0x80, $0x38;
	[tilespmem:$0x4080] =	vst v63  }
0x27: {  	p0 =	sne.s32 s16, $0xC30;
	_ =	swait.ge [sflag:s9], $0x80  }
0x28: {  	[sflag:s9] =	ssyncset.done $0x0  }
0x29: {  	[sflag:s9] =	ssyncadd.s32 $0xFFFFFF80  }
0x2a: {  	[tilespmem:s10], [sflag:$0x1] =	stream.indirect.gather [hbm4b:s3+s10], $0x80, s2, s10, $0xb8;
	[tilespmem:$0x4080] =	vst v63  }
0x2b: {  	_ =	swait.ge [sflag:s11], $0x4000  }
0x2c: {  	[sflag:s11] =	ssyncset.done $0x0  }
0x2d: {  	[sflag:s11] =	ssyncadd.s32 $0xFFFFC000  }
0x2e: {  	[hbm4b:s15+s2] =	stream.linear.scatter [tilespmem:s10], [sflag:$0x2], $0x4000, $0x38;
	[tilespmem:$0x4080] =	vst v63  }
0x2f: {  	_ =	swait.ge [sflag:s9], $0x4000  }
0x30: {  	[sflag:s9] =	ssyncset.done $0x0  }
0x31: {  	s16 =	sadd.s32 s14, s7;
	s14 =	smov.u32 s18;
	[sflag:s9] =	ssyncadd.s32 $0xFFFFC000  }
0x32: {  	[tilespmem:s2], [sflag:$0x2] =	stream.linear.gather [hbm4b:s16+s2], $0x80, $0x38;
	[tilespmem:$0x4080] =	vst v63  }
0x33: {  	_ =	swait.ge [sflag:s9], $0x80  }
0x34: {  	[sflag:s9] =	ssyncset.done $0x0  }
0x35: {  	[sflag:s9] =	ssyncadd.s32 $0xFFFFFF80  }
0x36: {  	[tilespmem:s10], [sflag:$0x1] =	stream.indirect.gather [hbm4b:s3+s10], $0x80, s2, s10, $0xb8;
	[tilespmem:$0x4080] =	vst v63  }
0x37: {  	_ =	swait.ge [sflag:s11], $0x4000  }
.Ltmp0:
0x38: {  	[sflag:s11] =	ssyncset.done $0x0;
	(pc) =	sbr.rel @p0 .LBB2_2-.Ltmp0, $4  }
0x39: {  	[sflag:s11] =	ssyncadd.s32 $0xFFFFC000  }
0x3a: {  	[hbm4b:s13+s2] =	stream.linear.scatter [tilespmem:s10], [sflag:$0x2], $0x4000, $0x38;
	[tilespmem:$0x4080] =	vst v63  }
0x3b: {  	s15 =	sadd.s32 $0x800, s15;
	_ =	swait.ge [sflag:s9], $0x4000  }
0x3c: {  	s16 =	smov.u32 s19;
	s13 =	sadd.s32 $0x800, s13;
	[sflag:s9] =	ssyncset.done $0x0  }
0x3d: {  	s16 =	sadd.s32 s14, s8;
	[sflag:s9] =	ssyncadd.s32 $0xFFFFC000  }
0x3e: {  	[tilespmem:s2], [sflag:$0x2] =	stream.linear.gather [hbm4b:s16+s2], $0x80, $0x38;
	[tilespmem:$0x4080] =	vst v63  }
0x3f: {  	_ =	swait.ge [sflag:s9], $0x80  }
0x40: {  	[sflag:s9] =	ssyncset.done $0x0  }
0x41: {  	[sflag:s9] =	ssyncadd.s32 $0xFFFFFF80  }
0x42: {  	[tilespmem:s10], [sflag:$0x1] =	stream.indirect.gather [hbm4b:s3+s10], $0x80, s2, s10, $0xb8;
	[tilespmem:$0x4080] =	vst v63  }
0x43: {  	_ =	swait.ge [sflag:s11], $0x4000  }
0x44: {  	[sflag:s11] =	ssyncset.done $0x0  }
0x45: {  	[sflag:s11] =	ssyncadd.s32 $0xFFFFC000  }
0x46: {  	[hbm4b:s15+s2] =	stream.linear.scatter [tilespmem:s10], [sflag:$0x2], $0x4000, $0x38;
	[tilespmem:$0x4080] =	vst v63  }
0x47: {  	_ =	swait.ge [sflag:s9], $0x4000  }
0x48: {  	[sflag:s9] =	ssyncset.done $0x0  }
0x49: {  	s31 =	sadd.s32 s14, s7;
	[sflag:s9] =	ssyncadd.s32 $0xFFFFC000  }
0x4a: {  	[tilespmem:s2], [sflag:$0x2] =	stream.linear.gather [hbm4b:s31+s2], $0x80, $0x38;
	[tilespmem:$0x4080] =	vst v63  }
0x4b: {  	_ =	swait.ge [sflag:s9], $0x80  }
0x4c: {  	[sflag:s9] =	ssyncset.done $0x0  }
0x4d: {  	[sflag:s9] =	ssyncadd.s32 $0xFFFFFF80  }
0x4e: {  	[tilespmem:s10], [sflag:$0x1] =	stream.indirect.gather [hbm4b:s3+s10], $0x80, s2, s10, $0xb8;
	[tilespmem:$0x4080] =	vst v63  }
0x4f: {  	s12 =	sadd.s32 $0x1, s12;
	_ =	swait.ge [sflag:s11], $0x4000  }
0x50: {  	p0 =	sne.s32 s12, s4;
	[sflag:s11] =	ssyncset.done $0x0  }
.Ltmp1:
0x51: {  	[sflag:s11] =	ssyncadd.s32 $0xFFFFC000;
	(pc) =	sbr.rel @p0 .LBB2_1-.Ltmp1, $4  }
0x52: {  	[hbm4b:s13+s2] =	stream.linear.scatter [tilespmem:s10], [sflag:$0x2], $0x4000, $0x38;
	[tilespmem:$0x4080] =	vst v63  }
0x53: {  	_ =	swait.ge [sflag:s9], $0x4000  }
0x54: {  	[sflag:s9] =	ssyncset.done $0x0  }
0x55: {  	[sflag:s9] =	ssyncadd.s32 $0xFFFFC000  }
0x56: {  	_ =	sfence.sel $0x180000  }
0x57: {  	[bflag:$0x0] =	sbarrier.arrive $0xFFFF  }
0x58: {  	p0 =	sne.s32 s1, $0x0;
	_ =	strace $0x90000047  }
0x59: {  	s0 =	sadd.s32 @!p0 $0x100000, s0;
	[bflag:$0x2] =	sbarrier.arrive $0xFFFF  }
0x5a: {  	[sflag:s0] =	ssyncadd.tile.s32 @!p0 $0x1;
	_ =	shalt  }
.Lfunc_end2:
_tile_overlayer_lowered:
.L_overlay_start_2:
0x5b: {  	(tag) =	ssettag $0x2  }
0x5c: {  	s0 =	rddreg [dreg:$0x0];
	s2 =	stileid.u32  }
0x5d: {  	s1 =	rddreg [dreg:$0x1];
	p0 =	sne.s32 s2, $0x0  }
0x5e: {  	s3 =	rddreg [dreg:$0x2];
	[bflag:$0x3] =	sbarrier.arrive $0xFFFF;
	s2 =	simm.s32 @!p0 $0x1C02  }
0x5f: {  	[timem:s3], [sflag:s2] =	dma.local @!p0 [hbm:s0], s1  }
0x60: {  	s0 =	simm.s32 @!p0 $0x2  }
0x61: {  	_ =	swait.ge @!p0 [sflag:s0], s1  }
0x62: {  	s1 =	ssub.s32 @!p0 $0x0, s1;
	[sflag:s0] =	ssyncset.done @!p0 $0x0  }
0x63: {  	[sflag:s0] =	ssyncadd.s32 @!p0 s1  }
0x64: {  	[bflag:$0x3] =	sbarrier.arrive $0xFFFF  }
0x65: {  	_ =	shalt  }

// kernel: kernel.17.cloned.1.call-start
scs
__scs_entry_jumppad:
0x0: {  	(pc) =	sbr.rel $0x88, $3  }
0x1: {  	(tag) =	ssettag $0x0;
	lr =	simm.s32 $0x1  }
0x2: {  	[smem:$0x3F8A] =	sst lr;
	_ =	strace $0xD0000000  }
0x3: {  	_ = 	snop  }
0x4: {  	_ = 	snop  }
0x5: {  	_ = 	snop  }
0x6: {  	_ = 	snop  }
0x7: {  	_ = 	snop  }
__scs_overlays_trampoline_lowered:
0x8: {  	[smem:$0x3F99] =	sst s0  }
0x9: {  	[smem:$0x3F9A] =	sst s1  }
0xa: {  	[smem:$0x3F9B] =	sst s2  }
0xb: {  	[smem:$0x3F9C] =	sst s3  }
0xc: {  	[smem:$0x3F9D] =	sst s4  }
0xd: {  	[smem:$0x3F9E] =	sst s5  }
0xe: {  	[smem:$0x3F9F] =	sst s6  }
0xf: {  	[smem:$0x3FA0] =	sst s7  }
0x10: {  	[smem:$0x3FA1] =	sst s8  }
0x11: {  	[smem:$0x3FA2] =	sst s9;
	s0 =	simm.s32 @!p0 $0x0  }
0x12: {  	s1 =	sld [smem:$0x3F88];
	s0 =	simm.s32 @p0 $0x1  }
0x13: {  	[smem:$0x3FA3] =	sst s0;
	s0 =	simm.s32 @!p1 $0x0  }
0x14: {  	s2 =	sld [smem:$0x3F87];
	s0 =	simm.s32 @p1 $0x1  }
0x15: {  	[smem:$0x3FA4] =	sst s0;
	s0 =	simm.s32 @!p2 $0x0  }
0x16: {  	s3 =	sld [smem:$0x3FDB];
	s0 =	simm.s32 @p2 $0x1  }
0x17: {  	s4 =	simm.s32 $0x1BF5;
	[smem:$0x3FA6] =	sst s0  }
0x18: {  	s0 =	sld [smem:$0x3F89];
	_ =	swait.ge [sflag:s4], $0x0  }
0x19: {  	s7 =	sld [smem:$0x3F8A]  }
0x1a: {  	s8 =	sadd.s32 $0xFFFFE003, lr  }
0x1b: {  	s9 =	sadd.s32 $0xFFFFFEF7, lr;
	s5 =	simm.s32 $0xFFFFFFFF;
	p2 =	slt.u32 s8, $0xFFFFF086  }
0x1c: {  	p1 =	slt.u32 s9, $0xF7A;
	s5 =	simm.s32 @!p2 $0x0  }
0x1d: {  	s5 =	simm.s32 @p1 $0x1;
	p0 =	seq.s32 s7, s2  }
0x1e: {  	s7 =	smul.u32 @!p0 $0xF7A, s2;
	p2 =	seq.s32 @!p0 s5, $0x0  }
0x1f: {  	s9 =	smul.u32 $0xF7A, s1;
	s8 =	simm.s32 @!p0 $0x1BF5;
	p2 =	por !p2, p0  }
0x20: {  	[sflag:s8] =	ssyncset.s32 @!p0 $0xFFFFF086;
	s6 =	sadd.s32 @!p0 s3, s7;
	s7 =	simm.s32 @!p0 $0x108  }
0x21: {  	s3 =	sadd.s32 s3, s9;
	s6 =	sadd.s32 @!p0 $0x88, s6;
	s7 =	simm.s32 @p2 $0x1082  }
0x22: {  	[simem:s7], [sflag:s8] =	dma.local @!p0 [hbm:s6], $0xF7A  }
0x23: {  	s9 =	sor.u32 $0xD0000000, s2;
	s6 =	simm.s32 $0x108;
	_ =	swait.ge @!p0 [sflag:s8], $0x0  }
0x24: {  	s3 =	sadd.s32 $0x88, s3;
	s6 =	simm.s32 @!p1 $0x1082;
	[sflag:s4] =	ssyncset.s32 $0xFFFFF086  }
0x25: {  	[simem:s6], [sflag:s4] =	dma.local [hbm:s3], $0xF7A  }
0x26: {  	[smem:$0x3F8A] =	sst s1;
	(tag) =	ssettag s2;
	_ =	strace s9  }
0x27: {  	s1 =	sld [smem:$0x3F9A]  }
0x28: {  	s2 =	sld [smem:$0x3F9B]  }
0x29: {  	s4 =	sld [smem:$0x3F9D]  }
0x2a: {  	p0 =	seq.s32 s5, $0x0;
	s5 =	sld [smem:$0x3F9E]  }
0x2b: {  	s6 =	sld [smem:$0x3F9F]  }
0x2c: {  	s7 =	sld [smem:$0x3FA0]  }
0x2d: {  	s3 =	simm.s32 $0x108;
	s8 =	sld [smem:$0x3FA1]  }
0x2e: {  	s3 =	simm.s32 @!p0 $0x1082;
	s9 =	sld [smem:$0x3FA2]  }
0x2f: {  	lr =	sadd.s32 s0, s3;
	s0 =	sld [smem:$0x3F99]  }
0x30: {  	s3 =	sld [smem:$0x3F9C]  }
0x31: {  	[smem:$0x3FA5] =	sst s10  }
0x32: {  	s10 =	sld [smem:$0x3FA3];
	_ =	sdelay $0x3  }
0x33: {  	p0 =	seq.s32 s10, $0x1;
	s10 =	sld [smem:$0x3FA5];
	_ =	sdelay $0x3  }
0x34: {  	[smem:$0x3FA5] =	sst s10  }
0x35: {  	s10 =	sld [smem:$0x3FA4];
	_ =	sdelay $0x3  }
0x36: {  	p1 =	seq.s32 s10, $0x1;
	s10 =	sld [smem:$0x3FA5];
	_ =	sdelay $0x3  }
0x37: {  	[smem:$0x3FA5] =	sst s10  }
0x38: {  	s10 =	sld [smem:$0x3FA6]  }
0x39: {  	_ = 	snop;
	(pc) =	sbr.ind lr, $3  }
0x3a: {  	_ = 	snop  }
0x3b: {  	_ = 	snop  }
0x3c: {  	p2 =	seq.s32 s10, $0x1;
	s10 =	sld [smem:$0x3FA5]  }
0x3d: {  	_ =	shalt  }
0x3e: {  	_ =	shalt  }
0x3f: {  	_ =	shalt  }
0x40: {  	_ =	shalt  }
0x41: {  	_ =	shalt  }
0x42: {  	_ =	shalt  }
0x43: {  	_ =	shalt  }
0x44: {  	_ =	shalt  }
0x45: {  	_ =	shalt  }
0x46: {  	_ =	shalt  }
0x47: {  	_ =	shalt  }
0x48: {  	_ =	shalt  }
0x49: {  	_ =	shalt  }
0x4a: {  	_ =	shalt  }
0x4b: {  	_ =	shalt  }
0x4c: {  	_ =	shalt  }
0x4d: {  	_ =	shalt  }
0x4e: {  	_ =	shalt  }
0x4f: {  	_ =	shalt  }
0x50: {  	_ =	shalt  }
0x51: {  	_ =	shalt  }
0x52: {  	_ =	shalt  }
0x53: {  	_ =	shalt  }
0x54: {  	_ =	shalt  }
0x55: {  	_ =	shalt  }
0x56: {  	_ =	shalt  }
0x57: {  	_ =	shalt  }
0x58: {  	_ =	shalt  }
0x59: {  	_ =	shalt  }
0x5a: {  	_ =	shalt  }
0x5b: {  	_ =	shalt  }
0x5c: {  	_ =	shalt  }
0x5d: {  	_ =	shalt  }
0x5e: {  	_ =	shalt  }
0x5f: {  	_ =	shalt  }
0x60: {  	_ =	shalt  }
0x61: {  	_ =	shalt  }
0x62: {  	_ =	shalt  }
0x63: {  	_ =	shalt  }
0x64: {  	_ =	shalt  }
0x65: {  	_ =	shalt  }
0x66: {  	_ =	shalt  }
0x67: {  	_ =	shalt  }
0x68: {  	_ =	shalt  }
0x69: {  	_ =	shalt  }
0x6a: {  	_ =	shalt  }
0x6b: {  	_ =	shalt  }
0x6c: {  	_ =	shalt  }
0x6d: {  	_ =	shalt  }
0x6e: {  	_ =	shalt  }
0x6f: {  	_ =	shalt  }
0x70: {  	_ =	shalt  }
0x71: {  	_ =	shalt  }
0x72: {  	_ =	shalt  }
0x73: {  	_ =	shalt  }
0x74: {  	_ =	shalt  }
0x75: {  	_ =	shalt  }
0x76: {  	_ =	shalt  }
0x77: {  	_ =	shalt  }
0x78: {  	_ =	shalt  }
0x79: {  	_ =	shalt  }
0x7a: {  	_ =	shalt  }
0x7b: {  	_ =	shalt  }
0x7c: {  	_ =	shalt  }
0x7d: {  	_ =	shalt  }
0x7e: {  	_ =	shalt  }
0x7f: {  	_ =	shalt  }
0x80: {  	_ =	shalt  }
0x81: {  	_ =	shalt  }
0x82: {  	_ =	shalt  }
0x83: {  	_ =	shalt  }
0x84: {  	_ =	shalt  }
0x85: {  	_ =	shalt  }
0x86: {  	_ =	shalt  }
0x87: {  	_ =	shalt  }
.Lfunc_end0:
.L_simem_size_0:
called_computation.8_lowered:
.L_overlay_start_0:
0x88: {  	s2 =	sld [smem:$0x3FD9]  }
0x89: {  	s3 =	sld [smem:$0x3FFE];
	_ =	sdelay $0x1  }
0x8a: {  	s1 =	srdreg.scid  }
0x8b: {  	s0 =	sand.u32 $0x1, s1  }
0x8c: {  	s16 =	sshll.u32 s0, $0xA;
	s2 =	sadd.s32 s3, s2  }
0x8d: {  	s2 =	sadd.s32 s2, s16  }
0x8e: {  	[smem:$0x3FB1] =	sst s2  }
0x8f: {  	_ = 	snop  }
0x90: {  	(tm) =	ssettm $0x1  }
0x91: {  	s17 =	sld [smem:$0x3FFB];
	_ =	sdelay $0x3  }
0x92: {  	_ =	strace s17  }
0x93: {  	s2 =	sld [smem:$0x3FFC];
	_ =	sdelay $0x3  }
0x94: {  	_ =	strace s2  }
0x95: {  	s2 =	sld [smem:$0x3FFD];
	_ =	sdelay $0x3  }
0x96: {  	_ =	strace s2  }
0x97: {  	_ =	strace $0x8FFFFFFF  }
0x98: {  	s18 =	sld [smem:$0x3FDB];
	_ =	sdelay $0x1  }
0x99: {  	s19 =	simm.s32 $_scs_section_size  }
0x9a: {  	s4 =	simm.s32 $_size__tile_overlayer_lowered;
	s5 =	simm.s32 $_tile_overlayer_lowered  }
0x9b: {  	s22 =	simm.s32 $0x1BFF;
	s21 =	sshll.u32 s5, $0x1;
	s2 =	sadd.s32 s19, s18  }
0x9c: {  	s6 =	simm.s32 $0x0;
	s20 =	sshll.u32 s4, $0x1;
	s4 =	sadd.s32 s21, s2  }
0x9d: {  	[timem:s6], [sflag:s22] =	dma.local [hbm:s4], s20  }
0x9e: {  	_ =	swait.ge [sflag:s22], s20  }
0x9f: {  	s3 =	ssub.s32 $0x0, s20;
	[sflag:s22] =	ssyncset.done $0x0  }
0xa0: {  	[sflag:s22] =	ssyncadd.s32 s3;
	_ =	sdelay $0x1  }
0xa1: {  	s23 =	simm.s32 $0x1B8B  }
0xa2: {  	_ =	swait.ge [sflag:s23], $0x1  }
0xa3: {  	[sflag:s23] =	ssyncset.done $0x0  }
0xa4: {  	s25 =	simm.s32 $0x1B8E;
	s24 =	sld [smem:$0x3FFE];
	[sflag:s23] =	ssyncadd.s32 $0xFFFFFFFF  }
0xa5: {  	s26 =	simm.s32 $execute0_lowered;
	[smem:$0x3FD2] =	sst s25  }
0xa6: {  	s4 =	sshll.u32 s26, $0x1;
	_ =	strace $0x8000004F;
	[dreg:$0x1] =	wrdreg $0xFFFFFFFF  }
0xa7: {  	s28 =	simm.s32 $_size_execute0_lowered;
	s2 =	sadd.s32 s2, s4;
	[dreg:$0x0] =	wrdreg $0x0  }
0xa8: {  	s4 =	sshll.u32 s28, $0x1;
	[dreg:$0x2] =	wrdreg s2  }
0xa9: {  	[dreg:$0x3] =	wrdreg s4  }
0xaa: {  	[dreg:$0x4] =	wrdreg $0xC0  }
0xab: {  	_ =	task [dreg:s6], $0x5FFFF  }
0xac: {  	[dreg:$0x1] =	wrdreg $0xFFFFFFFF  }
0xad: {  	[dreg:$0x0] =	wrdreg $0x60  }
0xae: {  	[dreg:$0x2] =	wrdreg s24  }
0xaf: {  	[dreg:$0x3] =	wrdreg $0x9  }
0xb0: {  	_ =	task.clear_ibuf [dreg:s6], $0x4FFFF;
	_ =	strace $0x9000004F  }
0xb1: {  	s29 =	simm.s32 $0x9;
	_ =	strace $0x80000051  }
0xb2: {  	_ =	swait.ge [sflag:s29], $0x1  }
0xb3: {  	[sflag:s29] =	ssyncadd.s32 $0xFFFFFFFF  }
0xb4: {  	_ =	strace $0x90000051  }
0xb5: {  	_ =	sfence  }
0xb6: {  	s30 =	sld [smem:$0x0];
	_ =	sdelay $0x2  }
0xb7: {  	s31 =	sshll.u32 s1, $0xD;
	s1 =	sshrl.u32 s1, $0x2  }
0xb8: {  	s3 =	sand.u32 $0x4000, s31;
	s1 =	sadd.s32 s1, s30  }
0xb9: {  	s0 =	sor.u32 s3, s0;
	s1 =	sshll.u32 s1, $0x11  }
0xba: {  	s0 =	sor.u32 s1, s0  }
0xbb: {  	s0 =	sadd.s32 $0x8F2B, s0  }
0xbc: {  	[sflag:s0] =	ssyncadd.remote.s32 $0x1  }
0xbd: {  	_ =	sfence.sel $0xFFFF  }
0xbe: {  	[dreg:$0x0] =	wrdreg $0xFFFFFFFF;
	(pc) =	sbr.abs _section_cstart, $3  }
0xbf: {  	[dreg:$0x1] =	wrdreg $0xFFFFFFFF  }
0xc0: {  	_ =	task.clear_ibuf [dreg:s6], $0x2FFFF;
	_ =	strace $0x9FFFFFFF  }
0xc1: {  	(tm) =	ssettm $0x7FFFFFFF  }
tec
execute0_lowered:
.L_overlay_start_1:
0x0: {  	(tag) =	ssettag $0x1  }
0x1: {  	s4 =	rddreg [dreg:$0x0]  }
0x2: {  	s0 =	rddreg [dreg:$0x1];
	s1 =	stileid.u32  }
0x3: {  	s2 =	simm.s32 $0x0;
	s3 =	srdreg.scid;
	s6 =	smul.u32 $0xC400, s1  }
0x4: {  	s11 =	simm.s32 $0x1;
	s5 =	sand.u32 $0x1, s3;
	s8 =	smul.u32 $0xC4000, s1  }
0x5: {  	s12 =	simm.s32 $0x0;
	[smem:$0x7FF] =	sst s2;
	s7 =	smul.u32 $0x6200, s5  }
0x6: {  	s3 =	sadd.s32 $0x842600, s4;
	s29 =	ssub.s32 $0x2, s5;
	s5 =	smul.u32 $0x62000, s5  }
0x7: {  	_ =	strace $0x80000050;
	s8 =	sadd.s32 s8, s4;
	s9 =	sshrl.u32 s29, $0x1  }
0x8: {  	s6 =	sadd.s32 s7, s6;
	s30 =	ssub.s32 s29, s9;
	s31 =	sadd.s32 s5, s8  }
0x9: {  	s9 =	simm.s32 $0x2;
	s6 =	sshrl.u32 s6, $0x3;
	s5 =	sadd.s32 $0x912600, s31  }
0xa: {  	s10 =	sadd.s32 s6, s4;
	s4 =	smax.u32 s30, $0x1;
	s6 =	sadd.s32 $0x1552600, s31  }
0xb: {  	s7 =	sadd.s32 $0x3BC00, s10;
	s8 =	sadd.s32 $0xAC00, s10;
	s10 =	simm.s32 $0x80  }
.LBB2_1:
0xc: {  	s13 =	sadd.s32 $0x0, s8  }
0xd: {  	[tilespmem:s2], [sflag:$0x2] =	stream.linear.gather [hbm4b:s13+s2], $0x80, $0x38;
	[tilespmem:$0x4080] =	vst v63  }
0xe: {  	_ =	swait.ge [sflag:s9], $0x80  }
0xf: {  	[sflag:s9] =	ssyncset.done $0x0  }
0x10: {  	[sflag:s9] =	ssyncadd.s32 $0xFFFFFF80  }
0x11: {  	[tilespmem:s10], [sflag:$0x1] =	stream.indirect.gather [hbm4b:s3+s10], $0x80, s2, s10, $0xb8;
	[tilespmem:$0x4080] =	vst v63  }
0x12: {  	_ =	swait.ge [sflag:s11], $0x4000  }
0x13: {  	[sflag:s11] =	ssyncset.done $0x0  }
0x14: {  	[sflag:s11] =	ssyncadd.s32 $0xFFFFC000  }
0x15: {  	[hbm4b:s5+s2] =	stream.linear.scatter [tilespmem:s10], [sflag:$0x2], $0x4000, $0x38;
	[tilespmem:$0x4080] =	vst v63  }
0x16: {  	_ =	swait.ge [sflag:s9], $0x4000  }
0x17: {  	[sflag:s9] =	ssyncset.done $0x0  }
0x18: {  	s31 =	sadd.s32 $0x0, s7;
	[sflag:s9] =	ssyncadd.s32 $0xFFFFC000  }
0x19: {  	[tilespmem:s2], [sflag:$0x2] =	stream.linear.gather [hbm4b:s31+s2], $0x80, $0x38;
	[tilespmem:$0x4080] =	vst v63  }
0x1a: {  	_ =	swait.ge [sflag:s9], $0x80  }
0x1b: {  	[sflag:s9] =	ssyncset.done $0x0  }
0x1c: {  	[sflag:s9] =	ssyncadd.s32 $0xFFFFFF80  }
0x1d: {  	[tilespmem:s10], [sflag:$0x1] =	stream.indirect.gather [hbm4b:s3+s10], $0x80, s2, s10, $0xb8;
	[tilespmem:$0x4080] =	vst v63  }
0x1e: {  	_ =	swait.ge [sflag:s11], $0x4000  }
0x1f: {  	[sflag:s11] =	ssyncset.done $0x0  }
0x20: {  	[sflag:s11] =	ssyncadd.s32 $0xFFFFC000  }
0x21: {  	[hbm4b:s6+s2] =	stream.linear.scatter [tilespmem:s10], [sflag:$0x2], $0x4000, $0x38;
	[tilespmem:$0x4080] =	vst v63  }
0x22: {  	s14 =	simm.s32 $0x10;
	s16 =	simm.s32 $0x20;
	_ =	swait.ge [sflag:s9], $0x4000  }
0x23: {  	s15 =	sadd.s32 $0x800, s5;
	s13 =	sadd.s32 $0x800, s6;
	[sflag:s9] =	ssyncset.done $0x0  }
.LBB2_2:
0x24: {  	s17 =	sadd.s32 s14, s8  }
0x25: {  	[sflag:s9] =	ssyncadd.s32 $0xFFFFC000;
	s18 =	smov.u32 s16;
	s19 =	sadd.s32 $0x10, s16  }
0x26: {  	[tilespmem:s2], [sflag:$0x2] =	stream.linear.gather [hbm4b:s17+s2], $0x80, $0x38;
	[tilespmem:$0x4080] =	vst v63  }
0x27: {  	p0 =	sne.s32 s16, $0xC30;
	_ =	swait.ge [sflag:s9], $0x80  }
0x28: {  	[sflag:s9] =	ssyncset.done $0x0  }
0x29: {  	[sflag:s9] =	ssyncadd.s32 $0xFFFFFF80  }
0x2a: {  	[tilespmem:s10], [sflag:$0x1] =	stream.indirect.gather [hbm4b:s3+s10], $0x80, s2, s10, $0xb8;
	[tilespmem:$0x4080] =	vst v63  }
0x2b: {  	_ =	swait.ge [sflag:s11], $0x4000  }
0x2c: {  	[sflag:s11] =	ssyncset.done $0x0  }
0x2d: {  	[sflag:s11] =	ssyncadd.s32 $0xFFFFC000  }
0x2e: {  	[hbm4b:s15+s2] =	stream.linear.scatter [tilespmem:s10], [sflag:$0x2], $0x4000, $0x38;
	[tilespmem:$0x4080] =	vst v63  }
0x2f: {  	_ =	swait.ge [sflag:s9], $0x4000  }
0x30: {  	[sflag:s9] =	ssyncset.done $0x0  }
0x31: {  	s16 =	sadd.s32 s14, s7;
	s14 =	smov.u32 s18;
	[sflag:s9] =	ssyncadd.s32 $0xFFFFC000  }
0x32: {  	[tilespmem:s2], [sflag:$0x2] =	stream.linear.gather [hbm4b:s16+s2], $0x80, $0x38;
	[tilespmem:$0x4080] =	vst v63  }
0x33: {  	_ =	swait.ge [sflag:s9], $0x80  }
0x34: {  	[sflag:s9] =	ssyncset.done $0x0  }
0x35: {  	[sflag:s9] =	ssyncadd.s32 $0xFFFFFF80  }
0x36: {  	[tilespmem:s10], [sflag:$0x1] =	stream.indirect.gather [hbm4b:s3+s10], $0x80, s2, s10, $0xb8;
	[tilespmem:$0x4080] =	vst v63  }
0x37: {  	_ =	swait.ge [sflag:s11], $0x4000  }
.Ltmp0:
0x38: {  	[sflag:s11] =	ssyncset.done $0x0;
	(pc) =	sbr.rel @p0 .LBB2_2-.Ltmp0, $4  }
0x39: {  	[sflag:s11] =	ssyncadd.s32 $0xFFFFC000  }
0x3a: {  	[hbm4b:s13+s2] =	stream.linear.scatter [tilespmem:s10], [sflag:$0x2], $0x4000, $0x38;
	[tilespmem:$0x4080] =	vst v63  }
0x3b: {  	s15 =	sadd.s32 $0x800, s15;
	_ =	swait.ge [sflag:s9], $0x4000  }
0x3c: {  	s16 =	smov.u32 s19;
	s13 =	sadd.s32 $0x800, s13;
	[sflag:s9] =	ssyncset.done $0x0  }
0x3d: {  	s16 =	sadd.s32 s14, s8;
	[sflag:s9] =	ssyncadd.s32 $0xFFFFC000  }
0x3e: {  	[tilespmem:s2], [sflag:$0x2] =	stream.linear.gather [hbm4b:s16+s2], $0x80, $0x38;
	[tilespmem:$0x4080] =	vst v63  }
0x3f: {  	_ =	swait.ge [sflag:s9], $0x80  }
0x40: {  	[sflag:s9] =	ssyncset.done $0x0  }
0x41: {  	[sflag:s9] =	ssyncadd.s32 $0xFFFFFF80  }
0x42: {  	[tilespmem:s10], [sflag:$0x1] =	stream.indirect.gather [hbm4b:s3+s10], $0x80, s2, s10, $0xb8;
	[tilespmem:$0x4080] =	vst v63  }
0x43: {  	_ =	swait.ge [sflag:s11], $0x4000  }
0x44: {  	[sflag:s11] =	ssyncset.done $0x0  }
0x45: {  	[sflag:s11] =	ssyncadd.s32 $0xFFFFC000  }
0x46: {  	[hbm4b:s15+s2] =	stream.linear.scatter [tilespmem:s10], [sflag:$0x2], $0x4000, $0x38;
	[tilespmem:$0x4080] =	vst v63  }
0x47: {  	_ =	swait.ge [sflag:s9], $0x4000  }
0x48: {  	[sflag:s9] =	ssyncset.done $0x0  }
0x49: {  	s31 =	sadd.s32 s14, s7;
	[sflag:s9] =	ssyncadd.s32 $0xFFFFC000  }
0x4a: {  	[tilespmem:s2], [sflag:$0x2] =	stream.linear.gather [hbm4b:s31+s2], $0x80, $0x38;
	[tilespmem:$0x4080] =	vst v63  }
0x4b: {  	_ =	swait.ge [sflag:s9], $0x80  }
0x4c: {  	[sflag:s9] =	ssyncset.done $0x0  }
0x4d: {  	[sflag:s9] =	ssyncadd.s32 $0xFFFFFF80  }
0x4e: {  	[tilespmem:s10], [sflag:$0x1] =	stream.indirect.gather [hbm4b:s3+s10], $0x80, s2, s10, $0xb8;
	[tilespmem:$0x4080] =	vst v63  }
0x4f: {  	s12 =	sadd.s32 $0x1, s12;
	_ =	swait.ge [sflag:s11], $0x4000  }
0x50: {  	p0 =	sne.s32 s12, s4;
	[sflag:s11] =	ssyncset.done $0x0  }
.Ltmp1:
0x51: {  	[sflag:s11] =	ssyncadd.s32 $0xFFFFC000;
	(pc) =	sbr.rel @p0 .LBB2_1-.Ltmp1, $4  }
0x52: {  	[hbm4b:s13+s2] =	stream.linear.scatter [tilespmem:s10], [sflag:$0x2], $0x4000, $0x38;
	[tilespmem:$0x4080] =	vst v63  }
0x53: {  	_ =	swait.ge [sflag:s9], $0x4000  }
0x54: {  	[sflag:s9] =	ssyncset.done $0x0  }
0x55: {  	[sflag:s9] =	ssyncadd.s32 $0xFFFFC000  }
0x56: {  	_ =	sfence.sel $0x180000  }
0x57: {  	[bflag:$0x0] =	sbarrier.arrive $0xFFFF  }
0x58: {  	p0 =	sne.s32 s1, $0x0;
	_ =	strace $0x90000050  }
0x59: {  	s0 =	sadd.s32 @!p0 $0x100000, s0;
	[bflag:$0x2] =	sbarrier.arrive $0xFFFF  }
0x5a: {  	[sflag:s0] =	ssyncadd.tile.s32 @!p0 $0x1;
	_ =	shalt  }
.Lfunc_end2:
_tile_overlayer_lowered:
.L_overlay_start_2:
0x5b: {  	(tag) =	ssettag $0x2  }
0x5c: {  	s0 =	rddreg [dreg:$0x0];
	s2 =	stileid.u32  }
0x5d: {  	s1 =	rddreg [dreg:$0x1];
	p0 =	sne.s32 s2, $0x0  }
0x5e: {  	s3 =	rddreg [dreg:$0x2];
	[bflag:$0x3] =	sbarrier.arrive $0xFFFF;
	s2 =	simm.s32 @!p0 $0x1C02  }
0x5f: {  	[timem:s3], [sflag:s2] =	dma.local @!p0 [hbm:s0], s1  }
0x60: {  	s0 =	simm.s32 @!p0 $0x2  }
0x61: {  	_ =	swait.ge @!p0 [sflag:s0], s1  }
0x62: {  	s1 =	ssub.s32 @!p0 $0x0, s1;
	[sflag:s0] =	ssyncset.done @!p0 $0x0  }
0x63: {  	[sflag:s0] =	ssyncadd.s32 @!p0 s1  }
0x64: {  	[bflag:$0x3] =	sbarrier.arrive $0xFFFF  }
0x65: {  	_ =	shalt  }

// kernel: kernel.20.cloned.1.call-start
scs
__scs_entry_jumppad:
0x0: {  	(pc) =	sbr.rel $0x88, $3  }
0x1: {  	(tag) =	ssettag $0x0;
	lr =	simm.s32 $0x1  }
0x2: {  	[smem:$0x3F8A] =	sst lr;
	_ =	strace $0xD0000000  }
0x3: {  	_ = 	snop  }
0x4: {  	_ = 	snop  }
0x5: {  	_ = 	snop  }
0x6: {  	_ = 	snop  }
0x7: {  	_ = 	snop  }
__scs_overlays_trampoline_lowered:
0x8: {  	[smem:$0x3F99] =	sst s0  }
0x9: {  	[smem:$0x3F9A] =	sst s1  }
0xa: {  	[smem:$0x3F9B] =	sst s2  }
0xb: {  	[smem:$0x3F9C] =	sst s3  }
0xc: {  	[smem:$0x3F9D] =	sst s4  }
0xd: {  	[smem:$0x3F9E] =	sst s5  }
0xe: {  	[smem:$0x3F9F] =	sst s6  }
0xf: {  	[smem:$0x3FA0] =	sst s7  }
0x10: {  	[smem:$0x3FA1] =	sst s8  }
0x11: {  	[smem:$0x3FA2] =	sst s9;
	s0 =	simm.s32 @!p0 $0x0  }
0x12: {  	s1 =	sld [smem:$0x3F88];
	s0 =	simm.s32 @p0 $0x1  }
0x13: {  	[smem:$0x3FA3] =	sst s0;
	s0 =	simm.s32 @!p1 $0x0  }
0x14: {  	s2 =	sld [smem:$0x3F87];
	s0 =	simm.s32 @p1 $0x1  }
0x15: {  	[smem:$0x3FA4] =	sst s0;
	s0 =	simm.s32 @!p2 $0x0  }
0x16: {  	s3 =	sld [smem:$0x3FDB];
	s0 =	simm.s32 @p2 $0x1  }
0x17: {  	s4 =	simm.s32 $0x1BF5;
	[smem:$0x3FA6] =	sst s0  }
0x18: {  	s0 =	sld [smem:$0x3F89];
	_ =	swait.ge [sflag:s4], $0x0  }
0x19: {  	s7 =	sld [smem:$0x3F8A]  }
0x1a: {  	s8 =	sadd.s32 $0xFFFFE003, lr  }
0x1b: {  	s9 =	sadd.s32 $0xFFFFFEF7, lr;
	s5 =	simm.s32 $0xFFFFFFFF;
	p2 =	slt.u32 s8, $0xFFFFF086  }
0x1c: {  	p1 =	slt.u32 s9, $0xF7A;
	s5 =	simm.s32 @!p2 $0x0  }
0x1d: {  	s5 =	simm.s32 @p1 $0x1;
	p0 =	seq.s32 s7, s2  }
0x1e: {  	s7 =	smul.u32 @!p0 $0xF7A, s2;
	p2 =	seq.s32 @!p0 s5, $0x0  }
0x1f: {  	s9 =	smul.u32 $0xF7A, s1;
	s8 =	simm.s32 @!p0 $0x1BF5;
	p2 =	por !p2, p0  }
0x20: {  	[sflag:s8] =	ssyncset.s32 @!p0 $0xFFFFF086;
	s6 =	sadd.s32 @!p0 s3, s7;
	s7 =	simm.s32 @!p0 $0x108  }
0x21: {  	s3 =	sadd.s32 s3, s9;
	s6 =	sadd.s32 @!p0 $0x88, s6;
	s7 =	simm.s32 @p2 $0x1082  }
0x22: {  	[simem:s7], [sflag:s8] =	dma.local @!p0 [hbm:s6], $0xF7A  }
0x23: {  	s9 =	sor.u32 $0xD0000000, s2;
	s6 =	simm.s32 $0x108;
	_ =	swait.ge @!p0 [sflag:s8], $0x0  }
0x24: {  	s3 =	sadd.s32 $0x88, s3;
	s6 =	simm.s32 @!p1 $0x1082;
	[sflag:s4] =	ssyncset.s32 $0xFFFFF086  }
0x25: {  	[simem:s6], [sflag:s4] =	dma.local [hbm:s3], $0xF7A  }
0x26: {  	[smem:$0x3F8A] =	sst s1;
	(tag) =	ssettag s2;
	_ =	strace s9  }
0x27: {  	s1 =	sld [smem:$0x3F9A]  }
0x28: {  	s2 =	sld [smem:$0x3F9B]  }
0x29: {  	s4 =	sld [smem:$0x3F9D]  }
0x2a: {  	p0 =	seq.s32 s5, $0x0;
	s5 =	sld [smem:$0x3F9E]  }
0x2b: {  	s6 =	sld [smem:$0x3F9F]  }
0x2c: {  	s7 =	sld [smem:$0x3FA0]  }
0x2d: {  	s3 =	simm.s32 $0x108;
	s8 =	sld [smem:$0x3FA1]  }
0x2e: {  	s3 =	simm.s32 @!p0 $0x1082;
	s9 =	sld [smem:$0x3FA2]  }
0x2f: {  	lr =	sadd.s32 s0, s3;
	s0 =	sld [smem:$0x3F99]  }
0x30: {  	s3 =	sld [smem:$0x3F9C]  }
0x31: {  	[smem:$0x3FA5] =	sst s10  }
0x32: {  	s10 =	sld [smem:$0x3FA3];
	_ =	sdelay $0x3  }
0x33: {  	p0 =	seq.s32 s10, $0x1;
	s10 =	sld [smem:$0x3FA5];
	_ =	sdelay $0x3  }
0x34: {  	[smem:$0x3FA5] =	sst s10  }
0x35: {  	s10 =	sld [smem:$0x3FA4];
	_ =	sdelay $0x3  }
0x36: {  	p1 =	seq.s32 s10, $0x1;
	s10 =	sld [smem:$0x3FA5];
	_ =	sdelay $0x3  }
0x37: {  	[smem:$0x3FA5] =	sst s10  }
0x38: {  	s10 =	sld [smem:$0x3FA6]  }
0x39: {  	_ = 	snop;
	(pc) =	sbr.ind lr, $3  }
0x3a: {  	_ = 	snop  }
0x3b: {  	_ = 	snop  }
0x3c: {  	p2 =	seq.s32 s10, $0x1;
	s10 =	sld [smem:$0x3FA5]  }
0x3d: {  	_ =	shalt  }
0x3e: {  	_ =	shalt  }
0x3f: {  	_ =	shalt  }
0x40: {  	_ =	shalt  }
0x41: {  	_ =	shalt  }
0x42: {  	_ =	shalt  }
0x43: {  	_ =	shalt  }
0x44: {  	_ =	shalt  }
0x45: {  	_ =	shalt  }
0x46: {  	_ =	shalt  }
0x47: {  	_ =	shalt  }
0x48: {  	_ =	shalt  }
0x49: {  	_ =	shalt  }
0x4a: {  	_ =	shalt  }
0x4b: {  	_ =	shalt  }
0x4c: {  	_ =	shalt  }
0x4d: {  	_ =	shalt  }
0x4e: {  	_ =	shalt  }
0x4f: {  	_ =	shalt  }
0x50: {  	_ =	shalt  }
0x51: {  	_ =	shalt  }
0x52: {  	_ =	shalt  }
0x53: {  	_ =	shalt  }
0x54: {  	_ =	shalt  }
0x55: {  	_ =	shalt  }
0x56: {  	_ =	shalt  }
0x57: {  	_ =	shalt  }
0x58: {  	_ =	shalt  }
0x59: {  	_ =	shalt  }
0x5a: {  	_ =	shalt  }
0x5b: {  	_ =	shalt  }
0x5c: {  	_ =	shalt  }
0x5d: {  	_ =	shalt  }
0x5e: {  	_ =	shalt  }
0x5f: {  	_ =	shalt  }
0x60: {  	_ =	shalt  }
0x61: {  	_ =	shalt  }
0x62: {  	_ =	shalt  }
0x63: {  	_ =	shalt  }
0x64: {  	_ =	shalt  }
0x65: {  	_ =	shalt  }
0x66: {  	_ =	shalt  }
0x67: {  	_ =	shalt  }
0x68: {  	_ =	shalt  }
0x69: {  	_ =	shalt  }
0x6a: {  	_ =	shalt  }
0x6b: {  	_ =	shalt  }
0x6c: {  	_ =	shalt  }
0x6d: {  	_ =	shalt  }
0x6e: {  	_ =	shalt  }
0x6f: {  	_ =	shalt  }
0x70: {  	_ =	shalt  }
0x71: {  	_ =	shalt  }
0x72: {  	_ =	shalt  }
0x73: {  	_ =	shalt  }
0x74: {  	_ =	shalt  }
0x75: {  	_ =	shalt  }
0x76: {  	_ =	shalt  }
0x77: {  	_ =	shalt  }
0x78: {  	_ =	shalt  }
0x79: {  	_ =	shalt  }
0x7a: {  	_ =	shalt  }
0x7b: {  	_ =	shalt  }
0x7c: {  	_ =	shalt  }
0x7d: {  	_ =	shalt  }
0x7e: {  	_ =	shalt  }
0x7f: {  	_ =	shalt  }
0x80: {  	_ =	shalt  }
0x81: {  	_ =	shalt  }
0x82: {  	_ =	shalt  }
0x83: {  	_ =	shalt  }
0x84: {  	_ =	shalt  }
0x85: {  	_ =	shalt  }
0x86: {  	_ =	shalt  }
0x87: {  	_ =	shalt  }
.Lfunc_end0:
.L_simem_size_0:
called_computation.9_lowered:
.L_overlay_start_0:
0x88: {  	s2 =	sld [smem:$0x3FD9]  }
0x89: {  	s3 =	sld [smem:$0x3FFE];
	_ =	sdelay $0x1  }
0x8a: {  	s1 =	srdreg.scid  }
0x8b: {  	s0 =	sand.u32 $0x1, s1  }
0x8c: {  	s16 =	sshll.u32 s0, $0xA;
	s2 =	sadd.s32 s3, s2  }
0x8d: {  	s2 =	sadd.s32 s2, s16  }
0x8e: {  	[smem:$0x3FB1] =	sst s2  }
0x8f: {  	_ = 	snop  }
0x90: {  	(tm) =	ssettm $0x1  }
0x91: {  	s17 =	sld [smem:$0x3FFB];
	_ =	sdelay $0x3  }
0x92: {  	_ =	strace s17  }
0x93: {  	s2 =	sld [smem:$0x3FFC];
	_ =	sdelay $0x3  }
0x94: {  	_ =	strace s2  }
0x95: {  	s2 =	sld [smem:$0x3FFD];
	_ =	sdelay $0x3  }
0x96: {  	_ =	strace s2  }
0x97: {  	_ =	strace $0x8FFFFFFF  }
0x98: {  	s18 =	sld [smem:$0x3FDB];
	_ =	sdelay $0x1  }
0x99: {  	s19 =	simm.s32 $_scs_section_size  }
0x9a: {  	s4 =	simm.s32 $_size__tile_overlayer_lowered;
	s5 =	simm.s32 $_tile_overlayer_lowered  }
0x9b: {  	s22 =	simm.s32 $0x1BFF;
	s21 =	sshll.u32 s5, $0x1;
	s2 =	sadd.s32 s19, s18  }
0x9c: {  	s6 =	simm.s32 $0x0;
	s20 =	sshll.u32 s4, $0x1;
	s4 =	sadd.s32 s21, s2  }
0x9d: {  	[timem:s6], [sflag:s22] =	dma.local [hbm:s4], s20  }
0x9e: {  	_ =	swait.ge [sflag:s22], s20  }
0x9f: {  	s3 =	ssub.s32 $0x0, s20;
	[sflag:s22] =	ssyncset.done $0x0  }
0xa0: {  	[sflag:s22] =	ssyncadd.s32 s3;
	_ =	sdelay $0x1  }
0xa1: {  	s23 =	simm.s32 $0x1B8B  }
0xa2: {  	_ =	swait.ge [sflag:s23], $0x1  }
0xa3: {  	[sflag:s23] =	ssyncset.done $0x0  }
0xa4: {  	s25 =	simm.s32 $0x1B8E;
	s24 =	sld [smem:$0x3FFE];
	[sflag:s23] =	ssyncadd.s32 $0xFFFFFFFF  }
0xa5: {  	s26 =	simm.s32 $execute0_lowered;
	[smem:$0x3FD2] =	sst s25  }
0xa6: {  	s4 =	sshll.u32 s26, $0x1;
	_ =	strace $0x80000058;
	[dreg:$0x1] =	wrdreg $0xFFFFFFFF  }
0xa7: {  	s28 =	simm.s32 $_size_execute0_lowered;
	s2 =	sadd.s32 s2, s4;
	[dreg:$0x0] =	wrdreg $0x0  }
0xa8: {  	s4 =	sshll.u32 s28, $0x1;
	[dreg:$0x2] =	wrdreg s2  }
0xa9: {  	[dreg:$0x3] =	wrdreg s4  }
0xaa: {  	[dreg:$0x4] =	wrdreg $0xC0  }
0xab: {  	_ =	task [dreg:s6], $0x5FFFF  }
0xac: {  	[dreg:$0x1] =	wrdreg $0xFFFFFFFF  }
0xad: {  	[dreg:$0x0] =	wrdreg $0x60  }
0xae: {  	[dreg:$0x2] =	wrdreg s24  }
0xaf: {  	[dreg:$0x3] =	wrdreg $0x9  }
0xb0: {  	_ =	task.clear_ibuf [dreg:s6], $0x4FFFF;
	_ =	strace $0x90000058  }
0xb1: {  	s29 =	simm.s32 $0x9;
	_ =	strace $0x8000005A  }
0xb2: {  	_ =	swait.ge [sflag:s29], $0x1  }
0xb3: {  	[sflag:s29] =	ssyncadd.s32 $0xFFFFFFFF  }
0xb4: {  	_ =	strace $0x9000005A  }
0xb5: {  	_ =	sfence  }
0xb6: {  	s30 =	sld [smem:$0x0];
	_ =	sdelay $0x2  }
0xb7: {  	s31 =	sshll.u32 s1, $0xD;
	s1 =	sshrl.u32 s1, $0x2  }
0xb8: {  	s3 =	sand.u32 $0x4000, s31;
	s1 =	sadd.s32 s1, s30  }
0xb9: {  	s0 =	sor.u32 s3, s0;
	s1 =	sshll.u32 s1, $0x11  }
0xba: {  	s0 =	sor.u32 s1, s0  }
0xbb: {  	s0 =	sadd.s32 $0x8F2B, s0  }
0xbc: {  	[sflag:s0] =	ssyncadd.remote.s32 $0x1  }
0xbd: {  	_ =	sfence.sel $0xFFFF  }
0xbe: {  	[dreg:$0x0] =	wrdreg $0xFFFFFFFF;
	(pc) =	sbr.abs _section_cstart, $3  }
0xbf: {  	[dreg:$0x1] =	wrdreg $0xFFFFFFFF  }
0xc0: {  	_ =	task.clear_ibuf [dreg:s6], $0x2FFFF;
	_ =	strace $0x9FFFFFFF  }
0xc1: {  	(tm) =	ssettm $0x7FFFFFFF  }
tec
execute0_lowered:
.L_overlay_start_1:
0x0: {  	(tag) =	ssettag $0x1  }
0x1: {  	s4 =	rddreg [dreg:$0x0]  }
0x2: {  	s0 =	rddreg [dreg:$0x1];
	s1 =	stileid.u32  }
0x3: {  	s3 =	srdreg.scid;
	s2 =	simm.s32 $0x0;
	s6 =	smul.u32 $0xC400, s1  }
0x4: {  	s11 =	simm.s32 $0x1;
	s5 =	sand.u32 $0x1, s3;
	s8 =	smul.u32 $0xC4000, s1  }
0x5: {  	s12 =	simm.s32 $0x0;
	[smem:$0x7FF] =	sst s2;
	s7 =	smul.u32 $0x6200, s5  }
0x6: {  	s3 =	sadd.s32 $0x54400, s4;
	s29 =	ssub.s32 $0x2, s5;
	s5 =	smul.u32 $0x62000, s5  }
0x7: {  	_ =	strace $0x80000059;
	s8 =	sadd.s32 s8, s4;
	s9 =	sshrl.u32 s29, $0x1  }
0x8: {  	s6 =	sadd.s32 s7, s6;
	s30 =	ssub.s32 s29, s9;
	s31 =	sadd.s32 s5, s8  }
0x9: {  	s9 =	simm.s32 $0x2;
	s6 =	sshrl.u32 s6, $0x3;
	s5 =	sadd.s32 $0x292600, s31  }
0xa: {  	s10 =	sadd.s32 s6, s4;
	s4 =	smax.u32 s30, $0x1;
	s6 =	sadd.s32 $0xED2600, s31  }
0xb: {  	s7 =	sadd.s32 $0x3BC00, s10;
	s8 =	sadd.s32 $0xAC00, s10;
	s10 =	simm.s32 $0x80  }
.LBB2_1:
0xc: {  	s13 =	sadd.s32 $0x0, s8  }
0xd: {  	[tilespmem:s2], [sflag:$0x2] =	stream.linear.gather [hbm4b:s13+s2], $0x80, $0x38;
	[tilespmem:$0x4080] =	vst v63  }
0xe: {  	_ =	swait.ge [sflag:s9], $0x80  }
0xf: {  	[sflag:s9] =	ssyncset.done $0x0  }
0x10: {  	[sflag:s9] =	ssyncadd.s32 $0xFFFFFF80  }
0x11: {  	[tilespmem:s10], [sflag:$0x1] =	stream.indirect.gather [hbm4b:s3+s10], $0x80, s2, s10, $0xb8;
	[tilespmem:$0x4080] =	vst v63  }
0x12: {  	_ =	swait.ge [sflag:s11], $0x4000  }
0x13: {  	[sflag:s11] =	ssyncset.done $0x0  }
0x14: {  	[sflag:s11] =	ssyncadd.s32 $0xFFFFC000  }
0x15: {  	[hbm4b:s5+s2] =	stream.linear.scatter [tilespmem:s10], [sflag:$0x2], $0x4000, $0x38;
	[tilespmem:$0x4080] =	vst v63  }
0x16: {  	_ =	swait.ge [sflag:s9], $0x4000  }
0x17: {  	[sflag:s9] =	ssyncset.done $0x0  }
0x18: {  	s31 =	sadd.s32 $0x0, s7;
	[sflag:s9] =	ssyncadd.s32 $0xFFFFC000  }
0x19: {  	[tilespmem:s2], [sflag:$0x2] =	stream.linear.gather [hbm4b:s31+s2], $0x80, $0x38;
	[tilespmem:$0x4080] =	vst v63  }
0x1a: {  	_ =	swait.ge [sflag:s9], $0x80  }
0x1b: {  	[sflag:s9] =	ssyncset.done $0x0  }
0x1c: {  	[sflag:s9] =	ssyncadd.s32 $0xFFFFFF80  }
0x1d: {  	[tilespmem:s10], [sflag:$0x1] =	stream.indirect.gather [hbm4b:s3+s10], $0x80, s2, s10, $0xb8;
	[tilespmem:$0x4080] =	vst v63  }
0x1e: {  	_ =	swait.ge [sflag:s11], $0x4000  }
0x1f: {  	[sflag:s11] =	ssyncset.done $0x0  }
0x20: {  	[sflag:s11] =	ssyncadd.s32 $0xFFFFC000  }
0x21: {  	[hbm4b:s6+s2] =	stream.linear.scatter [tilespmem:s10], [sflag:$0x2], $0x4000, $0x38;
	[tilespmem:$0x4080] =	vst v63  }
0x22: {  	s14 =	simm.s32 $0x10;
	s16 =	simm.s32 $0x20;
	_ =	swait.ge [sflag:s9], $0x4000  }
0x23: {  	s15 =	sadd.s32 $0x800, s5;
	s13 =	sadd.s32 $0x800, s6;
	[sflag:s9] =	ssyncset.done $0x0  }
.LBB2_2:
0x24: {  	s17 =	sadd.s32 s14, s8  }
0x25: {  	[sflag:s9] =	ssyncadd.s32 $0xFFFFC000;
	s18 =	smov.u32 s16;
	s19 =	sadd.s32 $0x10, s16  }
0x26: {  	[tilespmem:s2], [sflag:$0x2] =	stream.linear.gather [hbm4b:s17+s2], $0x80, $0x38;
	[tilespmem:$0x4080] =	vst v63  }
0x27: {  	p0 =	sne.s32 s16, $0xC30;
	_ =	swait.ge [sflag:s9], $0x80  }
0x28: {  	[sflag:s9] =	ssyncset.done $0x0  }
0x29: {  	[sflag:s9] =	ssyncadd.s32 $0xFFFFFF80  }
0x2a: {  	[tilespmem:s10], [sflag:$0x1] =	stream.indirect.gather [hbm4b:s3+s10], $0x80, s2, s10, $0xb8;
	[tilespmem:$0x4080] =	vst v63  }
0x2b: {  	_ =	swait.ge [sflag:s11], $0x4000  }
0x2c: {  	[sflag:s11] =	ssyncset.done $0x0  }
0x2d: {  	[sflag:s11] =	ssyncadd.s32 $0xFFFFC000  }
0x2e: {  	[hbm4b:s15+s2] =	stream.linear.scatter [tilespmem:s10], [sflag:$0x2], $0x4000, $0x38;
	[tilespmem:$0x4080] =	vst v63  }
0x2f: {  	_ =	swait.ge [sflag:s9], $0x4000  }
0x30: {  	[sflag:s9] =	ssyncset.done $0x0  }
0x31: {  	s16 =	sadd.s32 s14, s7;
	s14 =	smov.u32 s18;
	[sflag:s9] =	ssyncadd.s32 $0xFFFFC000  }
0x32: {  	[tilespmem:s2], [sflag:$0x2] =	stream.linear.gather [hbm4b:s16+s2], $0x80, $0x38;
	[tilespmem:$0x4080] =	vst v63  }
0x33: {  	_ =	swait.ge [sflag:s9], $0x80  }
0x34: {  	[sflag:s9] =	ssyncset.done $0x0  }
0x35: {  	[sflag:s9] =	ssyncadd.s32 $0xFFFFFF80  }
0x36: {  	[tilespmem:s10], [sflag:$0x1] =	stream.indirect.gather [hbm4b:s3+s10], $0x80, s2, s10, $0xb8;
	[tilespmem:$0x4080] =	vst v63  }
0x37: {  	_ =	swait.ge [sflag:s11], $0x4000  }
.Ltmp0:
0x38: {  	[sflag:s11] =	ssyncset.done $0x0;
	(pc) =	sbr.rel @p0 .LBB2_2-.Ltmp0, $4  }
0x39: {  	[sflag:s11] =	ssyncadd.s32 $0xFFFFC000  }
0x3a: {  	[hbm4b:s13+s2] =	stream.linear.scatter [tilespmem:s10], [sflag:$0x2], $0x4000, $0x38;
	[tilespmem:$0x4080] =	vst v63  }
0x3b: {  	s15 =	sadd.s32 $0x800, s15;
	_ =	swait.ge [sflag:s9], $0x4000  }
0x3c: {  	s16 =	smov.u32 s19;
	s13 =	sadd.s32 $0x800, s13;
	[sflag:s9] =	ssyncset.done $0x0  }
0x3d: {  	s16 =	sadd.s32 s14, s8;
	[sflag:s9] =	ssyncadd.s32 $0xFFFFC000  }
0x3e: {  	[tilespmem:s2], [sflag:$0x2] =	stream.linear.gather [hbm4b:s16+s2], $0x80, $0x38;
	[tilespmem:$0x4080] =	vst v63  }
0x3f: {  	_ =	swait.ge [sflag:s9], $0x80  }
0x40: {  	[sflag:s9] =	ssyncset.done $0x0  }
0x41: {  	[sflag:s9] =	ssyncadd.s32 $0xFFFFFF80  }
0x42: {  	[tilespmem:s10], [sflag:$0x1] =	stream.indirect.gather [hbm4b:s3+s10], $0x80, s2, s10, $0xb8;
	[tilespmem:$0x4080] =	vst v63  }
0x43: {  	_ =	swait.ge [sflag:s11], $0x4000  }
0x44: {  	[sflag:s11] =	ssyncset.done $0x0  }
0x45: {  	[sflag:s11] =	ssyncadd.s32 $0xFFFFC000  }
0x46: {  	[hbm4b:s15+s2] =	stream.linear.scatter [tilespmem:s10], [sflag:$0x2], $0x4000, $0x38;
	[tilespmem:$0x4080] =	vst v63  }
0x47: {  	_ =	swait.ge [sflag:s9], $0x4000  }
0x48: {  	[sflag:s9] =	ssyncset.done $0x0  }
0x49: {  	s31 =	sadd.s32 s14, s7;
	[sflag:s9] =	ssyncadd.s32 $0xFFFFC000  }
0x4a: {  	[tilespmem:s2], [sflag:$0x2] =	stream.linear.gather [hbm4b:s31+s2], $0x80, $0x38;
	[tilespmem:$0x4080] =	vst v63  }
0x4b: {  	_ =	swait.ge [sflag:s9], $0x80  }
0x4c: {  	[sflag:s9] =	ssyncset.done $0x0  }
0x4d: {  	[sflag:s9] =	ssyncadd.s32 $0xFFFFFF80  }
0x4e: {  	[tilespmem:s10], [sflag:$0x1] =	stream.indirect.gather [hbm4b:s3+s10], $0x80, s2, s10, $0xb8;
	[tilespmem:$0x4080] =	vst v63  }
0x4f: {  	s12 =	sadd.s32 $0x1, s12;
	_ =	swait.ge [sflag:s11], $0x4000  }
0x50: {  	p0 =	sne.s32 s12, s4;
	[sflag:s11] =	ssyncset.done $0x0  }
.Ltmp1:
0x51: {  	[sflag:s11] =	ssyncadd.s32 $0xFFFFC000;
	(pc) =	sbr.rel @p0 .LBB2_1-.Ltmp1, $4  }
0x52: {  	[hbm4b:s13+s2] =	stream.linear.scatter [tilespmem:s10], [sflag:$0x2], $0x4000, $0x38;
	[tilespmem:$0x4080] =	vst v63  }
0x53: {  	_ =	swait.ge [sflag:s9], $0x4000  }
0x54: {  	[sflag:s9] =	ssyncset.done $0x0  }
0x55: {  	[sflag:s9] =	ssyncadd.s32 $0xFFFFC000  }
0x56: {  	_ =	sfence.sel $0x180000  }
0x57: {  	[bflag:$0x0] =	sbarrier.arrive $0xFFFF  }
0x58: {  	p0 =	sne.s32 s1, $0x0;
	_ =	strace $0x90000059  }
0x59: {  	s0 =	sadd.s32 @!p0 $0x100000, s0;
	[bflag:$0x2] =	sbarrier.arrive $0xFFFF  }
0x5a: {  	[sflag:s0] =	ssyncadd.tile.s32 @!p0 $0x1;
	_ =	shalt  }
.Lfunc_end2:
_tile_overlayer_lowered:
.L_overlay_start_2:
0x5b: {  	(tag) =	ssettag $0x2  }
0x5c: {  	s0 =	rddreg [dreg:$0x0];
	s2 =	stileid.u32  }
0x5d: {  	s1 =	rddreg [dreg:$0x1];
	p0 =	sne.s32 s2, $0x0  }
0x5e: {  	s3 =	rddreg [dreg:$0x2];
	[bflag:$0x3] =	sbarrier.arrive $0xFFFF;
	s2 =	simm.s32 @!p0 $0x1C02  }
0x5f: {  	[timem:s3], [sflag:s2] =	dma.local @!p0 [hbm:s0], s1  }
0x60: {  	s0 =	simm.s32 @!p0 $0x2  }
0x61: {  	_ =	swait.ge @!p0 [sflag:s0], s1  }
0x62: {  	s1 =	ssub.s32 @!p0 $0x0, s1;
	[sflag:s0] =	ssyncset.done @!p0 $0x0  }
0x63: {  	[sflag:s0] =	ssyncadd.s32 @!p0 s1  }
0x64: {  	[bflag:$0x3] =	sbarrier.arrive $0xFFFF  }
0x65: {  	_ =	shalt  }

// kernel: sparse-core-data-format-call.1.cloned.1.call-start
scs
called_computation.1_lowered:
.L_overlay_start_0:
0x0: {  	s1 =	sld [smem:$0x3FD9]  }
0x1: {  	s2 =	sld [smem:$0x3FFE];
	_ =	sdelay $0x1  }
0x2: {  	s3 =	srdreg.scid  }
0x3: {  	s0 =	sand.u32 $0x1, s3  }
0x4: {  	s17 =	sshll.u32 s0, $0xA;
	s1 =	sadd.s32 s2, s1  }
0x5: {  	s1 =	sadd.s32 s1, s17  }
0x6: {  	[smem:$0x3FB1] =	sst s1  }
0x7: {  	_ = 	snop  }
0x8: {  	(tm) =	ssettm $0x1  }
0x9: {  	s18 =	sld [smem:$0x3FFB];
	_ =	sdelay $0x3  }
0xa: {  	_ =	strace s18  }
0xb: {  	s1 =	sld [smem:$0x3FFC];
	_ =	sdelay $0x3  }
0xc: {  	_ =	strace s1  }
0xd: {  	s1 =	sld [smem:$0x3FFD];
	_ =	sdelay $0x3  }
0xe: {  	_ =	strace s1  }
0xf: {  	_ =	strace $0x8FFFFFFF  }
0x10: {  	s19 =	sld [smem:$0x3FDB];
	_ =	sdelay $0x1  }
0x11: {  	s20 =	simm.s32 $_scs_section_size  }
0x12: {  	s4 =	simm.s32 $_size__tile_overlayer_lowered;
	s5 =	simm.s32 $_tile_overlayer_lowered  }
0x13: {  	s23 =	simm.s32 $0x1BFF;
	s22 =	sshll.u32 s5, $0x1;
	s1 =	sadd.s32 s20, s19  }
0x14: {  	s6 =	simm.s32 $0x0;
	s21 =	sshll.u32 s4, $0x1;
	s4 =	sadd.s32 s22, s1  }
0x15: {  	[timem:s6], [sflag:s23] =	dma.local [hbm:s4], s21  }
0x16: {  	_ =	swait.ge [sflag:s23], s21  }
0x17: {  	s2 =	ssub.s32 $0x0, s21;
	[sflag:s23] =	ssyncset.done $0x0  }
0x18: {  	[sflag:s23] =	ssyncadd.s32 s2;
	_ =	sdelay $0x1  }
0x19: {  	s24 =	simm.s32 $0x1B8B  }
0x1a: {  	_ =	swait.ge [sflag:s24], $0x1  }
0x1b: {  	[sflag:s24] =	ssyncset.done $0x0  }
0x1c: {  	s26 =	simm.s32 $0x1B8E;
	s25 =	sld [smem:$0x3FFE];
	[sflag:s24] =	ssyncadd.s32 $0xFFFFFFFF  }
0x1d: {  	s27 =	simm.s32 $execute0_lowered;
	[smem:$0x3FD2] =	sst s26  }
0x1e: {  	s4 =	sshll.u32 s27, $0x1;
	_ =	strace $0x8000005E;
	[dreg:$0x1] =	wrdreg $0xFFFFFFFF  }
0x1f: {  	s28 =	simm.s32 $_size_execute0_lowered;
	s1 =	sadd.s32 s1, s4;
	[dreg:$0x0] =	wrdreg $0x0  }
0x20: {  	s4 =	sshll.u32 s28, $0x1;
	[dreg:$0x2] =	wrdreg s1  }
0x21: {  	[dreg:$0x3] =	wrdreg s4  }
0x22: {  	[dreg:$0x4] =	wrdreg $0xC0  }
0x23: {  	_ =	task [dreg:s6], $0x5FFFF  }
0x24: {  	[dreg:$0x1] =	wrdreg $0xFFFFFFFF  }
0x25: {  	[dreg:$0x0] =	wrdreg $0x60  }
0x26: {  	[dreg:$0x2] =	wrdreg s25  }
0x27: {  	[dreg:$0x3] =	wrdreg $0x9  }
0x28: {  	_ =	task.clear_ibuf [dreg:s6], $0x4FFFF;
	_ =	strace $0x9000005E  }
0x29: {  	s29 =	simm.s32 $0x9;
	_ =	strace $0x80000060  }
0x2a: {  	_ =	swait.ge [sflag:s29], $0x1  }
0x2b: {  	[sflag:s29] =	ssyncadd.s32 $0xFFFFFFFF  }
0x2c: {  	_ =	strace $0x90000060  }
0x2d: {  	_ =	sfence  }
0x2e: {  	s30 =	sld [smem:$0x0];
	_ =	sdelay $0x2  }
0x2f: {  	s31 =	sshll.u32 s3, $0xD;
	s3 =	sshrl.u32 s3, $0x2  }
0x30: {  	s2 =	sand.u32 $0x4000, s31;
	s1 =	sadd.s32 s3, s30  }
0x31: {  	s0 =	sor.u32 s2, s0;
	s1 =	sshll.u32 s1, $0x11  }
0x32: {  	s0 =	sor.u32 s1, s0  }
0x33: {  	s0 =	sadd.s32 $0x8F2B, s0  }
0x34: {  	[sflag:s0] =	ssyncadd.remote.s32 $0x1  }
0x35: {  	_ =	sfence.sel $0xFFFF  }
0x36: {  	[dreg:$0x0] =	wrdreg $0xFFFFFFFF;
	(pc) =	sbr.abs _section_cstart, $3  }
0x37: {  	[dreg:$0x1] =	wrdreg $0xFFFFFFFF  }
0x38: {  	_ =	task.clear_ibuf [dreg:s6], $0x2FFFF;
	_ =	strace $0x9FFFFFFF  }
0x39: {  	(tm) =	ssettm $0x7FFFFFFF  }
tec
execute0_lowered:
.L_overlay_start_1:
0x0: {  	(tag) =	ssettag $0x1  }
0x1: {  	s1 =	srdreg.scid  }
0x2: {  	s0 =	stileid.u32;
	s4 =	rddreg [dreg:$0x0];
	s31 =	simm.s32 $0x2  }
0x3: {  	s13 =	simm.s32 $0x0;
	s9 =	simm.s32 $0x20;
	s10 =	simm.s32 $0x80  }
0x4: {  	s14 =	simm.s32 $0x0;
	s1 =	sshll.u32 s1, $0x4;
	s2 =	sshll.u32 s0, $0x9  }
0x5: {  	s12 =	simm.s32 $0x0;
	s1 =	sand.u32 $0x10, s1;
	s2 =	sand.u32 $0x600, s2  }
0x6: {  	s3 =	sor.u32 s0, s1;
	s1 =	rddreg [dreg:$0x1];
	s5 =	ssub.s32 $0xD000, s2  }
0x7: {  	_ =	strace $0x8000005F;
	s3 =	sshrl.u32 s3, $0x2;
	s7 =	sand.u32 $0x600, s5  }
0x8: {  	s11 =	smov.u32 s2;
	s6 =	sshll.u32 s3, $0x4;
	p0 =	sne.s32 s7, $0x0  }
.Ltmp0:
0x9: {  	s8 =	sadd.s32 s6, s4;
	s6 =	simm.s32 $0x1;
	(pc) =	sbr.rel .LBB1_1-.Ltmp0, $4  }
0xa: {  	s30 =	sshrl.u32 s5, $0xB;
	s5 =	simm.s32 $0x1;
	s6 =	simm.s32 @!p0 $0x0  }
0xb: {  	[sflag:s5] =	ssyncpa.u1 $0x0;
	p0 =	seq.s32 s3, $0x7;
	s6 =	sadd.s32 s6, s30  }
0xc: {  	s4 =	sadd.s32 $0x292600, s4;
	[sflag:s31] =	ssyncpa.u1 $0x0;
	s6 =	simm.s32 @p0 $0x0  }
0xd: {  	s7 =	sadd.s32 $0x912E00, s8;
	p0 =	por $0x0, $0x0;
	s8 =	sadd.s32 $0x1, s6  }
.LBB1_4:
0xe: {  	s14 =	sand.u32 $0x1FFFFFF, s14  }
0xf: {  	s17 =	smulhi.u32 $0x2762763, s14;
	_ =	sdelay $0x1  }
0x10: {  	s17 =	sshrl.u32 s17, $0x9  }
0x11: {  	s17 =	smul.u32 $0xD000, s17  }
0x12: {  	s13 =	smul.u32 $0xD0000, s13  }
0x13: {  	s14 =	ssub.s32 s14, s17  }
0x14: {  	[tilespmem:v0+s15+$0x10 ss:$0x1] =	vst.idx.msk $0xffff, v2;
	s13 =	sadd.s32 s4, s13;
	s14 =	sshll.u32 s14, $0x4  }
0x15: {  	[tilespmem:v0+s15+$0x0 ss:$0x1] =	vst.idx.msk $0xffff, v3;
	s13 =	sadd.s32 s14, s13  }
0x16: {  	[hbm4b:s13+s9] =	stream.strided.scatter [tilespmem:s16], [sflag:$0x2], $0x4000, s10, s9, $0x38;
	[tilespmem:$0x10000] =	vst v63  }
.LBB1_5:
0x17: {  	s15 =	sadd.s32 $0x800, s11  }
0x18: {  	p2 =	sgt.s32 s15, $0xCFFF  }
0x19: {  	s15 =	smov.u32 @p2 s2;
	p2 =	sne.s32 s12, s8  }
.Ltmp1:
0x1a: {  	p1 =	slt.u32 s12, $0x2;
	(pc) =	sbr.rel @!p2 .LBB1_6-.Ltmp1, $4  }
0x1b: {  	s13 =	simm.s32 @!p1 $0x2  }
0x1c: {  	s16 =	sadd.s32 $0x1, s12;
	s14 =	smov.u32 s11;
	_ =	swait.ge @!p1 [sflag:s13], $0x4000  }
0x1d: {  	p0 =	por !p0, !p0;
	s12 =	smov.u32 s16;
	[sflag:s13] =	ssyncset.done @!p1 $0x0  }
0x1e: {  	s11 =	smov.u32 s15;
	[sflag:s13] =	ssyncadd.s32 @!p1 $0xFFFFC000;
	s13 =	smov.u32 s3  }
.LBB1_1:
0x1f: {  	p1 =	sge.u32 s12, s6  }
0x20: {  	s31 =	sadd.s32 $0xFFFFFFFF, s12;
	s15 =	sxor.u32 @!p1 $0xFFFFFFFF, s12  }
0x21: {  	s16 =	sshll.u32 @!p1 s11, $0x7;
	s17 =	simm.s32 @!p1 $0x20;
	s15 =	sshll.u32 @!p1 s15, $0xE  }
0x22: {  	s18 =	simm.s32 @!p1 $0x400;
	s16 =	sadd.s32 @!p1 s16, s7;
	s15 =	sand.u32 @!p1 $0x4000, s15  }
0x23: {  	[tilespmem:s15], [sflag:$0x1] =	stream.strided.gather @!p1 [hbm4b:s16+s17], $0x4000, s18, s17, $0x38;
	[tilespmem:$0x10000] =	vst v63  }
0x24: {  	p1 =	sge.u32 s31, s6  }
.Ltmp2:
0x25: {  	_ = 	snop;
	(pc) =	sbr.rel @p1 .LBB1_5-.Ltmp2, $1  }
0x26: {  	_ =	sdelay $0x3  }
0x27: {  	s15 =	simm.s32 $0x1  }
0x28: {  	s15 =	simm.s32 @!p0 $0x0  }
0x29: {  	s16 =	sshll.u32 s15, $0xE  }
0x2a: {  	v1 =	vmov s16;
	_ =	sdelay $0x1  }
0x2b: {  	_ =	swait.ge [sflag:s5], $0x4000  }
0x2c: {  	[sflag:s5] =	ssyncset.done $0x0  }
0x2d: {  	s17 =	sshll.u32 s12, $0xE;
	[sflag:s5] =	ssyncadd.s32 $0xFFFFC000;
	s15 =	simm.s32 $0x0  }
0x2e: {  	s31 =	sand.u32 $0x4000, s17;
	s18 =	sor.u32 $0x8000, s16;
	v2 =	vld.idx.msk [tilespmem:v1+s15+$0x10 ss:$0x1], $0xffff  }
0x2f: {  	s17 =	simm.s32 $0x80;
	s16 =	sor.u32 $0x8000, s31;
	v0 =	vmov s18;
	v3 =	vld.idx.msk [tilespmem:v1+s15+$0x0 ss:$0x1], $0xffff  }
.LBB1_3:
0x30: {  	p1 =	sne.s32 s17, $0xFF80  }
.Ltmp3:
0x31: {  	_ = 	snop;
	(pc) =	sbr.rel @p1 .LBB1_3-.Ltmp3, $4  }
0x32: {  	_ = 	snop  }
0x33: {  	s18 =	sshra.s32 s17, $0x2;
	s17 =	sadd.s32 $0x80, s17  }
0x34: {  	[tilespmem:v0+s15+$0x10 ss:$0x1] =	vst.idx.msk $0xffff, v2;
	v2 =	vld.idx.msk [tilespmem:v1+s18+$0x10 ss:$0x1], $0xffff  }
0x35: {  	[tilespmem:v0+s15+$0x0 ss:$0x1] =	vst.idx.msk $0xffff, v3;
	v3 =	vld.idx.msk [tilespmem:v1+s18+$0x0 ss:$0x1], $0xffff;
	s15 =	smov.u32 s18  }
.Ltmp4:
0x36: {  	_ = 	snop;
	(pc) =	sbr.rel .LBB1_4-.Ltmp4, $1  }
0x37: {  	_ =	sdelay $0x3  }
.LBB1_6:
0x38: {  	_ =	sfence.sel $0x180000  }
0x39: {  	s2 =	simm.s32 $0x1;
	[bflag:$0x0] =	sbarrier.arrive $0xFFFF  }
0x3a: {  	s31 =	simm.s32 $0x2;
	[sflag:s2] =	ssyncpa.u1 $0x1  }
0x3b: {  	[sflag:s31] =	ssyncpa.u1 $0x1  }
0x3c: {  	p0 =	sne.s32 s0, $0x0;
	_ =	strace $0x9000005F  }
0x3d: {  	s0 =	sadd.s32 @!p0 $0x100000, s1;
	[bflag:$0x2] =	sbarrier.arrive $0xFFFF  }
0x3e: {  	[sflag:s0] =	ssyncadd.tile.s32 @!p0 $0x1;
	_ =	shalt  }
.Lfunc_end1:
_tile_overlayer_lowered:
.L_overlay_start_2:
0x3f: {  	(tag) =	ssettag $0x2  }
0x40: {  	s0 =	rddreg [dreg:$0x0];
	s2 =	stileid.u32  }
0x41: {  	s1 =	rddreg [dreg:$0x1];
	p0 =	sne.s32 s2, $0x0  }
0x42: {  	s3 =	rddreg [dreg:$0x2];
	[bflag:$0x3] =	sbarrier.arrive $0xFFFF;
	s2 =	simm.s32 @!p0 $0x1C01  }
0x43: {  	[timem:s3], [sflag:s2] =	dma.local @!p0 [hbm:s0], s1  }
0x44: {  	s0 =	simm.s32 @!p0 $0x1  }
0x45: {  	_ =	swait.ge @!p0 [sflag:s0], s1  }
0x46: {  	s1 =	ssub.s32 @!p0 $0x0, s1;
	[sflag:s0] =	ssyncset.done @!p0 $0x0  }
0x47: {  	[sflag:s0] =	ssyncadd.s32 @!p0 s1  }
0x48: {  	[bflag:$0x3] =	sbarrier.arrive $0xFFFF  }
0x49: {  	_ =	shalt  }

// kernel: sparse-core-data-format-call.2.cloned.1.call-start
scs
called_computation.2_lowered:
.L_overlay_start_0:
0x0: {  	s1 =	sld [smem:$0x3FD9]  }
0x1: {  	s2 =	sld [smem:$0x3FFE];
	_ =	sdelay $0x1  }
0x2: {  	s3 =	srdreg.scid  }
0x3: {  	s0 =	sand.u32 $0x1, s3  }
0x4: {  	s17 =	sshll.u32 s0, $0xA;
	s1 =	sadd.s32 s2, s1  }
0x5: {  	s1 =	sadd.s32 s1, s17  }
0x6: {  	[smem:$0x3FB1] =	sst s1  }
0x7: {  	_ = 	snop  }
0x8: {  	(tm) =	ssettm $0x1  }
0x9: {  	s18 =	sld [smem:$0x3FFB];
	_ =	sdelay $0x3  }
0xa: {  	_ =	strace s18  }
0xb: {  	s1 =	sld [smem:$0x3FFC];
	_ =	sdelay $0x3  }
0xc: {  	_ =	strace s1  }
0xd: {  	s1 =	sld [smem:$0x3FFD];
	_ =	sdelay $0x3  }
0xe: {  	_ =	strace s1  }
0xf: {  	_ =	strace $0x8FFFFFFF  }
0x10: {  	s19 =	sld [smem:$0x3FDB];
	_ =	sdelay $0x1  }
0x11: {  	s20 =	simm.s32 $_scs_section_size  }
0x12: {  	s4 =	simm.s32 $_size__tile_overlayer_lowered;
	s5 =	simm.s32 $_tile_overlayer_lowered  }
0x13: {  	s23 =	simm.s32 $0x1BFF;
	s22 =	sshll.u32 s5, $0x1;
	s1 =	sadd.s32 s20, s19  }
0x14: {  	s6 =	simm.s32 $0x0;
	s21 =	sshll.u32 s4, $0x1;
	s4 =	sadd.s32 s22, s1  }
0x15: {  	[timem:s6], [sflag:s23] =	dma.local [hbm:s4], s21  }
0x16: {  	_ =	swait.ge [sflag:s23], s21  }
0x17: {  	s2 =	ssub.s32 $0x0, s21;
	[sflag:s23] =	ssyncset.done $0x0  }
0x18: {  	[sflag:s23] =	ssyncadd.s32 s2;
	_ =	sdelay $0x1  }
0x19: {  	s24 =	simm.s32 $0x1B8B  }
0x1a: {  	_ =	swait.ge [sflag:s24], $0x1  }
0x1b: {  	[sflag:s24] =	ssyncset.done $0x0  }
0x1c: {  	s26 =	simm.s32 $0x1B8E;
	s25 =	sld [smem:$0x3FFE];
	[sflag:s24] =	ssyncadd.s32 $0xFFFFFFFF  }
0x1d: {  	s27 =	simm.s32 $execute0_lowered;
	[smem:$0x3FD2] =	sst s26  }
0x1e: {  	s4 =	sshll.u32 s27, $0x1;
	_ =	strace $0x8000005B;
	[dreg:$0x1] =	wrdreg $0xFFFFFFFF  }
0x1f: {  	s28 =	simm.s32 $_size_execute0_lowered;
	s1 =	sadd.s32 s1, s4;
	[dreg:$0x0] =	wrdreg $0x0  }
0x20: {  	s4 =	sshll.u32 s28, $0x1;
	[dreg:$0x2] =	wrdreg s1  }
0x21: {  	[dreg:$0x3] =	wrdreg s4  }
0x22: {  	[dreg:$0x4] =	wrdreg $0xC0  }
0x23: {  	_ =	task [dreg:s6], $0x5FFFF  }
0x24: {  	[dreg:$0x1] =	wrdreg $0xFFFFFFFF  }
0x25: {  	[dreg:$0x0] =	wrdreg $0x60  }
0x26: {  	[dreg:$0x2] =	wrdreg s25  }
0x27: {  	[dreg:$0x3] =	wrdreg $0x9  }
0x28: {  	_ =	task.clear_ibuf [dreg:s6], $0x4FFFF;
	_ =	strace $0x9000005B  }
0x29: {  	s29 =	simm.s32 $0x9;
	_ =	strace $0x8000005D  }
0x2a: {  	_ =	swait.ge [sflag:s29], $0x1  }
0x2b: {  	[sflag:s29] =	ssyncadd.s32 $0xFFFFFFFF  }
0x2c: {  	_ =	strace $0x9000005D  }
0x2d: {  	_ =	sfence  }
0x2e: {  	s30 =	sld [smem:$0x0];
	_ =	sdelay $0x2  }
0x2f: {  	s31 =	sshll.u32 s3, $0xD;
	s3 =	sshrl.u32 s3, $0x2  }
0x30: {  	s2 =	sand.u32 $0x4000, s31;
	s1 =	sadd.s32 s3, s30  }
0x31: {  	s0 =	sor.u32 s2, s0;
	s1 =	sshll.u32 s1, $0x11  }
0x32: {  	s0 =	sor.u32 s1, s0  }
0x33: {  	s0 =	sadd.s32 $0x8F2B, s0  }
0x34: {  	[sflag:s0] =	ssyncadd.remote.s32 $0x1  }
0x35: {  	_ =	sfence.sel $0xFFFF  }
0x36: {  	[dreg:$0x0] =	wrdreg $0xFFFFFFFF;
	(pc) =	sbr.abs _section_cstart, $3  }
0x37: {  	[dreg:$0x1] =	wrdreg $0xFFFFFFFF  }
0x38: {  	_ =	task.clear_ibuf [dreg:s6], $0x2FFFF;
	_ =	strace $0x9FFFFFFF  }
0x39: {  	(tm) =	ssettm $0x7FFFFFFF  }
tec
execute0_lowered:
.L_overlay_start_1:
0x0: {  	(tag) =	ssettag $0x1  }
0x1: {  	s0 =	srdreg.scid  }
0x2: {  	s1 =	sshll.u32 s0, $0x4  }
0x3: {  	s0 =	stileid.u32;
	s1 =	sand.u32 $0x10, s1  }
0x4: {  	s6 =	rddreg [dreg:$0x0];
	s1 =	sor.u32 s0, s1  }
0x5: {  	s4 =	simm.s32 $0x1;
	s7 =	simm.s32 $0x2;
	s2 =	sshll.u32 s1, $0x9  }
0x6: {  	s14 =	simm.s32 $0x0;
	s8 =	simm.s32 $0x20;
	s3 =	ssub.s32 $0xC4000, s2  }
0x7: {  	s9 =	simm.s32 $0x400;
	s10 =	simm.s32 $0x0;
	s31 =	sand.u32 $0x3E00, s3  }
0x8: {  	s15 =	simm.s32 $0x0;
	s12 =	simm.s32 $0x0;
	p0 =	sne.s32 s31, $0x0  }
.Ltmp0:
0x9: {  	s3 =	sshrl.u32 s3, $0xE;
	s4 =	simm.s32 @!p0 $0x0;
	(pc) =	sbr.rel .LBB1_1-.Ltmp0, $4  }
0xa: {  	s13 =	simm.s32 $0x0;
	s1 =	rddreg [dreg:$0x1];
	s5 =	sadd.s32 s4, s3  }
0xb: {  	_ =	strace $0x8000005C;
	s4 =	simm.s32 $0x1;
	s5 =	smul.u32 $0x7, s5  }
0xc: {  	s11 =	smov.u32 s2;
	s3 =	sadd.s32 $0x1B12600, s6;
	[sflag:s4] =	ssyncpa.u1 $0x0  }
0xd: {  	s6 =	sadd.s32 $0x70D2600, s6;
	[sflag:s7] =	ssyncpa.u1 $0x0;
	s7 =	sadd.s32 $0x1, s5  }
.LBB1_4:
0xe: {  	_ =	sdelay $0x1  }
0xf: {  	s15 =	sshll.u32 s15, $0x4  }
0x10: {  	s15 =	sand.u32 $0x70, s15  }
0x11: {  	[tilespmem:v1+s16+$0x0 ss:$0x1] =	vst.idx.msk $0xffff, v2;
	s14 =	sshll.u32 s14, $0x7;
	s15 =	sadd.s32 s6, s15  }
0x12: {  	[tilespmem:v1+s16+$0xFFFFFFF0 ss:$0x1] =	vst.idx.msk $0xffff, v3;
	s14 =	sadd.s32 s14, s15  }
0x13: {  	[hbm4b:s14+s8] =	stream.strided.scatter [tilespmem:s17], [sflag:$0x2], $0x4000, s9, s8, $0x38;
	[tilespmem:$0x10000] =	vst v63  }
.LBB1_5:
0x14: {  	s16 =	sadd.s32 $0x4000, s11  }
0x15: {  	s14 =	simm.s32 $0x1;
	p1 =	sgt.s32 s16, $0xC3FFF  }
0x16: {  	s14 =	simm.s32 @!p1 $0x0  }
0x17: {  	s18 =	sadd.s32 s14, s12  }
0x18: {  	s16 =	smov.u32 @p1 s2;
	p1 =	sgt.s32 s18, $0x6  }
0x19: {  	s18 =	simm.s32 @p1 $0x0;
	p1 =	sne.s32 s13, s7  }
.Ltmp1:
0x1a: {  	p0 =	slt.u32 s13, $0x2;
	(pc) =	sbr.rel @!p1 .LBB1_6-.Ltmp1, $4  }
0x1b: {  	s17 =	simm.s32 @!p0 $0x2  }
0x1c: {  	s15 =	smov.u32 s12;
	s10 =	sadd.s32 $0x4000, s10;
	_ =	swait.ge @!p0 [sflag:s17], $0x4000  }
0x1d: {  	[sflag:s17] =	ssyncset.done @!p0 $0x0;
	s14 =	smov.u32 s11;
	s11 =	smov.u32 s16  }
0x1e: {  	[sflag:s17] =	ssyncadd.s32 @!p0 $0xFFFFC000;
	s13 =	sadd.s32 $0x1, s13;
	s12 =	smov.u32 s18  }
.LBB1_1:
0x1f: {  	p0 =	sge.u32 s13, s5  }
0x20: {  	s16 =	sand.u32 @!p0 $0x1FFFFFF, s11  }
0x21: {  	s17 =	smulhi.u32 @!p0 $0x14E5E0B, s16;
	_ =	sdelay $0x1  }
0x22: {  	s17 =	sshrl.u32 @!p0 s17, $0xC  }
0x23: {  	s17 =	smul.u32 @!p0 $0xC4000, s17  }
0x24: {  	s18 =	sxor.u32 @!p0 $0xFFFFFFFF, s13;
	s19 =	smul.u32 @!p0 $0xC40000, s12  }
0x25: {  	s31 =	sadd.s32 $0xFFFFFFFF, s13;
	s18 =	sshll.u32 @!p0 s18, $0xE;
	s16 =	ssub.s32 @!p0 s16, s17  }
0x26: {  	s17 =	sand.u32 @!p0 $0x4000, s18;
	s18 =	sadd.s32 @!p0 s3, s19;
	s16 =	sshll.u32 @!p0 s16, $0x4  }
0x27: {  	s19 =	simm.s32 @!p0 $0x80;
	s16 =	sadd.s32 @!p0 s16, s18;
	s18 =	simm.s32 @!p0 $0x20  }
0x28: {  	[tilespmem:s17], [sflag:$0x1] =	stream.strided.gather @!p0 [hbm4b:s16+s18], $0x4000, s19, s18, $0x38;
	[tilespmem:$0x10000] =	vst v63  }
0x29: {  	p0 =	sge.u32 s31, s5  }
.Ltmp2:
0x2a: {  	_ = 	snop;
	(pc) =	sbr.rel @p0 .LBB1_5-.Ltmp2, $1  }
0x2b: {  	_ =	sdelay $0x3  }
0x2c: {  	s17 =	sand.u32 $0x4000, s10  }
0x2d: {  	s16 =	sor.u32 $0x10, s17  }
0x2e: {  	v0 =	vmov s16;
	_ =	sdelay $0x1  }
0x2f: {  	_ =	swait.ge [sflag:s4], $0x4000  }
0x30: {  	[sflag:s4] =	ssyncset.done $0x0  }
0x31: {  	s18 =	sshll.u32 s13, $0xE;
	[sflag:s4] =	ssyncadd.s32 $0xFFFFC000;
	s16 =	simm.s32 $0x0  }
0x32: {  	s19 =	sor.u32 $0x8010, s17;
	s31 =	sand.u32 $0x4000, s18;
	v2 =	vld.idx.msk [tilespmem:v0+s16+$0x0 ss:$0x1], $0xffff  }
0x33: {  	s18 =	simm.s32 $0x80;
	s17 =	sor.u32 $0x8000, s31;
	v1 =	vmov s19;
	v3 =	vld.idx.msk [tilespmem:v0+s16+$0xFFFFFFF0 ss:$0x1], $0xffff  }
.LBB1_3:
0x34: {  	p0 =	sne.s32 s18, $0xFF80  }
.Ltmp3:
0x35: {  	_ = 	snop;
	(pc) =	sbr.rel @p0 .LBB1_3-.Ltmp3, $4  }
0x36: {  	_ = 	snop  }
0x37: {  	s19 =	sshra.s32 s18, $0x2;
	s18 =	sadd.s32 $0x80, s18  }
0x38: {  	[tilespmem:v1+s16+$0x0 ss:$0x1] =	vst.idx.msk $0xffff, v2;
	v2 =	vld.idx.msk [tilespmem:v0+s19+$0x0 ss:$0x1], $0xffff  }
0x39: {  	[tilespmem:v1+s16+$0xFFFFFFF0 ss:$0x1] =	vst.idx.msk $0xffff, v3;
	v3 =	vld.idx.msk [tilespmem:v0+s19+$0xFFFFFFF0 ss:$0x1], $0xffff;
	s16 =	smov.u32 s19  }
.Ltmp4:
0x3a: {  	_ = 	snop;
	(pc) =	sbr.rel .LBB1_4-.Ltmp4, $1  }
0x3b: {  	_ =	sdelay $0x3  }
.LBB1_6:
0x3c: {  	_ =	sfence.sel $0x180000  }
0x3d: {  	s2 =	simm.s32 $0x1;
	[bflag:$0x0] =	sbarrier.arrive $0xFFFF  }
0x3e: {  	s31 =	simm.s32 $0x2;
	[sflag:s2] =	ssyncpa.u1 $0x1  }
0x3f: {  	[sflag:s31] =	ssyncpa.u1 $0x1  }
0x40: {  	p0 =	sne.s32 s0, $0x0;
	_ =	strace $0x9000005C  }
0x41: {  	s0 =	sadd.s32 @!p0 $0x100000, s1;
	[bflag:$0x2] =	sbarrier.arrive $0xFFFF  }
0x42: {  	[sflag:s0] =	ssyncadd.tile.s32 @!p0 $0x1;
	_ =	shalt  }
.Lfunc_end1:
_tile_overlayer_lowered:
.L_overlay_start_2:
0x43: {  	(tag) =	ssettag $0x2  }
0x44: {  	s0 =	rddreg [dreg:$0x0];
	s2 =	stileid.u32  }
0x45: {  	s1 =	rddreg [dreg:$0x1];
	p0 =	sne.s32 s2, $0x0  }
0x46: {  	s3 =	rddreg [dreg:$0x2];
	[bflag:$0x3] =	sbarrier.arrive $0xFFFF;
	s2 =	simm.s32 @!p0 $0x1C01  }
0x47: {  	[timem:s3], [sflag:s2] =	dma.local @!p0 [hbm:s0], s1  }
0x48: {  	s0 =	simm.s32 @!p0 $0x1  }
0x49: {  	_ =	swait.ge @!p0 [sflag:s0], s1  }
0x4a: {  	s1 =	ssub.s32 @!p0 $0x0, s1;
	[sflag:s0] =	ssyncset.done @!p0 $0x0  }
0x4b: {  	[sflag:s0] =	ssyncadd.s32 @!p0 s1  }
0x4c: {  	[bflag:$0x3] =	sbarrier.arrive $0xFFFF  }
0x4d: {  	_ =	shalt  }

// kernel: sparse-core-data-format-call.3.cloned.1.call-start
scs
called_computation.3_lowered:
.L_overlay_start_0:
0x0: {  	s1 =	sld [smem:$0x3FD9]  }
0x1: {  	s2 =	sld [smem:$0x3FFE];
	_ =	sdelay $0x1  }
0x2: {  	s3 =	srdreg.scid  }
0x3: {  	s0 =	sand.u32 $0x1, s3  }
0x4: {  	s17 =	sshll.u32 s0, $0xA;
	s1 =	sadd.s32 s2, s1  }
0x5: {  	s1 =	sadd.s32 s1, s17  }
0x6: {  	[smem:$0x3FB1] =	sst s1  }
0x7: {  	_ = 	snop  }
0x8: {  	(tm) =	ssettm $0x1  }
0x9: {  	s18 =	sld [smem:$0x3FFB];
	_ =	sdelay $0x3  }
0xa: {  	_ =	strace s18  }
0xb: {  	s1 =	sld [smem:$0x3FFC];
	_ =	sdelay $0x3  }
0xc: {  	_ =	strace s1  }
0xd: {  	s1 =	sld [smem:$0x3FFD];
	_ =	sdelay $0x3  }
0xe: {  	_ =	strace s1  }
0xf: {  	_ =	strace $0x8FFFFFFF  }
0x10: {  	s19 =	sld [smem:$0x3FDB];
	_ =	sdelay $0x1  }
0x11: {  	s20 =	simm.s32 $_scs_section_size  }
0x12: {  	s4 =	simm.s32 $_size__tile_overlayer_lowered;
	s5 =	simm.s32 $_tile_overlayer_lowered  }
0x13: {  	s23 =	simm.s32 $0x1BFF;
	s22 =	sshll.u32 s5, $0x1;
	s1 =	sadd.s32 s20, s19  }
0x14: {  	s6 =	simm.s32 $0x0;
	s21 =	sshll.u32 s4, $0x1;
	s4 =	sadd.s32 s22, s1  }
0x15: {  	[timem:s6], [sflag:s23] =	dma.local [hbm:s4], s21  }
0x16: {  	_ =	swait.ge [sflag:s23], s21  }
0x17: {  	s2 =	ssub.s32 $0x0, s21;
	[sflag:s23] =	ssyncset.done $0x0  }
0x18: {  	[sflag:s23] =	ssyncadd.s32 s2;
	_ =	sdelay $0x1  }
0x19: {  	s24 =	simm.s32 $0x1B8B  }
0x1a: {  	_ =	swait.ge [sflag:s24], $0x1  }
0x1b: {  	[sflag:s24] =	ssyncset.done $0x0  }
0x1c: {  	s26 =	simm.s32 $0x1B8E;
	s25 =	sld [smem:$0x3FFE];
	[sflag:s24] =	ssyncadd.s32 $0xFFFFFFFF  }
0x1d: {  	s27 =	simm.s32 $execute0_lowered;
	[smem:$0x3FD2] =	sst s26  }
0x1e: {  	s4 =	sshll.u32 s27, $0x1;
	_ =	strace $0x80000055;
	[dreg:$0x1] =	wrdreg $0xFFFFFFFF  }
0x1f: {  	s28 =	simm.s32 $_size_execute0_lowered;
	s1 =	sadd.s32 s1, s4;
	[dreg:$0x0] =	wrdreg $0x0  }
0x20: {  	s4 =	sshll.u32 s28, $0x1;
	[dreg:$0x2] =	wrdreg s1  }
0x21: {  	[dreg:$0x3] =	wrdreg s4  }
0x22: {  	[dreg:$0x4] =	wrdreg $0xC0  }
0x23: {  	_ =	task [dreg:s6], $0x5FFFF  }
0x24: {  	[dreg:$0x1] =	wrdreg $0xFFFFFFFF  }
0x25: {  	[dreg:$0x0] =	wrdreg $0x60  }
0x26: {  	[dreg:$0x2] =	wrdreg s25  }
0x27: {  	[dreg:$0x3] =	wrdreg $0x9  }
0x28: {  	_ =	task.clear_ibuf [dreg:s6], $0x4FFFF;
	_ =	strace $0x90000055  }
0x29: {  	s29 =	simm.s32 $0x9;
	_ =	strace $0x80000057  }
0x2a: {  	_ =	swait.ge [sflag:s29], $0x1  }
0x2b: {  	[sflag:s29] =	ssyncadd.s32 $0xFFFFFFFF  }
0x2c: {  	_ =	strace $0x90000057  }
0x2d: {  	_ =	sfence  }
0x2e: {  	s30 =	sld [smem:$0x0];
	_ =	sdelay $0x2  }
0x2f: {  	s31 =	sshll.u32 s3, $0xD;
	s3 =	sshrl.u32 s3, $0x2  }
0x30: {  	s2 =	sand.u32 $0x4000, s31;
	s1 =	sadd.s32 s3, s30  }
0x31: {  	s0 =	sor.u32 s2, s0;
	s1 =	sshll.u32 s1, $0x11  }
0x32: {  	s0 =	sor.u32 s1, s0  }
0x33: {  	s0 =	sadd.s32 $0x8F2B, s0  }
0x34: {  	[sflag:s0] =	ssyncadd.remote.s32 $0x1  }
0x35: {  	_ =	sfence.sel $0xFFFF  }
0x36: {  	[dreg:$0x0] =	wrdreg $0xFFFFFFFF;
	(pc) =	sbr.abs _section_cstart, $3  }
0x37: {  	[dreg:$0x1] =	wrdreg $0xFFFFFFFF  }
0x38: {  	_ =	task.clear_ibuf [dreg:s6], $0x2FFFF;
	_ =	strace $0x9FFFFFFF  }
0x39: {  	(tm) =	ssettm $0x7FFFFFFF  }
tec
execute0_lowered:
.L_overlay_start_1:
0x0: {  	(tag) =	ssettag $0x1  }
0x1: {  	s1 =	srdreg.scid  }
0x2: {  	s0 =	stileid.u32;
	s4 =	rddreg [dreg:$0x0];
	s31 =	simm.s32 $0x2  }
0x3: {  	s13 =	simm.s32 $0x0;
	s9 =	simm.s32 $0x20;
	s10 =	simm.s32 $0x80  }
0x4: {  	s14 =	simm.s32 $0x0;
	s1 =	sshll.u32 s1, $0x4;
	s2 =	sshll.u32 s0, $0x9  }
0x5: {  	s12 =	simm.s32 $0x0;
	s1 =	sand.u32 $0x10, s1;
	s2 =	sand.u32 $0x600, s2  }
0x6: {  	s3 =	sor.u32 s0, s1;
	s1 =	rddreg [dreg:$0x1];
	s5 =	ssub.s32 $0xD000, s2  }
0x7: {  	_ =	strace $0x80000056;
	s3 =	sshrl.u32 s3, $0x2;
	s7 =	sand.u32 $0x600, s5  }
0x8: {  	s11 =	smov.u32 s2;
	s6 =	sshll.u32 s3, $0x4;
	p0 =	sne.s32 s7, $0x0  }
.Ltmp0:
0x9: {  	s8 =	sadd.s32 s6, s4;
	s6 =	simm.s32 $0x1;
	(pc) =	sbr.rel .LBB1_1-.Ltmp0, $4  }
0xa: {  	s30 =	sshrl.u32 s5, $0xB;
	s5 =	simm.s32 $0x1;
	s6 =	simm.s32 @!p0 $0x0  }
0xb: {  	[sflag:s5] =	ssyncpa.u1 $0x0;
	p0 =	seq.s32 s3, $0x7;
	s6 =	sadd.s32 s6, s30  }
0xc: {  	s4 =	sadd.s32 $0x292600, s4;
	[sflag:s31] =	ssyncpa.u1 $0x0;
	s6 =	simm.s32 @p0 $0x0  }
0xd: {  	s7 =	sadd.s32 $0x912600, s8;
	p0 =	por $0x0, $0x0;
	s8 =	sadd.s32 $0x1, s6  }
.LBB1_4:
0xe: {  	s14 =	sand.u32 $0x1FFFFFF, s14  }
0xf: {  	s17 =	smulhi.u32 $0x2762763, s14;
	_ =	sdelay $0x1  }
0x10: {  	s17 =	sshrl.u32 s17, $0x9  }
0x11: {  	s17 =	smul.u32 $0xD000, s17  }
0x12: {  	s13 =	smul.u32 $0xD0000, s13  }
0x13: {  	s14 =	ssub.s32 s14, s17  }
0x14: {  	[tilespmem:v0+s15+$0x10 ss:$0x1] =	vst.idx.msk $0xffff, v2;
	s13 =	sadd.s32 s4, s13;
	s14 =	sshll.u32 s14, $0x4  }
0x15: {  	[tilespmem:v0+s15+$0x0 ss:$0x1] =	vst.idx.msk $0xffff, v3;
	s13 =	sadd.s32 s14, s13  }
0x16: {  	[hbm4b:s13+s9] =	stream.strided.scatter [tilespmem:s16], [sflag:$0x2], $0x4000, s10, s9, $0x38;
	[tilespmem:$0x10000] =	vst v63  }
.LBB1_5:
0x17: {  	s15 =	sadd.s32 $0x800, s11  }
0x18: {  	p2 =	sgt.s32 s15, $0xCFFF  }
0x19: {  	s15 =	smov.u32 @p2 s2;
	p2 =	sne.s32 s12, s8  }
.Ltmp1:
0x1a: {  	p1 =	slt.u32 s12, $0x2;
	(pc) =	sbr.rel @!p2 .LBB1_6-.Ltmp1, $4  }
0x1b: {  	s13 =	simm.s32 @!p1 $0x2  }
0x1c: {  	s16 =	sadd.s32 $0x1, s12;
	s14 =	smov.u32 s11;
	_ =	swait.ge @!p1 [sflag:s13], $0x4000  }
0x1d: {  	p0 =	por !p0, !p0;
	s12 =	smov.u32 s16;
	[sflag:s13] =	ssyncset.done @!p1 $0x0  }
0x1e: {  	s11 =	smov.u32 s15;
	[sflag:s13] =	ssyncadd.s32 @!p1 $0xFFFFC000;
	s13 =	smov.u32 s3  }
.LBB1_1:
0x1f: {  	p1 =	sge.u32 s12, s6  }
0x20: {  	s31 =	sadd.s32 $0xFFFFFFFF, s12;
	s15 =	sxor.u32 @!p1 $0xFFFFFFFF, s12  }
0x21: {  	s16 =	sshll.u32 @!p1 s11, $0x7;
	s17 =	simm.s32 @!p1 $0x20;
	s15 =	sshll.u32 @!p1 s15, $0xE  }
0x22: {  	s18 =	simm.s32 @!p1 $0x400;
	s16 =	sadd.s32 @!p1 s16, s7;
	s15 =	sand.u32 @!p1 $0x4000, s15  }
0x23: {  	[tilespmem:s15], [sflag:$0x1] =	stream.strided.gather @!p1 [hbm4b:s16+s17], $0x4000, s18, s17, $0x38;
	[tilespmem:$0x10000] =	vst v63  }
0x24: {  	p1 =	sge.u32 s31, s6  }
.Ltmp2:
0x25: {  	_ = 	snop;
	(pc) =	sbr.rel @p1 .LBB1_5-.Ltmp2, $1  }
0x26: {  	_ =	sdelay $0x3  }
0x27: {  	s15 =	simm.s32 $0x1  }
0x28: {  	s15 =	simm.s32 @!p0 $0x0  }
0x29: {  	s16 =	sshll.u32 s15, $0xE  }
0x2a: {  	v1 =	vmov s16;
	_ =	sdelay $0x1  }
0x2b: {  	_ =	swait.ge [sflag:s5], $0x4000  }
0x2c: {  	[sflag:s5] =	ssyncset.done $0x0  }
0x2d: {  	s17 =	sshll.u32 s12, $0xE;
	[sflag:s5] =	ssyncadd.s32 $0xFFFFC000;
	s15 =	simm.s32 $0x0  }
0x2e: {  	s31 =	sand.u32 $0x4000, s17;
	s18 =	sor.u32 $0x8000, s16;
	v2 =	vld.idx.msk [tilespmem:v1+s15+$0x10 ss:$0x1], $0xffff  }
0x2f: {  	s17 =	simm.s32 $0x80;
	s16 =	sor.u32 $0x8000, s31;
	v0 =	vmov s18;
	v3 =	vld.idx.msk [tilespmem:v1+s15+$0x0 ss:$0x1], $0xffff  }
.LBB1_3:
0x30: {  	p1 =	sne.s32 s17, $0xFF80  }
.Ltmp3:
0x31: {  	_ = 	snop;
	(pc) =	sbr.rel @p1 .LBB1_3-.Ltmp3, $4  }
0x32: {  	_ = 	snop  }
0x33: {  	s18 =	sshra.s32 s17, $0x2;
	s17 =	sadd.s32 $0x80, s17  }
0x34: {  	[tilespmem:v0+s15+$0x10 ss:$0x1] =	vst.idx.msk $0xffff, v2;
	v2 =	vld.idx.msk [tilespmem:v1+s18+$0x10 ss:$0x1], $0xffff  }
0x35: {  	[tilespmem:v0+s15+$0x0 ss:$0x1] =	vst.idx.msk $0xffff, v3;
	v3 =	vld.idx.msk [tilespmem:v1+s18+$0x0 ss:$0x1], $0xffff;
	s15 =	smov.u32 s18  }
.Ltmp4:
0x36: {  	_ = 	snop;
	(pc) =	sbr.rel .LBB1_4-.Ltmp4, $1  }
0x37: {  	_ =	sdelay $0x3  }
.LBB1_6:
0x38: {  	_ =	sfence.sel $0x180000  }
0x39: {  	s2 =	simm.s32 $0x1;
	[bflag:$0x0] =	sbarrier.arrive $0xFFFF  }
0x3a: {  	s31 =	simm.s32 $0x2;
	[sflag:s2] =	ssyncpa.u1 $0x1  }
0x3b: {  	[sflag:s31] =	ssyncpa.u1 $0x1  }
0x3c: {  	p0 =	sne.s32 s0, $0x0;
	_ =	strace $0x90000056  }
0x3d: {  	s0 =	sadd.s32 @!p0 $0x100000, s1;
	[bflag:$0x2] =	sbarrier.arrive $0xFFFF  }
0x3e: {  	[sflag:s0] =	ssyncadd.tile.s32 @!p0 $0x1;
	_ =	shalt  }
.Lfunc_end1:
_tile_overlayer_lowered:
.L_overlay_start_2:
0x3f: {  	(tag) =	ssettag $0x2  }
0x40: {  	s0 =	rddreg [dreg:$0x0];
	s2 =	stileid.u32  }
0x41: {  	s1 =	rddreg [dreg:$0x1];
	p0 =	sne.s32 s2, $0x0  }
0x42: {  	s3 =	rddreg [dreg:$0x2];
	[bflag:$0x3] =	sbarrier.arrive $0xFFFF;
	s2 =	simm.s32 @!p0 $0x1C01  }
0x43: {  	[timem:s3], [sflag:s2] =	dma.local @!p0 [hbm:s0], s1  }
0x44: {  	s0 =	simm.s32 @!p0 $0x1  }
0x45: {  	_ =	swait.ge @!p0 [sflag:s0], s1  }
0x46: {  	s1 =	ssub.s32 @!p0 $0x0, s1;
	[sflag:s0] =	ssyncset.done @!p0 $0x0  }
0x47: {  	[sflag:s0] =	ssyncadd.s32 @!p0 s1  }
0x48: {  	[bflag:$0x3] =	sbarrier.arrive $0xFFFF  }
0x49: {  	_ =	shalt  }

// kernel: sparse-core-data-format-call.4.cloned.1.call-start
scs
called_computation.4_lowered:
.L_overlay_start_0:
0x0: {  	s1 =	sld [smem:$0x3FD9]  }
0x1: {  	s2 =	sld [smem:$0x3FFE];
	_ =	sdelay $0x1  }
0x2: {  	s3 =	srdreg.scid  }
0x3: {  	s0 =	sand.u32 $0x1, s3  }
0x4: {  	s17 =	sshll.u32 s0, $0xA;
	s1 =	sadd.s32 s2, s1  }
0x5: {  	s1 =	sadd.s32 s1, s17  }
0x6: {  	[smem:$0x3FB1] =	sst s1  }
0x7: {  	_ = 	snop  }
0x8: {  	(tm) =	ssettm $0x1  }
0x9: {  	s18 =	sld [smem:$0x3FFB];
	_ =	sdelay $0x3  }
0xa: {  	_ =	strace s18  }
0xb: {  	s1 =	sld [smem:$0x3FFC];
	_ =	sdelay $0x3  }
0xc: {  	_ =	strace s1  }
0xd: {  	s1 =	sld [smem:$0x3FFD];
	_ =	sdelay $0x3  }
0xe: {  	_ =	strace s1  }
0xf: {  	_ =	strace $0x8FFFFFFF  }
0x10: {  	s19 =	sld [smem:$0x3FDB];
	_ =	sdelay $0x1  }
0x11: {  	s20 =	simm.s32 $_scs_section_size  }
0x12: {  	s4 =	simm.s32 $_size__tile_overlayer_lowered;
	s5 =	simm.s32 $_tile_overlayer_lowered  }
0x13: {  	s23 =	simm.s32 $0x1BFF;
	s22 =	sshll.u32 s5, $0x1;
	s1 =	sadd.s32 s20, s19  }
0x14: {  	s6 =	simm.s32 $0x0;
	s21 =	sshll.u32 s4, $0x1;
	s4 =	sadd.s32 s22, s1  }
0x15: {  	[timem:s6], [sflag:s23] =	dma.local [hbm:s4], s21  }
0x16: {  	_ =	swait.ge [sflag:s23], s21  }
0x17: {  	s2 =	ssub.s32 $0x0, s21;
	[sflag:s23] =	ssyncset.done $0x0  }
0x18: {  	[sflag:s23] =	ssyncadd.s32 s2;
	_ =	sdelay $0x1  }
0x19: {  	s24 =	simm.s32 $0x1B8B  }
0x1a: {  	_ =	swait.ge [sflag:s24], $0x1  }
0x1b: {  	[sflag:s24] =	ssyncset.done $0x0  }
0x1c: {  	s26 =	simm.s32 $0x1B8E;
	s25 =	sld [smem:$0x3FFE];
	[sflag:s24] =	ssyncadd.s32 $0xFFFFFFFF  }
0x1d: {  	s27 =	simm.s32 $execute0_lowered;
	[smem:$0x3FD2] =	sst s26  }
0x1e: {  	s4 =	sshll.u32 s27, $0x1;
	_ =	strace $0x80000052;
	[dreg:$0x1] =	wrdreg $0xFFFFFFFF  }
0x1f: {  	s28 =	simm.s32 $_size_execute0_lowered;
	s1 =	sadd.s32 s1, s4;
	[dreg:$0x0] =	wrdreg $0x0  }
0x20: {  	s4 =	sshll.u32 s28, $0x1;
	[dreg:$0x2] =	wrdreg s1  }
0x21: {  	[dreg:$0x3] =	wrdreg s4  }
0x22: {  	[dreg:$0x4] =	wrdreg $0xC0  }
0x23: {  	_ =	task [dreg:s6], $0x5FFFF  }
0x24: {  	[dreg:$0x1] =	wrdreg $0xFFFFFFFF  }
0x25: {  	[dreg:$0x0] =	wrdreg $0x60  }
0x26: {  	[dreg:$0x2] =	wrdreg s25  }
0x27: {  	[dreg:$0x3] =	wrdreg $0x9  }
0x28: {  	_ =	task.clear_ibuf [dreg:s6], $0x4FFFF;
	_ =	strace $0x90000052  }
0x29: {  	s29 =	simm.s32 $0x9;
	_ =	strace $0x80000054  }
0x2a: {  	_ =	swait.ge [sflag:s29], $0x1  }
0x2b: {  	[sflag:s29] =	ssyncadd.s32 $0xFFFFFFFF  }
0x2c: {  	_ =	strace $0x90000054  }
0x2d: {  	_ =	sfence  }
0x2e: {  	s30 =	sld [smem:$0x0];
	_ =	sdelay $0x2  }
0x2f: {  	s31 =	sshll.u32 s3, $0xD;
	s3 =	sshrl.u32 s3, $0x2  }
0x30: {  	s2 =	sand.u32 $0x4000, s31;
	s1 =	sadd.s32 s3, s30  }
0x31: {  	s0 =	sor.u32 s2, s0;
	s1 =	sshll.u32 s1, $0x11  }
0x32: {  	s0 =	sor.u32 s1, s0  }
0x33: {  	s0 =	sadd.s32 $0x8F2B, s0  }
0x34: {  	[sflag:s0] =	ssyncadd.remote.s32 $0x1  }
0x35: {  	_ =	sfence.sel $0xFFFF  }
0x36: {  	[dreg:$0x0] =	wrdreg $0xFFFFFFFF;
	(pc) =	sbr.abs _section_cstart, $3  }
0x37: {  	[dreg:$0x1] =	wrdreg $0xFFFFFFFF  }
0x38: {  	_ =	task.clear_ibuf [dreg:s6], $0x2FFFF;
	_ =	strace $0x9FFFFFFF  }
0x39: {  	(tm) =	ssettm $0x7FFFFFFF  }
tec
execute0_lowered:
.L_overlay_start_1:
0x0: {  	(tag) =	ssettag $0x1  }
0x1: {  	s0 =	srdreg.scid  }
0x2: {  	s1 =	sshll.u32 s0, $0x4  }
0x3: {  	s0 =	stileid.u32;
	s1 =	sand.u32 $0x10, s1  }
0x4: {  	s6 =	rddreg [dreg:$0x0];
	s1 =	sor.u32 s0, s1  }
0x5: {  	s4 =	simm.s32 $0x1;
	s7 =	simm.s32 $0x2;
	s2 =	sshll.u32 s1, $0x9  }
0x6: {  	s14 =	simm.s32 $0x0;
	s8 =	simm.s32 $0x20;
	s3 =	ssub.s32 $0xC4000, s2  }
0x7: {  	s9 =	simm.s32 $0x400;
	s10 =	simm.s32 $0x0;
	s31 =	sand.u32 $0x3E00, s3  }
0x8: {  	s15 =	simm.s32 $0x0;
	s12 =	simm.s32 $0x0;
	p0 =	sne.s32 s31, $0x0  }
.Ltmp0:
0x9: {  	s3 =	sshrl.u32 s3, $0xE;
	s4 =	simm.s32 @!p0 $0x0;
	(pc) =	sbr.rel .LBB1_1-.Ltmp0, $4  }
0xa: {  	s13 =	simm.s32 $0x0;
	s1 =	rddreg [dreg:$0x1];
	s5 =	sadd.s32 s4, s3  }
0xb: {  	_ =	strace $0x80000053;
	s4 =	simm.s32 $0x1;
	s5 =	smul.u32 $0x7, s5  }
0xc: {  	s11 =	smov.u32 s2;
	s3 =	sadd.s32 $0x7D12600, s6;
	[sflag:s4] =	ssyncpa.u1 $0x0  }
0xd: {  	s6 =	sadd.s32 $0x912600, s6;
	[sflag:s7] =	ssyncpa.u1 $0x0;
	s7 =	sadd.s32 $0x1, s5  }
.LBB1_4:
0xe: {  	_ =	sdelay $0x1  }
0xf: {  	s15 =	sshll.u32 s15, $0x4  }
0x10: {  	s15 =	sand.u32 $0x70, s15  }
0x11: {  	[tilespmem:v1+s16+$0x0 ss:$0x1] =	vst.idx.msk $0xffff, v2;
	s14 =	sshll.u32 s14, $0x7;
	s15 =	sadd.s32 s6, s15  }
0x12: {  	[tilespmem:v1+s16+$0xFFFFFFF0 ss:$0x1] =	vst.idx.msk $0xffff, v3;
	s14 =	sadd.s32 s14, s15  }
0x13: {  	[hbm4b:s14+s8] =	stream.strided.scatter [tilespmem:s17], [sflag:$0x2], $0x4000, s9, s8, $0x38;
	[tilespmem:$0x10000] =	vst v63  }
.LBB1_5:
0x14: {  	s16 =	sadd.s32 $0x4000, s11  }
0x15: {  	s14 =	simm.s32 $0x1;
	p1 =	sgt.s32 s16, $0xC3FFF  }
0x16: {  	s14 =	simm.s32 @!p1 $0x0  }
0x17: {  	s18 =	sadd.s32 s14, s12  }
0x18: {  	s16 =	smov.u32 @p1 s2;
	p1 =	sgt.s32 s18, $0x6  }
0x19: {  	s18 =	simm.s32 @p1 $0x0;
	p1 =	sne.s32 s13, s7  }
.Ltmp1:
0x1a: {  	p0 =	slt.u32 s13, $0x2;
	(pc) =	sbr.rel @!p1 .LBB1_6-.Ltmp1, $4  }
0x1b: {  	s17 =	simm.s32 @!p0 $0x2  }
0x1c: {  	s15 =	smov.u32 s12;
	s10 =	sadd.s32 $0x4000, s10;
	_ =	swait.ge @!p0 [sflag:s17], $0x4000  }
0x1d: {  	[sflag:s17] =	ssyncset.done @!p0 $0x0;
	s14 =	smov.u32 s11;
	s11 =	smov.u32 s16  }
0x1e: {  	[sflag:s17] =	ssyncadd.s32 @!p0 $0xFFFFC000;
	s13 =	sadd.s32 $0x1, s13;
	s12 =	smov.u32 s18  }
.LBB1_1:
0x1f: {  	p0 =	sge.u32 s13, s5  }
0x20: {  	s16 =	sand.u32 @!p0 $0x1FFFFFF, s11  }
0x21: {  	s17 =	smulhi.u32 @!p0 $0x14E5E0B, s16;
	_ =	sdelay $0x1  }
0x22: {  	s17 =	sshrl.u32 @!p0 s17, $0xC  }
0x23: {  	s17 =	smul.u32 @!p0 $0xC4000, s17  }
0x24: {  	s18 =	sxor.u32 @!p0 $0xFFFFFFFF, s13;
	s19 =	smul.u32 @!p0 $0xC40000, s12  }
0x25: {  	s31 =	sadd.s32 $0xFFFFFFFF, s13;
	s18 =	sshll.u32 @!p0 s18, $0xE;
	s16 =	ssub.s32 @!p0 s16, s17  }
0x26: {  	s17 =	sand.u32 @!p0 $0x4000, s18;
	s18 =	sadd.s32 @!p0 s3, s19;
	s16 =	sshll.u32 @!p0 s16, $0x4  }
0x27: {  	s19 =	simm.s32 @!p0 $0x80;
	s16 =	sadd.s32 @!p0 s16, s18;
	s18 =	simm.s32 @!p0 $0x20  }
0x28: {  	[tilespmem:s17], [sflag:$0x1] =	stream.strided.gather @!p0 [hbm4b:s16+s18], $0x4000, s19, s18, $0x38;
	[tilespmem:$0x10000] =	vst v63  }
0x29: {  	p0 =	sge.u32 s31, s5  }
.Ltmp2:
0x2a: {  	_ = 	snop;
	(pc) =	sbr.rel @p0 .LBB1_5-.Ltmp2, $1  }
0x2b: {  	_ =	sdelay $0x3  }
0x2c: {  	s17 =	sand.u32 $0x4000, s10  }
0x2d: {  	s16 =	sor.u32 $0x10, s17  }
0x2e: {  	v0 =	vmov s16;
	_ =	sdelay $0x1  }
0x2f: {  	_ =	swait.ge [sflag:s4], $0x4000  }
0x30: {  	[sflag:s4] =	ssyncset.done $0x0  }
0x31: {  	s18 =	sshll.u32 s13, $0xE;
	[sflag:s4] =	ssyncadd.s32 $0xFFFFC000;
	s16 =	simm.s32 $0x0  }
0x32: {  	s19 =	sor.u32 $0x8010, s17;
	s31 =	sand.u32 $0x4000, s18;
	v2 =	vld.idx.msk [tilespmem:v0+s16+$0x0 ss:$0x1], $0xffff  }
0x33: {  	s18 =	simm.s32 $0x80;
	s17 =	sor.u32 $0x8000, s31;
	v1 =	vmov s19;
	v3 =	vld.idx.msk [tilespmem:v0+s16+$0xFFFFFFF0 ss:$0x1], $0xffff  }
.LBB1_3:
0x34: {  	p0 =	sne.s32 s18, $0xFF80  }
.Ltmp3:
0x35: {  	_ = 	snop;
	(pc) =	sbr.rel @p0 .LBB1_3-.Ltmp3, $4  }
0x36: {  	_ = 	snop  }
0x37: {  	s19 =	sshra.s32 s18, $0x2;
	s18 =	sadd.s32 $0x80, s18  }
0x38: {  	[tilespmem:v1+s16+$0x0 ss:$0x1] =	vst.idx.msk $0xffff, v2;
	v2 =	vld.idx.msk [tilespmem:v0+s19+$0x0 ss:$0x1], $0xffff  }
0x39: {  	[tilespmem:v1+s16+$0xFFFFFFF0 ss:$0x1] =	vst.idx.msk $0xffff, v3;
	v3 =	vld.idx.msk [tilespmem:v0+s19+$0xFFFFFFF0 ss:$0x1], $0xffff;
	s16 =	smov.u32 s19  }
.Ltmp4:
0x3a: {  	_ = 	snop;
	(pc) =	sbr.rel .LBB1_4-.Ltmp4, $1  }
0x3b: {  	_ =	sdelay $0x3  }
.LBB1_6:
0x3c: {  	_ =	sfence.sel $0x180000  }
0x3d: {  	s2 =	simm.s32 $0x1;
	[bflag:$0x0] =	sbarrier.arrive $0xFFFF  }
0x3e: {  	s31 =	simm.s32 $0x2;
	[sflag:s2] =	ssyncpa.u1 $0x1  }
0x3f: {  	[sflag:s31] =	ssyncpa.u1 $0x1  }
0x40: {  	p0 =	sne.s32 s0, $0x0;
	_ =	strace $0x90000053  }
0x41: {  	s0 =	sadd.s32 @!p0 $0x100000, s1;
	[bflag:$0x2] =	sbarrier.arrive $0xFFFF  }
0x42: {  	[sflag:s0] =	ssyncadd.tile.s32 @!p0 $0x1;
	_ =	shalt  }
.Lfunc_end1:
_tile_overlayer_lowered:
.L_overlay_start_2:
0x43: {  	(tag) =	ssettag $0x2  }
0x44: {  	s0 =	rddreg [dreg:$0x0];
	s2 =	stileid.u32  }
0x45: {  	s1 =	rddreg [dreg:$0x1];
	p0 =	sne.s32 s2, $0x0  }
0x46: {  	s3 =	rddreg [dreg:$0x2];
	[bflag:$0x3] =	sbarrier.arrive $0xFFFF;
	s2 =	simm.s32 @!p0 $0x1C01  }
0x47: {  	[timem:s3], [sflag:s2] =	dma.local @!p0 [hbm:s0], s1  }
0x48: {  	s0 =	simm.s32 @!p0 $0x1  }
0x49: {  	_ =	swait.ge @!p0 [sflag:s0], s1  }
0x4a: {  	s1 =	ssub.s32 @!p0 $0x0, s1;
	[sflag:s0] =	ssyncset.done @!p0 $0x0  }
0x4b: {  	[sflag:s0] =	ssyncadd.s32 @!p0 s1  }
0x4c: {  	[bflag:$0x3] =	sbarrier.arrive $0xFFFF  }
0x4d: {  	_ =	shalt  }

// kernel: sparse-core-data-format-call.5.cloned.1.call-start
scs
called_computation.5_lowered:
.L_overlay_start_0:
0x0: {  	s1 =	sld [smem:$0x3FD9]  }
0x1: {  	s2 =	sld [smem:$0x3FFE];
	_ =	sdelay $0x1  }
0x2: {  	s3 =	srdreg.scid  }
0x3: {  	s0 =	sand.u32 $0x1, s3  }
0x4: {  	s17 =	sshll.u32 s0, $0xA;
	s1 =	sadd.s32 s2, s1  }
0x5: {  	s1 =	sadd.s32 s1, s17  }
0x6: {  	[smem:$0x3FB1] =	sst s1  }
0x7: {  	_ = 	snop  }
0x8: {  	(tm) =	ssettm $0x1  }
0x9: {  	s18 =	sld [smem:$0x3FFB];
	_ =	sdelay $0x3  }
0xa: {  	_ =	strace s18  }
0xb: {  	s1 =	sld [smem:$0x3FFC];
	_ =	sdelay $0x3  }
0xc: {  	_ =	strace s1  }
0xd: {  	s1 =	sld [smem:$0x3FFD];
	_ =	sdelay $0x3  }
0xe: {  	_ =	strace s1  }
0xf: {  	_ =	strace $0x8FFFFFFF  }
0x10: {  	s19 =	sld [smem:$0x3FDB];
	_ =	sdelay $0x1  }
0x11: {  	s20 =	simm.s32 $_scs_section_size  }
0x12: {  	s4 =	simm.s32 $_size__tile_overlayer_lowered;
	s5 =	simm.s32 $_tile_overlayer_lowered  }
0x13: {  	s23 =	simm.s32 $0x1BFF;
	s22 =	sshll.u32 s5, $0x1;
	s1 =	sadd.s32 s20, s19  }
0x14: {  	s6 =	simm.s32 $0x0;
	s21 =	sshll.u32 s4, $0x1;
	s4 =	sadd.s32 s22, s1  }
0x15: {  	[timem:s6], [sflag:s23] =	dma.local [hbm:s4], s21  }
0x16: {  	_ =	swait.ge [sflag:s23], s21  }
0x17: {  	s2 =	ssub.s32 $0x0, s21;
	[sflag:s23] =	ssyncset.done $0x0  }
0x18: {  	[sflag:s23] =	ssyncadd.s32 s2;
	_ =	sdelay $0x1  }
0x19: {  	s24 =	simm.s32 $0x1B8B  }
0x1a: {  	_ =	swait.ge [sflag:s24], $0x1  }
0x1b: {  	[sflag:s24] =	ssyncset.done $0x0  }
0x1c: {  	s26 =	simm.s32 $0x1B8E;
	s25 =	sld [smem:$0x3FFE];
	[sflag:s24] =	ssyncadd.s32 $0xFFFFFFFF  }
0x1d: {  	s27 =	simm.s32 $execute0_lowered;
	[smem:$0x3FD2] =	sst s26  }
0x1e: {  	s4 =	sshll.u32 s27, $0x1;
	_ =	strace $0x8000004C;
	[dreg:$0x1] =	wrdreg $0xFFFFFFFF  }
0x1f: {  	s28 =	simm.s32 $_size_execute0_lowered;
	s1 =	sadd.s32 s1, s4;
	[dreg:$0x0] =	wrdreg $0x0  }
0x20: {  	s4 =	sshll.u32 s28, $0x1;
	[dreg:$0x2] =	wrdreg s1  }
0x21: {  	[dreg:$0x3] =	wrdreg s4  }
0x22: {  	[dreg:$0x4] =	wrdreg $0xC0  }
0x23: {  	_ =	task [dreg:s6], $0x5FFFF  }
0x24: {  	[dreg:$0x1] =	wrdreg $0xFFFFFFFF  }
0x25: {  	[dreg:$0x0] =	wrdreg $0x60  }
0x26: {  	[dreg:$0x2] =	wrdreg s25  }
0x27: {  	[dreg:$0x3] =	wrdreg $0x9  }
0x28: {  	_ =	task.clear_ibuf [dreg:s6], $0x4FFFF;
	_ =	strace $0x9000004C  }
0x29: {  	s29 =	simm.s32 $0x9;
	_ =	strace $0x8000004E  }
0x2a: {  	_ =	swait.ge [sflag:s29], $0x1  }
0x2b: {  	[sflag:s29] =	ssyncadd.s32 $0xFFFFFFFF  }
0x2c: {  	_ =	strace $0x9000004E  }
0x2d: {  	_ =	sfence  }
0x2e: {  	s30 =	sld [smem:$0x0];
	_ =	sdelay $0x2  }
0x2f: {  	s31 =	sshll.u32 s3, $0xD;
	s3 =	sshrl.u32 s3, $0x2  }
0x30: {  	s2 =	sand.u32 $0x4000, s31;
	s1 =	sadd.s32 s3, s30  }
0x31: {  	s0 =	sor.u32 s2, s0;
	s1 =	sshll.u32 s1, $0x11  }
0x32: {  	s0 =	sor.u32 s1, s0  }
0x33: {  	s0 =	sadd.s32 $0x8F2B, s0  }
0x34: {  	[sflag:s0] =	ssyncadd.remote.s32 $0x1  }
0x35: {  	_ =	sfence.sel $0xFFFF  }
0x36: {  	[dreg:$0x0] =	wrdreg $0xFFFFFFFF;
	(pc) =	sbr.abs _section_cstart, $3  }
0x37: {  	[dreg:$0x1] =	wrdreg $0xFFFFFFFF  }
0x38: {  	_ =	task.clear_ibuf [dreg:s6], $0x2FFFF;
	_ =	strace $0x9FFFFFFF  }
0x39: {  	(tm) =	ssettm $0x7FFFFFFF  }
tec
execute0_lowered:
.L_overlay_start_1:
0x0: {  	(tag) =	ssettag $0x1  }
0x1: {  	s1 =	srdreg.scid  }
0x2: {  	s0 =	stileid.u32;
	s4 =	rddreg [dreg:$0x0];
	s31 =	simm.s32 $0x2  }
0x3: {  	s13 =	simm.s32 $0x0;
	s9 =	simm.s32 $0x20;
	s10 =	simm.s32 $0x80  }
0x4: {  	s14 =	simm.s32 $0x0;
	s1 =	sshll.u32 s1, $0x4;
	s2 =	sshll.u32 s0, $0x9  }
0x5: {  	s12 =	simm.s32 $0x0;
	s1 =	sand.u32 $0x10, s1;
	s2 =	sand.u32 $0x600, s2  }
0x6: {  	s3 =	sor.u32 s0, s1;
	s1 =	rddreg [dreg:$0x1];
	s5 =	ssub.s32 $0xD000, s2  }
0x7: {  	_ =	strace $0x8000004D;
	s3 =	sshrl.u32 s3, $0x2;
	s7 =	sand.u32 $0x600, s5  }
0x8: {  	s11 =	smov.u32 s2;
	s6 =	sshll.u32 s3, $0x4;
	p0 =	sne.s32 s7, $0x0  }
.Ltmp0:
0x9: {  	s8 =	sadd.s32 s6, s4;
	s6 =	simm.s32 $0x1;
	(pc) =	sbr.rel .LBB1_1-.Ltmp0, $4  }
0xa: {  	s30 =	sshrl.u32 s5, $0xB;
	s5 =	simm.s32 $0x1;
	s6 =	simm.s32 @!p0 $0x0  }
0xb: {  	[sflag:s5] =	ssyncpa.u1 $0x0;
	p0 =	seq.s32 s3, $0x7;
	s6 =	sadd.s32 s6, s30  }
0xc: {  	s4 =	sadd.s32 $0x292600, s4;
	[sflag:s31] =	ssyncpa.u1 $0x0;
	s6 =	simm.s32 @p0 $0x0  }
0xd: {  	s7 =	sadd.s32 $0x912E00, s8;
	p0 =	por $0x0, $0x0;
	s8 =	sadd.s32 $0x1, s6  }
.LBB1_4:
0xe: {  	s14 =	sand.u32 $0x1FFFFFF, s14  }
0xf: {  	s17 =	smulhi.u32 $0x2762763, s14;
	_ =	sdelay $0x1  }
0x10: {  	s17 =	sshrl.u32 s17, $0x9  }
0x11: {  	s17 =	smul.u32 $0xD000, s17  }
0x12: {  	s13 =	smul.u32 $0xD0000, s13  }
0x13: {  	s14 =	ssub.s32 s14, s17  }
0x14: {  	[tilespmem:v0+s15+$0x10 ss:$0x1] =	vst.idx.msk $0xffff, v2;
	s13 =	sadd.s32 s4, s13;
	s14 =	sshll.u32 s14, $0x4  }
0x15: {  	[tilespmem:v0+s15+$0x0 ss:$0x1] =	vst.idx.msk $0xffff, v3;
	s13 =	sadd.s32 s14, s13  }
0x16: {  	[hbm4b:s13+s9] =	stream.strided.scatter [tilespmem:s16], [sflag:$0x2], $0x4000, s10, s9, $0x38;
	[tilespmem:$0x10000] =	vst v63  }
.LBB1_5:
0x17: {  	s15 =	sadd.s32 $0x800, s11  }
0x18: {  	p2 =	sgt.s32 s15, $0xCFFF  }
0x19: {  	s15 =	smov.u32 @p2 s2;
	p2 =	sne.s32 s12, s8  }
.Ltmp1:
0x1a: {  	p1 =	slt.u32 s12, $0x2;
	(pc) =	sbr.rel @!p2 .LBB1_6-.Ltmp1, $4  }
0x1b: {  	s13 =	simm.s32 @!p1 $0x2  }
0x1c: {  	s16 =	sadd.s32 $0x1, s12;
	s14 =	smov.u32 s11;
	_ =	swait.ge @!p1 [sflag:s13], $0x4000  }
0x1d: {  	p0 =	por !p0, !p0;
	s12 =	smov.u32 s16;
	[sflag:s13] =	ssyncset.done @!p1 $0x0  }
0x1e: {  	s11 =	smov.u32 s15;
	[sflag:s13] =	ssyncadd.s32 @!p1 $0xFFFFC000;
	s13 =	smov.u32 s3  }
.LBB1_1:
0x1f: {  	p1 =	sge.u32 s12, s6  }
0x20: {  	s31 =	sadd.s32 $0xFFFFFFFF, s12;
	s15 =	sxor.u32 @!p1 $0xFFFFFFFF, s12  }
0x21: {  	s16 =	sshll.u32 @!p1 s11, $0x7;
	s17 =	simm.s32 @!p1 $0x20;
	s15 =	sshll.u32 @!p1 s15, $0xE  }
0x22: {  	s18 =	simm.s32 @!p1 $0x400;
	s16 =	sadd.s32 @!p1 s16, s7;
	s15 =	sand.u32 @!p1 $0x4000, s15  }
0x23: {  	[tilespmem:s15], [sflag:$0x1] =	stream.strided.gather @!p1 [hbm4b:s16+s17], $0x4000, s18, s17, $0x38;
	[tilespmem:$0x10000] =	vst v63  }
0x24: {  	p1 =	sge.u32 s31, s6  }
.Ltmp2:
0x25: {  	_ = 	snop;
	(pc) =	sbr.rel @p1 .LBB1_5-.Ltmp2, $1  }
0x26: {  	_ =	sdelay $0x3  }
0x27: {  	s15 =	simm.s32 $0x1  }
0x28: {  	s15 =	simm.s32 @!p0 $0x0  }
0x29: {  	s16 =	sshll.u32 s15, $0xE  }
0x2a: {  	v1 =	vmov s16;
	_ =	sdelay $0x1  }
0x2b: {  	_ =	swait.ge [sflag:s5], $0x4000  }
0x2c: {  	[sflag:s5] =	ssyncset.done $0x0  }
0x2d: {  	s17 =	sshll.u32 s12, $0xE;
	[sflag:s5] =	ssyncadd.s32 $0xFFFFC000;
	s15 =	simm.s32 $0x0  }
0x2e: {  	s31 =	sand.u32 $0x4000, s17;
	s18 =	sor.u32 $0x8000, s16;
	v2 =	vld.idx.msk [tilespmem:v1+s15+$0x10 ss:$0x1], $0xffff  }
0x2f: {  	s17 =	simm.s32 $0x80;
	s16 =	sor.u32 $0x8000, s31;
	v0 =	vmov s18;
	v3 =	vld.idx.msk [tilespmem:v1+s15+$0x0 ss:$0x1], $0xffff  }
.LBB1_3:
0x30: {  	p1 =	sne.s32 s17, $0xFF80  }
.Ltmp3:
0x31: {  	_ = 	snop;
	(pc) =	sbr.rel @p1 .LBB1_3-.Ltmp3, $4  }
0x32: {  	_ = 	snop  }
0x33: {  	s18 =	sshra.s32 s17, $0x2;
	s17 =	sadd.s32 $0x80, s17  }
0x34: {  	[tilespmem:v0+s15+$0x10 ss:$0x1] =	vst.idx.msk $0xffff, v2;
	v2 =	vld.idx.msk [tilespmem:v1+s18+$0x10 ss:$0x1], $0xffff  }
0x35: {  	[tilespmem:v0+s15+$0x0 ss:$0x1] =	vst.idx.msk $0xffff, v3;
	v3 =	vld.idx.msk [tilespmem:v1+s18+$0x0 ss:$0x1], $0xffff;
	s15 =	smov.u32 s18  }
.Ltmp4:
0x36: {  	_ = 	snop;
	(pc) =	sbr.rel .LBB1_4-.Ltmp4, $1  }
0x37: {  	_ =	sdelay $0x3  }
.LBB1_6:
0x38: {  	_ =	sfence.sel $0x180000  }
0x39: {  	s2 =	simm.s32 $0x1;
	[bflag:$0x0] =	sbarrier.arrive $0xFFFF  }
0x3a: {  	s31 =	simm.s32 $0x2;
	[sflag:s2] =	ssyncpa.u1 $0x1  }
0x3b: {  	[sflag:s31] =	ssyncpa.u1 $0x1  }
0x3c: {  	p0 =	sne.s32 s0, $0x0;
	_ =	strace $0x9000004D  }
0x3d: {  	s0 =	sadd.s32 @!p0 $0x100000, s1;
	[bflag:$0x2] =	sbarrier.arrive $0xFFFF  }
0x3e: {  	[sflag:s0] =	ssyncadd.tile.s32 @!p0 $0x1;
	_ =	shalt  }
.Lfunc_end1:
_tile_overlayer_lowered:
.L_overlay_start_2:
0x3f: {  	(tag) =	ssettag $0x2  }
0x40: {  	s0 =	rddreg [dreg:$0x0];
	s2 =	stileid.u32  }
0x41: {  	s1 =	rddreg [dreg:$0x1];
	p0 =	sne.s32 s2, $0x0  }
0x42: {  	s3 =	rddreg [dreg:$0x2];
	[bflag:$0x3] =	sbarrier.arrive $0xFFFF;
	s2 =	simm.s32 @!p0 $0x1C01  }
0x43: {  	[timem:s3], [sflag:s2] =	dma.local @!p0 [hbm:s0], s1  }
0x44: {  	s0 =	simm.s32 @!p0 $0x1  }
0x45: {  	_ =	swait.ge @!p0 [sflag:s0], s1  }
0x46: {  	s1 =	ssub.s32 @!p0 $0x0, s1;
	[sflag:s0] =	ssyncset.done @!p0 $0x0  }
0x47: {  	[sflag:s0] =	ssyncadd.s32 @!p0 s1  }
0x48: {  	[bflag:$0x3] =	sbarrier.arrive $0xFFFF  }
0x49: {  	_ =	shalt  }

// kernel: sparse-core-data-format-call.6.cloned.1.call-start
scs
called_computation.6_lowered:
.L_overlay_start_0:
0x0: {  	s1 =	sld [smem:$0x3FD9]  }
0x1: {  	s2 =	sld [smem:$0x3FFE];
	_ =	sdelay $0x1  }
0x2: {  	s3 =	srdreg.scid  }
0x3: {  	s0 =	sand.u32 $0x1, s3  }
0x4: {  	s17 =	sshll.u32 s0, $0xA;
	s1 =	sadd.s32 s2, s1  }
0x5: {  	s1 =	sadd.s32 s1, s17  }
0x6: {  	[smem:$0x3FB1] =	sst s1  }
0x7: {  	_ = 	snop  }
0x8: {  	(tm) =	ssettm $0x1  }
0x9: {  	s18 =	sld [smem:$0x3FFB];
	_ =	sdelay $0x3  }
0xa: {  	_ =	strace s18  }
0xb: {  	s1 =	sld [smem:$0x3FFC];
	_ =	sdelay $0x3  }
0xc: {  	_ =	strace s1  }
0xd: {  	s1 =	sld [smem:$0x3FFD];
	_ =	sdelay $0x3  }
0xe: {  	_ =	strace s1  }
0xf: {  	_ =	strace $0x8FFFFFFF  }
0x10: {  	s19 =	sld [smem:$0x3FDB];
	_ =	sdelay $0x1  }
0x11: {  	s20 =	simm.s32 $_scs_section_size  }
0x12: {  	s4 =	simm.s32 $_size__tile_overlayer_lowered;
	s5 =	simm.s32 $_tile_overlayer_lowered  }
0x13: {  	s23 =	simm.s32 $0x1BFF;
	s22 =	sshll.u32 s5, $0x1;
	s1 =	sadd.s32 s20, s19  }
0x14: {  	s6 =	simm.s32 $0x0;
	s21 =	sshll.u32 s4, $0x1;
	s4 =	sadd.s32 s22, s1  }
0x15: {  	[timem:s6], [sflag:s23] =	dma.local [hbm:s4], s21  }
0x16: {  	_ =	swait.ge [sflag:s23], s21  }
0x17: {  	s2 =	ssub.s32 $0x0, s21;
	[sflag:s23] =	ssyncset.done $0x0  }
0x18: {  	[sflag:s23] =	ssyncadd.s32 s2;
	_ =	sdelay $0x1  }
0x19: {  	s24 =	simm.s32 $0x1B8B  }
0x1a: {  	_ =	swait.ge [sflag:s24], $0x1  }
0x1b: {  	[sflag:s24] =	ssyncset.done $0x0  }
0x1c: {  	s26 =	simm.s32 $0x1B8E;
	s25 =	sld [smem:$0x3FFE];
	[sflag:s24] =	ssyncadd.s32 $0xFFFFFFFF  }
0x1d: {  	s27 =	simm.s32 $execute0_lowered;
	[smem:$0x3FD2] =	sst s26  }
0x1e: {  	s4 =	sshll.u32 s27, $0x1;
	_ =	strace $0x80000049;
	[dreg:$0x1] =	wrdreg $0xFFFFFFFF  }
0x1f: {  	s28 =	simm.s32 $_size_execute0_lowered;
	s1 =	sadd.s32 s1, s4;
	[dreg:$0x0] =	wrdreg $0x0  }
0x20: {  	s4 =	sshll.u32 s28, $0x1;
	[dreg:$0x2] =	wrdreg s1  }
0x21: {  	[dreg:$0x3] =	wrdreg s4  }
0x22: {  	[dreg:$0x4] =	wrdreg $0xC0  }
0x23: {  	_ =	task [dreg:s6], $0x5FFFF  }
0x24: {  	[dreg:$0x1] =	wrdreg $0xFFFFFFFF  }
0x25: {  	[dreg:$0x0] =	wrdreg $0x60  }
0x26: {  	[dreg:$0x2] =	wrdreg s25  }
0x27: {  	[dreg:$0x3] =	wrdreg $0x9  }
0x28: {  	_ =	task.clear_ibuf [dreg:s6], $0x4FFFF;
	_ =	strace $0x90000049  }
0x29: {  	s29 =	simm.s32 $0x9;
	_ =	strace $0x8000004B  }
0x2a: {  	_ =	swait.ge [sflag:s29], $0x1  }
0x2b: {  	[sflag:s29] =	ssyncadd.s32 $0xFFFFFFFF  }
0x2c: {  	_ =	strace $0x9000004B  }
0x2d: {  	_ =	sfence  }
0x2e: {  	s30 =	sld [smem:$0x0];
	_ =	sdelay $0x2  }
0x2f: {  	s31 =	sshll.u32 s3, $0xD;
	s3 =	sshrl.u32 s3, $0x2  }
0x30: {  	s2 =	sand.u32 $0x4000, s31;
	s1 =	sadd.s32 s3, s30  }
0x31: {  	s0 =	sor.u32 s2, s0;
	s1 =	sshll.u32 s1, $0x11  }
0x32: {  	s0 =	sor.u32 s1, s0  }
0x33: {  	s0 =	sadd.s32 $0x8F2B, s0  }
0x34: {  	[sflag:s0] =	ssyncadd.remote.s32 $0x1  }
0x35: {  	_ =	sfence.sel $0xFFFF  }
0x36: {  	[dreg:$0x0] =	wrdreg $0xFFFFFFFF;
	(pc) =	sbr.abs _section_cstart, $3  }
0x37: {  	[dreg:$0x1] =	wrdreg $0xFFFFFFFF  }
0x38: {  	_ =	task.clear_ibuf [dreg:s6], $0x2FFFF;
	_ =	strace $0x9FFFFFFF  }
0x39: {  	(tm) =	ssettm $0x7FFFFFFF  }
tec
execute0_lowered:
.L_overlay_start_1:
0x0: {  	(tag) =	ssettag $0x1  }
0x1: {  	s0 =	srdreg.scid  }
0x2: {  	s1 =	sshll.u32 s0, $0x4  }
0x3: {  	s0 =	stileid.u32;
	s1 =	sand.u32 $0x10, s1  }
0x4: {  	s6 =	rddreg [dreg:$0x0];
	s1 =	sor.u32 s0, s1  }
0x5: {  	s4 =	simm.s32 $0x1;
	s7 =	simm.s32 $0x2;
	s2 =	sshll.u32 s1, $0x9  }
0x6: {  	s14 =	simm.s32 $0x0;
	s8 =	simm.s32 $0x20;
	s3 =	ssub.s32 $0xC4000, s2  }
0x7: {  	s9 =	simm.s32 $0x400;
	s10 =	simm.s32 $0x0;
	s31 =	sand.u32 $0x3E00, s3  }
0x8: {  	s15 =	simm.s32 $0x0;
	s12 =	simm.s32 $0x0;
	p0 =	sne.s32 s31, $0x0  }
.Ltmp0:
0x9: {  	s3 =	sshrl.u32 s3, $0xE;
	s4 =	simm.s32 @!p0 $0x0;
	(pc) =	sbr.rel .LBB1_1-.Ltmp0, $4  }
0xa: {  	s13 =	simm.s32 $0x0;
	s1 =	rddreg [dreg:$0x1];
	s5 =	sadd.s32 s4, s3  }
0xb: {  	_ =	strace $0x8000004A;
	s4 =	simm.s32 $0x1;
	s5 =	smul.u32 $0x7, s5  }
0xc: {  	s11 =	smov.u32 s2;
	s3 =	sadd.s32 $0x1B12600, s6;
	[sflag:s4] =	ssyncpa.u1 $0x0  }
0xd: {  	s6 =	sadd.s32 $0x7D12600, s6;
	[sflag:s7] =	ssyncpa.u1 $0x0;
	s7 =	sadd.s32 $0x1, s5  }
.LBB1_4:
0xe: {  	_ =	sdelay $0x1  }
0xf: {  	s15 =	sshll.u32 s15, $0x4  }
0x10: {  	s15 =	sand.u32 $0x70, s15  }
0x11: {  	[tilespmem:v1+s16+$0x0 ss:$0x1] =	vst.idx.msk $0xffff, v2;
	s14 =	sshll.u32 s14, $0x7;
	s15 =	sadd.s32 s6, s15  }
0x12: {  	[tilespmem:v1+s16+$0xFFFFFFF0 ss:$0x1] =	vst.idx.msk $0xffff, v3;
	s14 =	sadd.s32 s14, s15  }
0x13: {  	[hbm4b:s14+s8] =	stream.strided.scatter [tilespmem:s17], [sflag:$0x2], $0x4000, s9, s8, $0x38;
	[tilespmem:$0x10000] =	vst v63  }
.LBB1_5:
0x14: {  	s16 =	sadd.s32 $0x4000, s11  }
0x15: {  	s14 =	simm.s32 $0x1;
	p1 =	sgt.s32 s16, $0xC3FFF  }
0x16: {  	s14 =	simm.s32 @!p1 $0x0  }
0x17: {  	s18 =	sadd.s32 s14, s12  }
0x18: {  	s16 =	smov.u32 @p1 s2;
	p1 =	sgt.s32 s18, $0x6  }
0x19: {  	s18 =	simm.s32 @p1 $0x0;
	p1 =	sne.s32 s13, s7  }
.Ltmp1:
0x1a: {  	p0 =	slt.u32 s13, $0x2;
	(pc) =	sbr.rel @!p1 .LBB1_6-.Ltmp1, $4  }
0x1b: {  	s17 =	simm.s32 @!p0 $0x2  }
0x1c: {  	s15 =	smov.u32 s12;
	s10 =	sadd.s32 $0x4000, s10;
	_ =	swait.ge @!p0 [sflag:s17], $0x4000  }
0x1d: {  	[sflag:s17] =	ssyncset.done @!p0 $0x0;
	s14 =	smov.u32 s11;
	s11 =	smov.u32 s16  }
0x1e: {  	[sflag:s17] =	ssyncadd.s32 @!p0 $0xFFFFC000;
	s13 =	sadd.s32 $0x1, s13;
	s12 =	smov.u32 s18  }
.LBB1_1:
0x1f: {  	p0 =	sge.u32 s13, s5  }
0x20: {  	s16 =	sand.u32 @!p0 $0x1FFFFFF, s11  }
0x21: {  	s17 =	smulhi.u32 @!p0 $0x14E5E0B, s16;
	_ =	sdelay $0x1  }
0x22: {  	s17 =	sshrl.u32 @!p0 s17, $0xC  }
0x23: {  	s17 =	smul.u32 @!p0 $0xC4000, s17  }
0x24: {  	s18 =	sxor.u32 @!p0 $0xFFFFFFFF, s13;
	s19 =	smul.u32 @!p0 $0xC40000, s12  }
0x25: {  	s31 =	sadd.s32 $0xFFFFFFFF, s13;
	s18 =	sshll.u32 @!p0 s18, $0xE;
	s16 =	ssub.s32 @!p0 s16, s17  }
0x26: {  	s17 =	sand.u32 @!p0 $0x4000, s18;
	s18 =	sadd.s32 @!p0 s3, s19;
	s16 =	sshll.u32 @!p0 s16, $0x4  }
0x27: {  	s19 =	simm.s32 @!p0 $0x80;
	s16 =	sadd.s32 @!p0 s16, s18;
	s18 =	simm.s32 @!p0 $0x20  }
0x28: {  	[tilespmem:s17], [sflag:$0x1] =	stream.strided.gather @!p0 [hbm4b:s16+s18], $0x4000, s19, s18, $0x38;
	[tilespmem:$0x10000] =	vst v63  }
0x29: {  	p0 =	sge.u32 s31, s5  }
.Ltmp2:
0x2a: {  	_ = 	snop;
	(pc) =	sbr.rel @p0 .LBB1_5-.Ltmp2, $1  }
0x2b: {  	_ =	sdelay $0x3  }
0x2c: {  	s17 =	sand.u32 $0x4000, s10  }
0x2d: {  	s16 =	sor.u32 $0x10, s17  }
0x2e: {  	v0 =	vmov s16;
	_ =	sdelay $0x1  }
0x2f: {  	_ =	swait.ge [sflag:s4], $0x4000  }
0x30: {  	[sflag:s4] =	ssyncset.done $0x0  }
0x31: {  	s18 =	sshll.u32 s13, $0xE;
	[sflag:s4] =	ssyncadd.s32 $0xFFFFC000;
	s16 =	simm.s32 $0x0  }
0x32: {  	s19 =	sor.u32 $0x8010, s17;
	s31 =	sand.u32 $0x4000, s18;
	v2 =	vld.idx.msk [tilespmem:v0+s16+$0x0 ss:$0x1], $0xffff  }
0x33: {  	s18 =	simm.s32 $0x80;
	s17 =	sor.u32 $0x8000, s31;
	v1 =	vmov s19;
	v3 =	vld.idx.msk [tilespmem:v0+s16+$0xFFFFFFF0 ss:$0x1], $0xffff  }
.LBB1_3:
0x34: {  	p0 =	sne.s32 s18, $0xFF80  }
.Ltmp3:
0x35: {  	_ = 	snop;
	(pc) =	sbr.rel @p0 .LBB1_3-.Ltmp3, $4  }
0x36: {  	_ = 	snop  }
0x37: {  	s19 =	sshra.s32 s18, $0x2;
	s18 =	sadd.s32 $0x80, s18  }
0x38: {  	[tilespmem:v1+s16+$0x0 ss:$0x1] =	vst.idx.msk $0xffff, v2;
	v2 =	vld.idx.msk [tilespmem:v0+s19+$0x0 ss:$0x1], $0xffff  }
0x39: {  	[tilespmem:v1+s16+$0xFFFFFFF0 ss:$0x1] =	vst.idx.msk $0xffff, v3;
	v3 =	vld.idx.msk [tilespmem:v0+s19+$0xFFFFFFF0 ss:$0x1], $0xffff;
	s16 =	smov.u32 s19  }
.Ltmp4:
0x3a: {  	_ = 	snop;
	(pc) =	sbr.rel .LBB1_4-.Ltmp4, $1  }
0x3b: {  	_ =	sdelay $0x3  }
.LBB1_6:
0x3c: {  	_ =	sfence.sel $0x180000  }
0x3d: {  	s2 =	simm.s32 $0x1;
	[bflag:$0x0] =	sbarrier.arrive $0xFFFF  }
0x3e: {  	s31 =	simm.s32 $0x2;
	[sflag:s2] =	ssyncpa.u1 $0x1  }
0x3f: {  	[sflag:s31] =	ssyncpa.u1 $0x1  }
0x40: {  	p0 =	sne.s32 s0, $0x0;
	_ =	strace $0x9000004A  }
0x41: {  	s0 =	sadd.s32 @!p0 $0x100000, s1;
	[bflag:$0x2] =	sbarrier.arrive $0xFFFF  }
0x42: {  	[sflag:s0] =	ssyncadd.tile.s32 @!p0 $0x1;
	_ =	shalt  }
.Lfunc_end1:
_tile_overlayer_lowered:
.L_overlay_start_2:
0x43: {  	(tag) =	ssettag $0x2  }
0x44: {  	s0 =	rddreg [dreg:$0x0];
	s2 =	stileid.u32  }
0x45: {  	s1 =	rddreg [dreg:$0x1];
	p0 =	sne.s32 s2, $0x0  }
0x46: {  	s3 =	rddreg [dreg:$0x2];
	[bflag:$0x3] =	sbarrier.arrive $0xFFFF;
	s2 =	simm.s32 @!p0 $0x1C01  }
0x47: {  	[timem:s3], [sflag:s2] =	dma.local @!p0 [hbm:s0], s1  }
0x48: {  	s0 =	simm.s32 @!p0 $0x1  }
0x49: {  	_ =	swait.ge @!p0 [sflag:s0], s1  }
0x4a: {  	s1 =	ssub.s32 @!p0 $0x0, s1;
	[sflag:s0] =	ssyncset.done @!p0 $0x0  }
0x4b: {  	[sflag:s0] =	ssyncadd.s32 @!p0 s1  }
0x4c: {  	[bflag:$0x3] =	sbarrier.arrive $0xFFFF  }
0x4d: {  	_ =	shalt  }

// kernel: sparse-core-data-format-call.cloned.1.call-start
scs
called_computation_lowered:
.L_overlay_start_0:
0x0: {  	s1 =	sld [smem:$0x3FD9]  }
0x1: {  	s2 =	sld [smem:$0x3FFE];
	_ =	sdelay $0x1  }
0x2: {  	s3 =	srdreg.scid  }
0x3: {  	s0 =	sand.u32 $0x1, s3  }
0x4: {  	s17 =	sshll.u32 s0, $0xA;
	s1 =	sadd.s32 s2, s1  }
0x5: {  	s1 =	sadd.s32 s1, s17  }
0x6: {  	[smem:$0x3FB1] =	sst s1  }
0x7: {  	_ = 	snop  }
0x8: {  	(tm) =	ssettm $0x1  }
0x9: {  	s18 =	sld [smem:$0x3FFB];
	_ =	sdelay $0x3  }
0xa: {  	_ =	strace s18  }
0xb: {  	s1 =	sld [smem:$0x3FFC];
	_ =	sdelay $0x3  }
0xc: {  	_ =	strace s1  }
0xd: {  	s1 =	sld [smem:$0x3FFD];
	_ =	sdelay $0x3  }
0xe: {  	_ =	strace s1  }
0xf: {  	_ =	strace $0x8FFFFFFF  }
0x10: {  	s19 =	sld [smem:$0x3FDB];
	_ =	sdelay $0x1  }
0x11: {  	s20 =	simm.s32 $_scs_section_size  }
0x12: {  	s4 =	simm.s32 $_size__tile_overlayer_lowered;
	s5 =	simm.s32 $_tile_overlayer_lowered  }
0x13: {  	s23 =	simm.s32 $0x1BFF;
	s22 =	sshll.u32 s5, $0x1;
	s1 =	sadd.s32 s20, s19  }
0x14: {  	s6 =	simm.s32 $0x0;
	s21 =	sshll.u32 s4, $0x1;
	s4 =	sadd.s32 s22, s1  }
0x15: {  	[timem:s6], [sflag:s23] =	dma.local [hbm:s4], s21  }
0x16: {  	_ =	swait.ge [sflag:s23], s21  }
0x17: {  	s2 =	ssub.s32 $0x0, s21;
	[sflag:s23] =	ssyncset.done $0x0  }
0x18: {  	[sflag:s23] =	ssyncadd.s32 s2;
	_ =	sdelay $0x1  }
0x19: {  	s24 =	simm.s32 $0x1B8B  }
0x1a: {  	_ =	swait.ge [sflag:s24], $0x1  }
0x1b: {  	[sflag:s24] =	ssyncset.done $0x0  }
0x1c: {  	s26 =	simm.s32 $0x1B8E;
	s25 =	sld [smem:$0x3FFE];
	[sflag:s24] =	ssyncadd.s32 $0xFFFFFFFF  }
0x1d: {  	s27 =	simm.s32 $execute0_lowered;
	[smem:$0x3FD2] =	sst s26  }
0x1e: {  	s4 =	sshll.u32 s27, $0x1;
	_ =	strace $0x80000061;
	[dreg:$0x1] =	wrdreg $0xFFFFFFFF  }
0x1f: {  	s28 =	simm.s32 $_size_execute0_lowered;
	s1 =	sadd.s32 s1, s4;
	[dreg:$0x0] =	wrdreg $0x0  }
0x20: {  	s4 =	sshll.u32 s28, $0x1;
	[dreg:$0x2] =	wrdreg s1  }
0x21: {  	[dreg:$0x3] =	wrdreg s4  }
0x22: {  	[dreg:$0x4] =	wrdreg $0xC0  }
0x23: {  	_ =	task [dreg:s6], $0x5FFFF  }
0x24: {  	[dreg:$0x1] =	wrdreg $0xFFFFFFFF  }
0x25: {  	[dreg:$0x0] =	wrdreg $0x60  }
0x26: {  	[dreg:$0x2] =	wrdreg s25  }
0x27: {  	[dreg:$0x3] =	wrdreg $0x9  }
0x28: {  	_ =	task.clear_ibuf [dreg:s6], $0x4FFFF;
	_ =	strace $0x90000061  }
0x29: {  	s29 =	simm.s32 $0x9;
	_ =	strace $0x80000063  }
0x2a: {  	_ =	swait.ge [sflag:s29], $0x1  }
0x2b: {  	[sflag:s29] =	ssyncadd.s32 $0xFFFFFFFF  }
0x2c: {  	_ =	strace $0x90000063  }
0x2d: {  	_ =	sfence  }
0x2e: {  	s30 =	sld [smem:$0x0];
	_ =	sdelay $0x2  }
0x2f: {  	s31 =	sshll.u32 s3, $0xD;
	s3 =	sshrl.u32 s3, $0x2  }
0x30: {  	s2 =	sand.u32 $0x4000, s31;
	s1 =	sadd.s32 s3, s30  }
0x31: {  	s0 =	sor.u32 s2, s0;
	s1 =	sshll.u32 s1, $0x11  }
0x32: {  	s0 =	sor.u32 s1, s0  }
0x33: {  	s0 =	sadd.s32 $0x8F2B, s0  }
0x34: {  	[sflag:s0] =	ssyncadd.remote.s32 $0x1  }
0x35: {  	_ =	sfence.sel $0xFFFF  }
0x36: {  	[dreg:$0x0] =	wrdreg $0xFFFFFFFF;
	(pc) =	sbr.abs _section_cstart, $3  }
0x37: {  	[dreg:$0x1] =	wrdreg $0xFFFFFFFF  }
0x38: {  	_ =	task.clear_ibuf [dreg:s6], $0x2FFFF;
	_ =	strace $0x9FFFFFFF  }
0x39: {  	(tm) =	ssettm $0x7FFFFFFF  }
tec
execute0_lowered:
.L_overlay_start_1:
0x0: {  	(tag) =	ssettag $0x1  }
0x1: {  	s0 =	stileid.u32;
	s1 =	srdreg.scid  }
0x2: {  	s7 =	rddreg [dreg:$0x0];
	s6 =	simm.s32 $0x1;
	s31 =	simm.s32 $0x2  }
0x3: {  	s14 =	simm.s32 $0x0;
	s2 =	sshll.u32 s0, $0x6;
	s1 =	sshll.u32 s1, $0xA  }
0x4: {  	s9 =	simm.s32 $0x20;
	s10 =	simm.s32 $0x400;
	s1 =	sor.u32 s2, s1  }
0x5: {  	s15 =	simm.s32 $0x0;
	s3 =	sadd.s32 $0x292600, s7;
	s2 =	sand.u32 $0x600, s1  }
0x6: {  	s13 =	simm.s32 $0x0;
	s7 =	sadd.s32 $0x842600, s7;
	s5 =	ssub.s32 $0xD000, s2  }
0x7: {  	s1 =	rddreg [dreg:$0x1];
	_ =	strace $0x80000062;
	s4 =	sand.u32 $0x600, s5  }
.Ltmp0:
0x8: {  	s8 =	sshrl.u32 s5, $0xB;
	p0 =	sne.s32 s4, $0x0;
	(pc) =	sbr.rel .LBB1_1-.Ltmp0, $4  }
0x9: {  	s5 =	simm.s32 $0x1;
	s4 =	sand.u32 $0x7, s0;
	s6 =	simm.s32 @!p0 $0x0  }
0xa: {  	[sflag:s5] =	ssyncpa.u1 $0x0;
	p0 =	seq.s32 s4, $0x7;
	s6 =	sadd.s32 s6, s8  }
0xb: {  	s11 =	smov.u32 s2;
	[sflag:s31] =	ssyncpa.u1 $0x0;
	s6 =	simm.s32 @p0 $0x0  }
0xc: {  	s12 =	smov.u32 s4;
	p0 =	por $0x0, $0x0;
	s8 =	sadd.s32 $0x1, s6  }
.LBB1_4:
0xd: {  	_ =	sdelay $0x1  }
0xe: {  	s15 =	sshll.u32 s15, $0x4  }
0xf: {  	s15 =	sand.u32 $0x70, s15  }
0x10: {  	[tilespmem:v1+s16+$0x0 ss:$0x1] =	vst.idx.msk $0xffff, v2;
	s14 =	sshll.u32 s14, $0x7;
	s15 =	sadd.s32 s7, s15  }
0x11: {  	[tilespmem:v1+s16+$0xFFFFFFF0 ss:$0x1] =	vst.idx.msk $0xffff, v3;
	s14 =	sadd.s32 s14, s15  }
0x12: {  	[hbm4b:s14+s9] =	stream.strided.scatter [tilespmem:s17], [sflag:$0x2], $0x4000, s10, s9, $0x38;
	[tilespmem:$0x10000] =	vst v63  }
.LBB1_5:
0x13: {  	s16 =	sadd.s32 $0x800, s11  }
0x14: {  	s14 =	sadd.s32 $0x8, s12;
	s18 =	smov.u32 s12;
	p2 =	sgt.s32 s16, $0xCFFF  }
0x15: {  	s18 =	smov.u32 @p2 s14  }
0x16: {  	s16 =	smov.u32 @p2 s2;
	p2 =	sgt.s32 s18, $0x6  }
0x17: {  	s18 =	smov.u32 @p2 s4;
	p2 =	sne.s32 s13, s8  }
.Ltmp1:
0x18: {  	p1 =	slt.u32 s13, $0x2;
	(pc) =	sbr.rel @!p2 .LBB1_6-.Ltmp1, $4  }
0x19: {  	s17 =	simm.s32 @!p1 $0x2  }
0x1a: {  	s15 =	smov.u32 s12;
	p0 =	por !p0, !p0;
	_ =	swait.ge @!p1 [sflag:s17], $0x4000  }
0x1b: {  	s14 =	smov.u32 s11;
	[sflag:s17] =	ssyncset.done @!p1 $0x0;
	s11 =	smov.u32 s16  }
0x1c: {  	s13 =	sadd.s32 $0x1, s13;
	[sflag:s17] =	ssyncadd.s32 @!p1 $0xFFFFC000;
	s12 =	smov.u32 s18  }
.LBB1_1:
0x1d: {  	p1 =	sge.u32 s13, s6  }
0x1e: {  	s16 =	sand.u32 @!p1 $0x1FFFFFF, s11  }
0x1f: {  	s17 =	smulhi.u32 @!p1 $0x2762763, s16;
	_ =	sdelay $0x1  }
0x20: {  	s17 =	sshrl.u32 @!p1 s17, $0x9  }
0x21: {  	s17 =	smul.u32 @!p1 $0xD000, s17  }
0x22: {  	s18 =	sxor.u32 @!p1 $0xFFFFFFFF, s13;
	s19 =	smul.u32 @!p1 $0xD0000, s12  }
0x23: {  	s31 =	sadd.s32 $0xFFFFFFFF, s13;
	s18 =	sshll.u32 @!p1 s18, $0xE;
	s16 =	ssub.s32 @!p1 s16, s17  }
0x24: {  	s17 =	sand.u32 @!p1 $0x4000, s18;
	s18 =	sadd.s32 @!p1 s3, s19;
	s16 =	sshll.u32 @!p1 s16, $0x4  }
0x25: {  	s19 =	simm.s32 @!p1 $0x80;
	s16 =	sadd.s32 @!p1 s16, s18;
	s18 =	simm.s32 @!p1 $0x20  }
0x26: {  	[tilespmem:s17], [sflag:$0x1] =	stream.strided.gather @!p1 [hbm4b:s16+s18], $0x4000, s19, s18, $0x38;
	[tilespmem:$0x10000] =	vst v63  }
0x27: {  	p1 =	sge.u32 s31, s6  }
.Ltmp2:
0x28: {  	_ = 	snop;
	(pc) =	sbr.rel @p1 .LBB1_5-.Ltmp2, $1  }
0x29: {  	_ =	sdelay $0x3  }
0x2a: {  	s16 =	simm.s32 $0x1  }
0x2b: {  	s16 =	simm.s32 @!p0 $0x0  }
0x2c: {  	s17 =	sshll.u32 s16, $0xE  }
0x2d: {  	s16 =	sor.u32 $0x10, s17  }
0x2e: {  	v0 =	vmov s16;
	_ =	sdelay $0x1  }
0x2f: {  	_ =	swait.ge [sflag:s5], $0x4000  }
0x30: {  	[sflag:s5] =	ssyncset.done $0x0  }
0x31: {  	s18 =	sshll.u32 s13, $0xE;
	[sflag:s5] =	ssyncadd.s32 $0xFFFFC000;
	s16 =	simm.s32 $0x0  }
0x32: {  	s31 =	sand.u32 $0x4000, s18;
	s19 =	sor.u32 $0x8010, s17;
	v2 =	vld.idx.msk [tilespmem:v0+s16+$0x0 ss:$0x1], $0xffff  }
0x33: {  	s18 =	simm.s32 $0x80;
	s17 =	sor.u32 $0x8000, s31;
	v1 =	vmov s19;
	v3 =	vld.idx.msk [tilespmem:v0+s16+$0xFFFFFFF0 ss:$0x1], $0xffff  }
.LBB1_3:
0x34: {  	p1 =	sne.s32 s18, $0xFF80  }
.Ltmp3:
0x35: {  	_ = 	snop;
	(pc) =	sbr.rel @p1 .LBB1_3-.Ltmp3, $4  }
0x36: {  	_ = 	snop  }
0x37: {  	s19 =	sshra.s32 s18, $0x2;
	s18 =	sadd.s32 $0x80, s18  }
0x38: {  	[tilespmem:v1+s16+$0x0 ss:$0x1] =	vst.idx.msk $0xffff, v2;
	v2 =	vld.idx.msk [tilespmem:v0+s19+$0x0 ss:$0x1], $0xffff  }
0x39: {  	[tilespmem:v1+s16+$0xFFFFFFF0 ss:$0x1] =	vst.idx.msk $0xffff, v3;
	v3 =	vld.idx.msk [tilespmem:v0+s19+$0xFFFFFFF0 ss:$0x1], $0xffff;
	s16 =	smov.u32 s19  }
.Ltmp4:
0x3a: {  	_ = 	snop;
	(pc) =	sbr.rel .LBB1_4-.Ltmp4, $1  }
0x3b: {  	_ =	sdelay $0x3  }
.LBB1_6:
0x3c: {  	_ =	sfence.sel $0x180000  }
0x3d: {  	s2 =	simm.s32 $0x1;
	[bflag:$0x0] =	sbarrier.arrive $0xFFFF  }
0x3e: {  	s31 =	simm.s32 $0x2;
	[sflag:s2] =	ssyncpa.u1 $0x1  }
0x3f: {  	[sflag:s31] =	ssyncpa.u1 $0x1  }
0x40: {  	p0 =	sne.s32 s0, $0x0;
	_ =	strace $0x90000062  }
0x41: {  	s0 =	sadd.s32 @!p0 $0x100000, s1;
	[bflag:$0x2] =	sbarrier.arrive $0xFFFF  }
0x42: {  	[sflag:s0] =	ssyncadd.tile.s32 @!p0 $0x1;
	_ =	shalt  }
.Lfunc_end1:
_tile_overlayer_lowered:
.L_overlay_start_2:
0x43: {  	(tag) =	ssettag $0x2  }
0x44: {  	s0 =	rddreg [dreg:$0x0];
	s2 =	stileid.u32  }
0x45: {  	s1 =	rddreg [dreg:$0x1];
	p0 =	sne.s32 s2, $0x0  }
0x46: {  	s3 =	rddreg [dreg:$0x2];
	[bflag:$0x3] =	sbarrier.arrive $0xFFFF;
	s2 =	simm.s32 @!p0 $0x1C01  }
0x47: {  	[timem:s3], [sflag:s2] =	dma.local @!p0 [hbm:s0], s1  }
0x48: {  	s0 =	simm.s32 @!p0 $0x1  }
0x49: {  	_ =	swait.ge @!p0 [sflag:s0], s1  }
0x4a: {  	s1 =	ssub.s32 @!p0 $0x0, s1;
	[sflag:s0] =	ssyncset.done @!p0 $0x0  }
0x4b: {  	[sflag:s0] =	ssyncadd.s32 @!p0 s1  }
0x4c: {  	[bflag:$0x3] =	sbarrier.arrive $0xFFFF  }
0x4d: {  	_ =	shalt  }

</sc_bundles>
